<compile_context>
chip_gen: v7x
topology: tpu7x:2x2x1
jax: 0.10.2.dev20260603
libtpu: 0.0.44.dev20260713+nightly
codegen_flags: <defaults>
</compile_context>

<pallas_src>
import functools

import jax
import jax.numpy as jnp
from jax import lax
from jax.experimental import pallas as pl
from jax.experimental.pallas import tpu as pltpu
from jax.experimental.pallas import tpu_sc as plsc

N = 100000
E = 1600000
D_NODE = 32
D_EDGE = 6

W = 128
HALF = N // 2
ACC_ROWS = 50176
TRASH = HALF


def _sc_gather(x_node, idx_flat):
    m = idx_flat.shape[1]
    mesh = plsc.VectorSubcoreMesh(core_axis_name="core", subcore_axis_name="subcore")

    @functools.partial(
        pl.kernel,
        out_type=jax.ShapeDtypeStruct((m, D_NODE), jnp.float32),
        mesh=mesh,
        compiler_params=pltpu.CompilerParams(use_tc_tiling_on_sc=False),
    )
    def k(x_hbm, i_hbm, o_hbm):
        def body(i_vmem, o_vmem):
            pltpu.sync_copy(x_hbm.at[i_vmem.at[0]], o_vmem)

        pltpu.emit_pipeline(
            body,
            grid=(m // W,),
            in_specs=[pl.BlockSpec((1, W), lambda i: (0, i))],
            out_specs=[pl.BlockSpec((W, D_NODE), lambda i: (i, 0))],
            core_axis_name=("core", "subcore"),
            dimension_semantics=(pltpu.PARALLEL,),
        )(i_hbm, o_hbm)

    return k(x_node, idx_flat)


def _tc_mlp(gp, xe_p, w1d, w1s, w1e, b1e, w2e, b2e, wnd, wnm, b1n, w2n, b2n):
    E4 = E // 4
    Bq = 2000
    nb = E4 // Bq

    def body(xs_ref, xd_ref, xe_ref, w1d_ref, w1s_ref, w1e_ref, b1e_ref,
             w2e_ref, b2e_ref, wnd_ref, wnm_ref, b1n_ref, w2n_ref, b2n_ref,
             em_ref, nm_ref):
        xs = xs_ref[...]
        xd = xd_ref[...]
        xe = xe_ref[...]
        dot = functools.partial(jnp.dot, preferred_element_type=jnp.float32)
        h = jnp.maximum(
            dot(xd, w1d_ref[...]) + dot(xs, w1s_ref[...]) + dot(xe, w1e_ref[...])
            + b1e_ref[...], 0.0)
        em = jnp.maximum(dot(h, w2e_ref[...]) + b2e_ref[...], 0.0)
        h2 = jnp.maximum(
            dot(xd, wnd_ref[...]) + dot(em, wnm_ref[...]) + b1n_ref[...], 0.0)
        nm = jnp.maximum(dot(h2, w2n_ref[...]) + b2n_ref[...], 0.0)
        em_ref[...] = em
        nm_ref[...] = nm

    full = lambda a: pl.BlockSpec(a.shape, lambda i: (0,) * a.ndim)
    return pl.pallas_call(
        body,
        grid=(nb,),
        in_specs=[
            pl.BlockSpec((Bq, 128), lambda i: (i, 0)),
            pl.BlockSpec((Bq, 128), lambda i: (nb + i, 0)),
            pl.BlockSpec((Bq, 4 * D_EDGE), lambda i: (i, 0)),
            full(w1d), full(w1s), full(w1e), full(b1e),
            full(w2e), full(b2e), full(wnd), full(wnm),
            full(b1n), full(w2n), full(b2n),
        ],
        out_specs=[
            pl.BlockSpec((Bq, 4 * D_EDGE), lambda i: (i, 0)),
            pl.BlockSpec((Bq, 128), lambda i: (i, 0)),
        ],
        out_shape=[
            jax.ShapeDtypeStruct((E4, 4 * D_EDGE), jnp.float32),
            jax.ShapeDtypeStruct((E4, 128), jnp.float32),
        ],
    )(gp, gp, xe_p, w1d, w1s, w1e, b1e, w2e, b2e, wnd, wnm, b1n, w2n, b2n)


def _sc_scatter(node_msg, dst2d, zeros):
    mesh = plsc.VectorSubcoreMesh(core_axis_name="core", subcore_axis_name="subcore")
    rows_per_sub_acc = ACC_ROWS // 16
    rows_per_sub_out = HALF // 16
    @functools.partial(
        pl.kernel,
        out_type=jax.ShapeDtypeStruct((N, D_NODE), jnp.float32),
        mesh=mesh,
        scratch_types=[
            pltpu.VMEM_SHARED((ACC_ROWS, D_NODE), jnp.float32),
            pltpu.VMEM((1, W), jnp.int32),
        ],
        compiler_params=pltpu.CompilerParams(use_tc_tiling_on_sc=False),
    )
    def k(msg_hbm, dst_hbm, z_hbm, nm_hbm, acc, idx_loc):
        core = lax.axis_index("core")
        sub = lax.axis_index("subcore")
        pltpu.sync_copy(
            z_hbm.at[pl.ds(sub * rows_per_sub_acc, rows_per_sub_acc)],
            acc.at[pl.ds(sub * rows_per_sub_acc, rows_per_sub_acc)],
        )
        plsc.subcore_barrier()

        base = core * HALF

        def body(msg_vmem, dst_vmem):
            for kk in range(W // 16):
                v = dst_vmem[0, pl.ds(kk * 16, 16)]
                lo = v - base
                ok = (lo >= 0) & (lo < HALF)
                idx_loc[0, pl.ds(kk * 16, 16)] = jnp.where(ok, lo, TRASH)
            pltpu.sync_copy(msg_vmem, acc.at[idx_loc.at[0]], add=True)

        pltpu.emit_pipeline(
            body,
            grid=(E // W,),
            in_specs=[
                pl.BlockSpec((W, D_NODE), lambda i: (i, 0)),
                pl.BlockSpec((1, W), lambda i: (0, i)),
            ],
            out_specs=[],
            core_axis_name="subcore",
            dimension_semantics=(pltpu.PARALLEL,),
        )(msg_hbm, dst_hbm)
        plsc.subcore_barrier()

        pltpu.sync_copy(
            acc.at[pl.ds(sub * rows_per_sub_out, rows_per_sub_out)],
            nm_hbm.at[pl.ds(base + sub * rows_per_sub_out, rows_per_sub_out)],
        )

    return k(node_msg, dst2d, zeros)


def _blkdiag4(w):
    return jax.scipy.linalg.block_diag(w, w, w, w)


def kernel(x_node, x_edge, edge_index, W1e, b1e, W2e, b2e, W1n, b1n, W2n, b2n):
    E4 = E // 4
    edge_index = edge_index.astype(jnp.int32)
    idx_flat = edge_index.reshape(1, 2 * E)
    g = _sc_gather(x_node, idx_flat)
    gp = g.reshape(2 * E4, 128)

    xe_p = x_edge.reshape(E4, 4 * D_EDGE)

    tile4 = lambda b: jnp.tile(b.reshape(1, -1), (1, 4))
    em_p, nm_p = _tc_mlp(
        gp, xe_p,
        _blkdiag4(W1e[:D_NODE]), _blkdiag4(W1e[D_NODE:2 * D_NODE]),
        _blkdiag4(W1e[2 * D_NODE:]), tile4(b1e),
        _blkdiag4(W2e), tile4(b2e),
        _blkdiag4(W1n[:D_NODE]), _blkdiag4(W1n[D_NODE:]), tile4(b1n),
        _blkdiag4(W2n), tile4(b2n),
    )

    em = em_p.reshape(E, D_EDGE)
    node_msg = nm_p.reshape(E, D_NODE)
    dst2d = edge_index[1].reshape(1, E)
    zeros = jnp.zeros((ACC_ROWS, D_NODE), jnp.float32)
    nm = _sc_scatter(node_msg, dst2d, zeros)
    return (nm, em)

# --- scband reference (transcript-rebuilt; emitter-appended) ---
"""Pipeline reference for scband-mpn-19662360281744 (READ-ONLY COPY).

The authoritative reference and input builder live on the scoring server;
editing this copy changes nothing except your own understanding.
"""

import jax, jax.numpy as jnp
import numpy as np

N = 100000
E = 1600000
D_NODE = 32
D_EDGE = 6


def _init_linear(key, fan_in, fan_out):
    kw, kb = jax.random.split(key)
    bound = 1.0 / np.sqrt(fan_in)
    W = jax.random.uniform(kw, (fan_in, fan_out), minval=-bound, maxval=bound, dtype=jnp.float32)
    b = jax.random.uniform(kb, (fan_out,), minval=-bound, maxval=bound, dtype=jnp.float32)
    return W, b


def setup_inputs(seed: int = 0):
    key = jax.random.key(seed)
    ks = jax.random.split(key, 8)
    x_node = jax.random.normal(ks[0], (N, D_NODE), dtype=jnp.float32)
    x_edge = jax.random.normal(ks[1], (E, D_EDGE), dtype=jnp.float32)
    edge_index = jax.random.randint(ks[2], (2, E), 0, N)
    # edge_msg_encoder: Linear(70,32) -> ReLU -> Linear(32,6) -> ReLU
    W1e, b1e = _init_linear(ks[3], 70, 32)
    W2e, b2e = _init_linear(ks[4], 32, 6)
    # node_msg_encoder: Linear(38,64) -> ReLU -> Linear(64,32) -> ReLU
    W1n, b1n = _init_linear(ks[5], 38, 64)
    W2n, b2n = _init_linear(ks[6], 64, 32)
    return {
        "x_node": x_node,
        "x_edge": x_edge,
        "edge_index": edge_index,
        "W1e": W1e, "b1e": b1e, "W2e": W2e, "b2e": b2e,
        "W1n": W1n, "b1n": b1n, "W2n": W2n, "b2n": b2n,
    }


def reference(x_node, x_edge, edge_index, W1e, b1e, W2e, b2e, W1n, b1n, W2n, b2n):
    src = edge_index[0]
    dst = edge_index[1]
    x_dst = jnp.take(x_node, dst, axis=0)   # edges.dst['x']
    x_src = jnp.take(x_node, src, axis=0)   # edges.src['x']
    # edge message: encoder(cat(dst, src, edata))
    h = jnp.concatenate([x_dst, x_src, x_edge], axis=1)  # [E, 70]
    h = jax.nn.relu(jnp.dot(h, W1e) + b1e)
    em = jax.nn.relu(jnp.dot(h, W2e) + b2e)              # [E, 6]
    # node message: encoder(cat(dst, edge_msg))
    h2 = jnp.concatenate([x_dst, em], axis=1)            # [E, 38]
    h2 = jax.nn.relu(jnp.dot(h2, W1n) + b1n)
    node_msg = jax.nn.relu(jnp.dot(h2, W2n) + b2n)       # [E, 32]
    # reduce: sum over mailbox (all incoming edges of each dst node)
    nm = jax.ops.segment_sum(node_msg, dst, num_segments=N)  # [N, 32]
    return (nm, em)

if __name__ == "__main__":
    import jax
    _d = setup_inputs()
    print(jax.jit(kernel)(*tuple(_d.values())))

</pallas_src>

<mosaic_0001>
#map = affine_map<(d0, d1) -> (0, 0)>
module attributes {stable_mosaic.version = 14 : i64} {
  func.func @k(%arg0: i32, %arg1: i32, %arg2: memref<100000x32xf32, #tpu.memory_space<hbm>>, %arg3: memref<1x3200000xi32, #tpu.memory_space<hbm>>, %arg4: memref<3200000x32xf32, #tpu.memory_space<hbm>>) attributes {dimension_semantics = [#tpu.dimension_semantics<core_parallel>, #tpu.dimension_semantics<subcore_parallel>], iteration_bounds = array<i64: 2, 16>, scalar_prefetch = 0 : i64, scratch_operands = 0 : i64, tpu.core_type = #tpu.core_type<sc_vector_subcore>, window_params = [{transform_indices = #map}, {transform_indices = #map}, {transform_indices = #map}]} {
    %mul3A = arith.constant 1 : i32
    %mul3A_0 = arith.muli %arg1, %mul3A : i32
    %add3A = arith.constant 0 : i32
    %add3A_1 = arith.addi %add3A, %mul3A_0 : i32
    %mul3A_2 = arith.constant 16 : i32
    %mul3A_3 = arith.muli %arg0, %mul3A_2 : i32
    %add3A_4 = arith.addi %add3A_1, %mul3A_3 : i32
    %lt3A = arith.constant 8 : i32
    %lt3A_5 = arith.cmpi slt, %add3A_4, %lt3A : i32
    %jit3A = arith.constant 782 : i32
    %jit3A_6 = arith.constant 781 : i32
    %select_n3A = arith.select %lt3A_5, %jit3A, %jit3A_6 : i32
    %lt3A_7 = arith.constant 8 : i32
    %lt3A_8 = arith.cmpi slt, %add3A_4, %lt3A_7 : i32
    %mul3A_9 = arith.muli %add3A_4, %select_n3A : i32
    %mul3A_10 = arith.constant 781 : i32
    %mul3A_11 = arith.muli %add3A_4, %mul3A_10 : i32
    %add3A_12 = arith.constant 8 : i32
    %add3A_13 = arith.addi %mul3A_11, %add3A_12 : i32
    %select_n3A_14 = arith.select %lt3A_8, %mul3A_9, %add3A_13 : i32
    %mul3A_15 = arith.constant 1 : i32
    %mul3A_16 = arith.muli %mul3A_15, %select_n3A : i32
    "tpu.region"() ({
      %run_scoped3A = memref.alloca() : memref<2x1x128xi32, #tpu.memory_space<vmem>>
      %run_scoped3A_17 = tpu.sem_alloc : memref<2x!tpu.dma_semaphore, #tpu.memory_space<semaphore_mem>>
      %run_scoped3A_18 = memref.alloca() : memref<2x128x32xf32, #tpu.memory_space<vmem>>
      %run_scoped3A_19 = tpu.sem_alloc : memref<2x!tpu.dma_semaphore, #tpu.memory_space<semaphore_mem>>
      %gt3A = arith.constant 0 : i32
      %gt3A_20 = arith.cmpi sgt, %mul3A_16, %gt3A : i32
      %convert_element_type3A = arith.extui %gt3A_20 : i1 to i32
      %cond3A = arith.constant 0 : i32
      %cond3A_21 = arith.cmpi ne, %convert_element_type3A, %cond3A : i32
      scf.if %cond3A_21 {
        %mul3A_22 = arith.constant 1 : i32
        %mul3A_23 = arith.muli %mul3A_22, %select_n3A : i32
        %sub3A = arith.constant 1 : i32
        %sub3A_24 = arith.subi %mul3A_23, %sub3A : i32
        %eq3A = arith.constant 0 : i32
        %eq3A_25 = arith.cmpi eq, %sub3A_24, %eq3A : i32
        %add3A_26 = arith.constant 0 : i32
        %add3A_27 = arith.addi %add3A_26, %select_n3A_14 : i32
        %select_n3A_28 = arith.constant true
        %select_n3A_29 = arith.constant 0 : i32
        %select_n3A_30 = arith.constant -1 : i32
        %select_n3A_31 = arith.select %select_n3A_28, %select_n3A_30, %select_n3A_29 : i32
        %eq3A_32 = arith.constant -1 : i32
        %eq3A_33 = arith.cmpi eq, %select_n3A_31, %eq3A_32 : i32
        %sub3A_34 = arith.constant 1 : i32
        %sub3A_35 = arith.subi %select_n3A, %sub3A_34 : i32
        %select_n3A_36 = arith.select %eq3A_33, %sub3A_35, %select_n3A_31 : i32
        %add3A_37 = arith.addi %select_n3A_36, %select_n3A_14 : i32
        %select_n3A_38 = arith.constant true
        %select_n3A_39 = arith.constant 0 : i32
        %select_n3A_40 = arith.constant 1 : i32
        %select_n3A_41 = arith.select %select_n3A_38, %select_n3A_40, %select_n3A_39 : i32
        %eq3A_42 = arith.cmpi eq, %select_n3A_41, %select_n3A : i32
        %select_n3A_43 = arith.constant 0 : i32
        %select_n3A_44 = arith.select %eq3A_42, %select_n3A_43, %select_n3A_41 : i32
        %add3A_45 = arith.addi %select_n3A_44, %select_n3A_14 : i32
        %add3A_46 = arith.constant 1 : i32
        %add3A_47 = arith.addi %select_n3A_44, %add3A_46 : i32
        %select_n3A_48 = arith.constant true
        %select_n3A_49 = arith.select %select_n3A_48, %add3A_47, %select_n3A_44 : i32
        %eq3A_50 = arith.cmpi eq, %select_n3A_49, %select_n3A : i32
        %select_n3A_51 = arith.constant 0 : i32
        %select_n3A_52 = arith.select %eq3A_50, %select_n3A_51, %select_n3A_49 : i32
        %add3A_53 = arith.addi %select_n3A_52, %select_n3A_14 : i32
        "tpu.trace_start"() <{level = 10 : i32, message = "ep_initialize_0"}> : () -> ()
        %rem3A = arith.constant 0 : i32
        %rem3A_54 = arith.constant 2 : i32
        %rem3A_55 = arith.remui %rem3A, %rem3A_54 : i32
        %mul3A_56 = arith.constant 128 : i32
        %mul3A_57 = arith.muli %mul3A_56, %add3A_27 : i32
        %dma_start3A = arith.constant 0 : i32
        %dma_start3A_58 = arith.constant 0 : i32
        %dma_start3A_59 = tpu.memref_slice %run_scoped3A[%rem3A_55, %dma_start3A, %dma_start3A_58] : memref<2x1x128xi32, #tpu.memory_space<vmem>> -> memref<1x1x128xi32, #tpu.memory_space<vmem>>
        %dma_start3A_60 = tpu.memref_squeeze %dma_start3A_59 : memref<1x1x128xi32, #tpu.memory_space<vmem>> -> memref<1x128xi32, #tpu.memory_space<vmem>>
        %dma_start3A_61 = arith.constant 0 : i32
        %dma_start3A_62 = tpu.memref_slice %arg3[%dma_start3A_61, %mul3A_57] : memref<1x3200000xi32, #tpu.memory_space<hbm>> -> memref<1x128xi32, #tpu.memory_space<hbm>>
        %dma_start3A_63 = tpu.memref_slice %run_scoped3A_17[%rem3A_55] : memref<2x!tpu.dma_semaphore, #tpu.memory_space<semaphore_mem>> -> memref<1x!tpu.dma_semaphore, #tpu.memory_space<semaphore_mem>>
        %dma_start3A_64 = tpu.memref_squeeze %dma_start3A_63 : memref<1x!tpu.dma_semaphore, #tpu.memory_space<semaphore_mem>> -> memref<!tpu.dma_semaphore, #tpu.memory_space<semaphore_mem>>
        %dma_start3A_65 = arith.constant 0 : i32
        %dma_start3A_66 = arith.constant 0 : i32
        %dma_start3A_67 = tpu.memref_slice %run_scoped3A[%rem3A_55, %dma_start3A_65, %dma_start3A_66] : memref<2x1x128xi32, #tpu.memory_space<vmem>> -> memref<1x1x128xi32, #tpu.memory_space<vmem>>
        %dma_start3A_68 = tpu.memref_squeeze %dma_start3A_67 : memref<1x1x128xi32, #tpu.memory_space<vmem>> -> memref<1x128xi32, #tpu.memory_space<vmem>>
        %dma_start3A_69 = arith.constant 0 : i32
        %dma_start3A_70 = tpu.memref_slice %arg3[%dma_start3A_69, %mul3A_57] : memref<1x3200000xi32, #tpu.memory_space<hbm>> -> memref<1x128xi32, #tpu.memory_space<hbm>>
        tpu.enqueue_dma source(%dma_start3A_70 : memref<1x128xi32, #tpu.memory_space<hbm>>) target(%dma_start3A_68 : memref<1x128xi32, #tpu.memory_space<vmem>>) target_semaphore(%dma_start3A_64 : memref<!tpu.dma_semaphore, #tpu.memory_space<semaphore_mem>>)
        %add3A_71 = arith.constant 0 : i32
        %add3A_72 = arith.constant 1 : i32
        %add3A_73 = arith.addi %add3A_71, %add3A_72 : i32
        %select_n3A_74 = arith.constant true
        %select_n3A_75 = arith.constant 0 : i32
        %select_n3A_76 = arith.select %select_n3A_74, %add3A_73, %select_n3A_75 : i32
        %while3A = arith.constant 0 : i32
        %while3A_77 = arith.constant 0 : i32
        %while3A_78 = arith.constant 0 : i32
        %while3A_79 = arith.constant 0 : i32
        %while3A_80 = arith.constant 0 : i32
        "tpu.trace_stop"() : () -> ()
        %while3A_81 = arith.subi %mul3A_16, %while3A : i32
        %while3A_82 = arith.addi %while3A, %while3A_81 : i32
        %while3A_83 = arith.constant 1 : i32
        %while3A_84 = arith.divsi %while3A_81, %while3A_83 : i32
        %while3A_85 = arith.muli %while3A_84, %while3A_83 : i32
        %while3A_86 = arith.addi %while3A, %while3A_85 : i32
        %while3A_87 = arith.constant 1 : i32
        %while3A_88:5 = scf.for %while3A_142 = %while3A to %while3A_86 step %while3A_87 iter_args(%while3A_143 = %select_n3A_76, %while3A_144 = %while3A_77, %while3A_145 = %while3A_78, %while3A_146 = %while3A_79, %while3A_147 = %while3A_80) -> (i32, i32, i32, i32, i32)  : i32 {
          %mul3A_148 = arith.constant 1 : i32
          %mul3A_149 = arith.muli %mul3A_148, %select_n3A : i32
          %eq3A_150 = arith.constant 0 : i32
          %eq3A_151 = arith.cmpi eq, %while3A_142, %eq3A_150 : i32
          %sub3A_152 = arith.constant 1 : i32
          %sub3A_153 = arith.subi %mul3A_149, %sub3A_152 : i32
          %eq3A_154 = arith.cmpi eq, %while3A_142, %sub3A_153 : i32
          %add3A_155 = arith.addi %while3A_147, %select_n3A_14 : i32
          %sub3A_156 = arith.constant 1 : i32
          %sub3A_157 = arith.subi %while3A_147, %sub3A_156 : i32
          %select_n3A_158 = arith.constant true
          %select_n3A_159 = arith.select %select_n3A_158, %sub3A_157, %while3A_147 : i32
          %eq3A_160 = arith.constant -1 : i32
          %eq3A_161 = arith.cmpi eq, %select_n3A_159, %eq3A_160 : i32
          %sub3A_162 = arith.constant 1 : i32
          %sub3A_163 = arith.subi %select_n3A, %sub3A_162 : i32
          %select_n3A_164 = arith.select %eq3A_161, %sub3A_163, %select_n3A_159 : i32
          %add3A_165 = arith.addi %select_n3A_164, %select_n3A_14 : i32
          %add3A_166 = arith.constant 1 : i32
          %add3A_167 = arith.addi %while3A_147, %add3A_166 : i32
          %select_n3A_168 = arith.constant true
          %select_n3A_169 = arith.select %select_n3A_168, %add3A_167, %while3A_147 : i32
          %eq3A_170 = arith.cmpi eq, %select_n3A_169, %select_n3A : i32
          %select_n3A_171 = arith.constant 0 : i32
          %select_n3A_172 = arith.select %eq3A_170, %select_n3A_171, %select_n3A_169 : i32
          %add3A_173 = arith.addi %select_n3A_172, %select_n3A_14 : i32
          %add3A_174 = arith.constant 1 : i32
          %add3A_175 = arith.addi %select_n3A_172, %add3A_174 : i32
          %select_n3A_176 = arith.constant true
          %select_n3A_177 = arith.select %select_n3A_176, %add3A_175, %select_n3A_172 : i32
          %eq3A_178 = arith.cmpi eq, %select_n3A_177, %select_n3A : i32
          %select_n3A_179 = arith.constant 0 : i32
          %select_n3A_180 = arith.select %eq3A_178, %select_n3A_179, %select_n3A_177 : i32
          %add3A_181 = arith.addi %select_n3A_180, %select_n3A_14 : i32
          %ne3A = arith.cmpi ne, %add3A_155, %add3A_173 : i32
          %or3A = arith.constant false
          %or3A_182 = arith.ori %or3A, %ne3A : i1
          %sub3A_183 = arith.constant 2 : i32
          %sub3A_184 = arith.subi %mul3A_149, %sub3A_183 : i32
          %add3A_185 = arith.constant 1 : i32
          %add3A_186 = arith.addi %sub3A_184, %add3A_185 : i32
          %ge3A = arith.cmpi sge, %while3A_142, %add3A_186 : i32
          %not3A = arith.constant true
          %not3A_187 = arith.xori %ge3A, %not3A : i1
          %and3A = arith.andi %or3A_182, %not3A_187 : i1
          %convert_element_type3A_188 = arith.extui %and3A : i1 to i32
          %cond3A_189 = arith.constant 0 : i32
          %cond3A_190 = arith.cmpi ne, %convert_element_type3A_188, %cond3A_189 : i32
          scf.if %cond3A_190 {
            "tpu.trace_start"() <{level = 10 : i32, message = "ep_copy_in"}> : () -> ()
            %rem3A_294 = arith.constant 2 : i32
            %rem3A_295 = arith.remui %while3A_143, %rem3A_294 : i32
            %mul3A_296 = arith.constant 128 : i32
            %mul3A_297 = arith.muli %mul3A_296, %add3A_173 : i32
            %dma_start3A_298 = arith.constant 0 : i32
            %dma_start3A_299 = arith.constant 0 : i32
            %dma_start3A_300 = tpu.memref_slice %run_scoped3A[%rem3A_295, %dma_start3A_298, %dma_start3A_299] : memref<2x1x128xi32, #tpu.memory_space<vmem>> -> memref<1x1x128xi32, #tpu.memory_space<vmem>>
            %dma_start3A_301 = tpu.memref_squeeze %dma_start3A_300 : memref<1x1x128xi32, #tpu.memory_space<vmem>> -> memref<1x128xi32, #tpu.memory_space<vmem>>
            %dma_start3A_302 = arith.constant 0 : i32
            %dma_start3A_303 = tpu.memref_slice %arg3[%dma_start3A_302, %mul3A_297] : memref<1x3200000xi32, #tpu.memory_space<hbm>> -> memref<1x128xi32, #tpu.memory_space<hbm>>
            %dma_start3A_304 = tpu.memref_slice %run_scoped3A_17[%rem3A_295] : memref<2x!tpu.dma_semaphore, #tpu.memory_space<semaphore_mem>> -> memref<1x!tpu.dma_semaphore, #tpu.memory_space<semaphore_mem>>
            %dma_start3A_305 = tpu.memref_squeeze %dma_start3A_304 : memref<1x!tpu.dma_semaphore, #tpu.memory_space<semaphore_mem>> -> memref<!tpu.dma_semaphore, #tpu.memory_space<semaphore_mem>>
            %dma_start3A_306 = arith.constant 0 : i32
            %dma_start3A_307 = arith.constant 0 : i32
            %dma_start3A_308 = tpu.memref_slice %run_scoped3A[%rem3A_295, %dma_start3A_306, %dma_start3A_307] : memref<2x1x128xi32, #tpu.memory_space<vmem>> -> memref<1x1x128xi32, #tpu.memory_space<vmem>>
            %dma_start3A_309 = tpu.memref_squeeze %dma_start3A_308 : memref<1x1x128xi32, #tpu.memory_space<vmem>> -> memref<1x128xi32, #tpu.memory_space<vmem>>
            %dma_start3A_310 = arith.constant 0 : i32
            %dma_start3A_311 = tpu.memref_slice %arg3[%dma_start3A_310, %mul3A_297] : memref<1x3200000xi32, #tpu.memory_space<hbm>> -> memref<1x128xi32, #tpu.memory_space<hbm>>
            tpu.enqueue_dma source(%dma_start3A_311 : memref<1x128xi32, #tpu.memory_space<hbm>>) target(%dma_start3A_309 : memref<1x128xi32, #tpu.memory_space<vmem>>) target_semaphore(%dma_start3A_305 : memref<!tpu.dma_semaphore, #tpu.memory_space<semaphore_mem>>)
            "tpu.trace_stop"() : () -> ()
          } else {
          }
          %and3A_191 = arith.constant true
          %and3A_192 = arith.andi %and3A, %and3A_191 : i1
          %add3A_193 = arith.constant 1 : i32
          %add3A_194 = arith.addi %while3A_143, %add3A_193 : i32
          %select_n3A_195 = arith.select %and3A_192, %add3A_194, %while3A_143 : i32
          %ne3A_196 = arith.cmpi ne, %add3A_155, %add3A_173 : i32
          %or3A_197 = arith.constant false
          %or3A_198 = arith.ori %or3A_197, %ne3A_196 : i1
          %or3A_199 = arith.constant false
          %or3A_200 = arith.ori %or3A_198, %or3A_199 : i1
          %sub3A_201 = arith.constant 2 : i32
          %sub3A_202 = arith.subi %mul3A_149, %sub3A_201 : i32
          %add3A_203 = arith.constant 1 : i32
          %add3A_204 = arith.addi %sub3A_202, %add3A_203 : i32
          %ge3A_205 = arith.cmpi sge, %while3A_142, %add3A_204 : i32
          %not3A_206 = arith.constant true
          %not3A_207 = arith.xori %ge3A_205, %not3A_206 : i1
          %and3A_208 = arith.andi %or3A_200, %not3A_207 : i1
          %ne3A_209 = arith.cmpi ne, %add3A_155, %add3A_165 : i32
          %or3A_210 = arith.constant false
          %or3A_211 = arith.ori %or3A_210, %ne3A_209 : i1
          %or3A_212 = arith.ori %or3A_211, %eq3A_151 : i1
          %convert_element_type3A_213 = arith.extui %or3A_212 : i1 to i32
          %cond3A_214 = arith.constant 0 : i32
          %cond3A_215 = arith.cmpi ne, %convert_element_type3A_213, %cond3A_214 : i32
          scf.if %cond3A_215 {
            "tpu.trace_start"() <{level = 10 : i32, message = "ep_wait_in"}> : () -> ()
            %mul3A_294 = arith.constant 128 : i32
            %mul3A_295 = arith.muli %mul3A_294, %add3A_155 : i32
            %rem3A_296 = arith.constant 2 : i32
            %rem3A_297 = arith.remui %while3A_144, %rem3A_296 : i32
            %dma_wait3A = arith.constant 0 : i32
            %dma_wait3A_298 = arith.constant 0 : i32
            %dma_wait3A_299 = tpu.memref_slice %run_scoped3A[%rem3A_297, %dma_wait3A, %dma_wait3A_298] : memref<2x1x128xi32, #tpu.memory_space<vmem>> -> memref<1x1x128xi32, #tpu.memory_space<vmem>>
            %dma_wait3A_300 = tpu.memref_squeeze %dma_wait3A_299 : memref<1x1x128xi32, #tpu.memory_space<vmem>> -> memref<1x128xi32, #tpu.memory_space<vmem>>
            %dma_wait3A_301 = arith.constant 0 : i32
            %dma_wait3A_302 = tpu.memref_slice %arg3[%dma_wait3A_301, %mul3A_295] : memref<1x3200000xi32, #tpu.memory_space<hbm>> -> memref<1x128xi32, #tpu.memory_space<hbm>>
            %dma_wait3A_303 = tpu.memref_slice %run_scoped3A_17[%rem3A_297] : memref<2x!tpu.dma_semaphore, #tpu.memory_space<semaphore_mem>> -> memref<1x!tpu.dma_semaphore, #tpu.memory_space<semaphore_mem>>
            %dma_wait3A_304 = tpu.memref_squeeze %dma_wait3A_303 : memref<1x!tpu.dma_semaphore, #tpu.memory_space<semaphore_mem>> -> memref<!tpu.dma_semaphore, #tpu.memory_space<semaphore_mem>>
            %dma_wait3A_305 = arith.constant 0 : i32
            %dma_wait3A_306 = arith.constant 0 : i32
            %dma_wait3A_307 = tpu.memref_slice %run_scoped3A[%rem3A_297, %dma_wait3A_305, %dma_wait3A_306] : memref<2x1x128xi32, #tpu.memory_space<vmem>> -> memref<1x1x128xi32, #tpu.memory_space<vmem>>
            %dma_wait3A_308 = tpu.memref_squeeze %dma_wait3A_307 : memref<1x1x128xi32, #tpu.memory_space<vmem>> -> memref<1x128xi32, #tpu.memory_space<vmem>>
            %dma_wait3A_309 = arith.constant 0 : i32
            %dma_wait3A_310 = tpu.memref_slice %arg3[%dma_wait3A_309, %mul3A_295] : memref<1x3200000xi32, #tpu.memory_space<hbm>> -> memref<1x128xi32, #tpu.memory_space<hbm>>
            tpu.wait_dma2 semaphore(%dma_wait3A_304 : memref<!tpu.dma_semaphore, #tpu.memory_space<semaphore_mem>>) src(%dma_wait3A_310 : memref<1x128xi32, #tpu.memory_space<hbm>>) dst(%dma_wait3A_308 : memref<1x128xi32, #tpu.memory_space<vmem>>)
            "tpu.trace_stop"() : () -> ()
          } else {
          }
          %ne3A_216 = arith.cmpi ne, %add3A_155, %add3A_165 : i32
          %or3A_217 = arith.constant false
          %or3A_218 = arith.ori %or3A_217, %ne3A_216 : i1
          %or3A_219 = arith.constant false
          %or3A_220 = arith.ori %or3A_218, %or3A_219 : i1
          %or3A_221 = arith.ori %or3A_220, %eq3A_151 : i1
          %convert_element_type3A_222 = arith.extui %or3A_221 : i1 to i32
          %cond3A_223 = arith.constant 0 : i32
          %cond3A_224 = arith.cmpi ne, %convert_element_type3A_222, %cond3A_223 : i32
          scf.if %cond3A_224 {
          } else {
          }
          %rem3A_225 = arith.constant 2 : i32
          %rem3A_226 = arith.remui %while3A_144, %rem3A_225 : i32
          %rem3A_227 = arith.constant 2 : i32
          %rem3A_228 = arith.remui %while3A_145, %rem3A_227 : i32
          %run_scoped3A_229 = arith.constant 0 : i32
          "tpu.trace_start"() <{level = 10 : i32, message = "ep_run_kernel"}> : () -> ()
          "tpu.region"() ({
            %run_scoped3A_294 = tpu.sem_alloc : memref<!tpu.dma_semaphore, #tpu.memory_space<semaphore_mem>>
            %dma_start3A_295 = arith.constant 0 : i32
            %dma_start3A_296 = arith.constant 0 : i32
            %dma_start3A_297 = tpu.memref_slice %run_scoped3A_18[%rem3A_228, %dma_start3A_295, %dma_start3A_296] : memref<2x128x32xf32, #tpu.memory_space<vmem>> -> memref<1x128x32xf32, #tpu.memory_space<vmem>>
            %dma_start3A_298 = tpu.memref_squeeze %dma_start3A_297 : memref<1x128x32xf32, #tpu.memory_space<vmem>> -> memref<128x32xf32, #tpu.memory_space<vmem>>
            %dma_start3A_299 = arith.constant 0 : i32
            %dma_start3A_300 = arith.constant 0 : i32
            %dma_start3A_301 = tpu.memref_slice %run_scoped3A[%rem3A_226, %dma_start3A_299, %dma_start3A_300] : memref<2x1x128xi32, #tpu.memory_space<vmem>> -> memref<1x1x128xi32, #tpu.memory_space<vmem>>
            %dma_start3A_302 = tpu.memref_squeeze %dma_start3A_301 : memref<1x1x128xi32, #tpu.memory_space<vmem>> -> memref<1x128xi32, #tpu.memory_space<vmem>>
            %dma_start3A_303 = arith.constant 0 : i32
            %dma_start3A_304 = tpu.memref_slice %dma_start3A_302[%run_scoped3A_229, %dma_start3A_303] : memref<1x128xi32, #tpu.memory_space<vmem>> -> memref<1x128xi32, #tpu.memory_space<vmem>>
            %dma_start3A_305 = tpu.memref_squeeze %dma_start3A_304 : memref<1x128xi32, #tpu.memory_space<vmem>> -> memref<128xi32, #tpu.memory_space<vmem>>
            %dma_start3A_306 = arith.constant 0 : i32
            %dma_start3A_307 = arith.constant 0 : i32
            %dma_start3A_308 = tpu.memref_slice %arg2[%dma_start3A_306, %dma_start3A_307] : memref<100000x32xf32, #tpu.memory_space<hbm>> -> memref<100000x32xf32, #tpu.memory_space<hbm>>
            tpu.enqueue_indirect_dma source(%dma_start3A_308 : memref<100000x32xf32, #tpu.memory_space<hbm>>) target(%dma_start3A_298 : memref<128x32xf32, #tpu.memory_space<vmem>>) offsets(%dma_start3A_305 : memref<128xi32, #tpu.memory_space<vmem>>) semaphore(%run_scoped3A_294 : memref<!tpu.dma_semaphore, #tpu.memory_space<semaphore_mem>>)
            %dma_wait3A = arith.constant 0 : i32
            %dma_wait3A_309 = arith.constant 0 : i32
            %dma_wait3A_310 = tpu.memref_slice %run_scoped3A_18[%rem3A_228, %dma_wait3A, %dma_wait3A_309] : memref<2x128x32xf32, #tpu.memory_space<vmem>> -> memref<1x128x32xf32, #tpu.memory_space<vmem>>
            %dma_wait3A_311 = tpu.memref_squeeze %dma_wait3A_310 : memref<1x128x32xf32, #tpu.memory_space<vmem>> -> memref<128x32xf32, #tpu.memory_space<vmem>>
            %dma_wait3A_312 = arith.constant 0 : i32
            %dma_wait3A_313 = arith.constant 0 : i32
            %dma_wait3A_314 = tpu.memref_slice %run_scoped3A[%rem3A_226, %dma_wait3A_312, %dma_wait3A_313] : memref<2x1x128xi32, #tpu.memory_space<vmem>> -> memref<1x1x128xi32, #tpu.memory_space<vmem>>
            %dma_wait3A_315 = tpu.memref_squeeze %dma_wait3A_314 : memref<1x1x128xi32, #tpu.memory_space<vmem>> -> memref<1x128xi32, #tpu.memory_space<vmem>>
            %dma_wait3A_316 = arith.constant 0 : i32
            %dma_wait3A_317 = tpu.memref_slice %dma_wait3A_315[%run_scoped3A_229, %dma_wait3A_316] : memref<1x128xi32, #tpu.memory_space<vmem>> -> memref<1x128xi32, #tpu.memory_space<vmem>>
            %dma_wait3A_318 = tpu.memref_squeeze %dma_wait3A_317 : memref<1x128xi32, #tpu.memory_space<vmem>> -> memref<128xi32, #tpu.memory_space<vmem>>
            %dma_wait3A_319 = arith.constant 0 : i32
            %dma_wait3A_320 = arith.constant 0 : i32
            %dma_wait3A_321 = tpu.memref_slice %arg2[%dma_wait3A_319, %dma_wait3A_320] : memref<100000x32xf32, #tpu.memory_space<hbm>> -> memref<100000x32xf32, #tpu.memory_space<hbm>>
            tpu.wait_indirect_dma semaphore(%run_scoped3A_294 : memref<!tpu.dma_semaphore, #tpu.memory_space<semaphore_mem>>) src(%dma_wait3A_321 : memref<100000x32xf32, #tpu.memory_space<hbm>>) dst(%dma_wait3A_311 : memref<128x32xf32, #tpu.memory_space<vmem>>)
            tpu.yield
          }) : () -> ()
          "tpu.trace_stop"() : () -> ()
          %ne3A_230 = arith.cmpi ne, %add3A_155, %add3A_173 : i32
          %or3A_231 = arith.constant false
          %or3A_232 = arith.ori %or3A_231, %ne3A_230 : i1
          %or3A_233 = arith.ori %or3A_232, %eq3A_154 : i1
          %convert_element_type3A_234 = arith.extui %or3A_233 : i1 to i32
          %cond3A_235 = arith.constant 0 : i32
          %cond3A_236 = arith.cmpi ne, %convert_element_type3A_234, %cond3A_235 : i32
          scf.if %cond3A_236 {
          } else {
          }
          %and3A_237 = arith.constant false
          %and3A_238 = arith.andi %or3A_233, %and3A_237 : i1
          %ne3A_239 = arith.cmpi ne, %add3A_155, %add3A_173 : i32
          %or3A_240 = arith.constant false
          %or3A_241 = arith.ori %or3A_240, %ne3A_239 : i1
          %or3A_242 = arith.constant false
          %or3A_243 = arith.ori %or3A_241, %or3A_242 : i1
          %or3A_244 = arith.ori %or3A_243, %eq3A_154 : i1
          %convert_element_type3A_245 = arith.extui %or3A_244 : i1 to i32
          %cond3A_246 = arith.constant 0 : i32
          %cond3A_247 = arith.cmpi ne, %convert_element_type3A_245, %cond3A_246 : i32
          scf.if %cond3A_247 {
            "tpu.trace_start"() <{level = 10 : i32, message = "ep_copy_out"}> : () -> ()
            %rem3A_294 = arith.constant 2 : i32
            %rem3A_295 = arith.remui %while3A_145, %rem3A_294 : i32
            %mul3A_296 = arith.constant 128 : i32
            %mul3A_297 = arith.muli %mul3A_296, %add3A_155 : i32
            %dma_start3A_298 = arith.constant 0 : i32
            %dma_start3A_299 = arith.constant 0 : i32
            %dma_start3A_300 = tpu.memref_slice %run_scoped3A_18[%rem3A_295, %dma_start3A_298, %dma_start3A_299] : memref<2x128x32xf32, #tpu.memory_space<vmem>> -> memref<1x128x32xf32, #tpu.memory_space<vmem>>
            %dma_start3A_301 = tpu.memref_squeeze %dma_start3A_300 : memref<1x128x32xf32, #tpu.memory_space<vmem>> -> memref<128x32xf32, #tpu.memory_space<vmem>>
            %dma_start3A_302 = arith.constant 0 : i32
            %dma_start3A_303 = tpu.memref_slice %arg4[%mul3A_297, %dma_start3A_302] : memref<3200000x32xf32, #tpu.memory_space<hbm>> -> memref<128x32xf32, #tpu.memory_space<hbm>>
            %dma_start3A_304 = tpu.memref_slice %run_scoped3A_19[%rem3A_295] : memref<2x!tpu.dma_semaphore, #tpu.memory_space<semaphore_mem>> -> memref<1x!tpu.dma_semaphore, #tpu.memory_space<semaphore_mem>>
            %dma_start3A_305 = tpu.memref_squeeze %dma_start3A_304 : memref<1x!tpu.dma_semaphore, #tpu.memory_space<semaphore_mem>> -> memref<!tpu.dma_semaphore, #tpu.memory_space<semaphore_mem>>
            %dma_start3A_306 = arith.constant 0 : i32
            %dma_start3A_307 = tpu.memref_slice %arg4[%mul3A_297, %dma_start3A_306] : memref<3200000x32xf32, #tpu.memory_space<hbm>> -> memref<128x32xf32, #tpu.memory_space<hbm>>
            %dma_start3A_308 = arith.constant 0 : i32
            %dma_start3A_309 = arith.constant 0 : i32
            %dma_start3A_310 = tpu.memref_slice %run_scoped3A_18[%rem3A_295, %dma_start3A_308, %dma_start3A_309] : memref<2x128x32xf32, #tpu.memory_space<vmem>> -> memref<1x128x32xf32, #tpu.memory_space<vmem>>
            %dma_start3A_311 = tpu.memref_squeeze %dma_start3A_310 : memref<1x128x32xf32, #tpu.memory_space<vmem>> -> memref<128x32xf32, #tpu.memory_space<vmem>>
            tpu.enqueue_dma source(%dma_start3A_311 : memref<128x32xf32, #tpu.memory_space<vmem>>) target(%dma_start3A_307 : memref<128x32xf32, #tpu.memory_space<hbm>>) target_semaphore(%dma_start3A_305 : memref<!tpu.dma_semaphore, #tpu.memory_space<semaphore_mem>>)
            "tpu.trace_stop"() : () -> ()
          } else {
          }
          %and3A_248 = arith.constant true
          %and3A_249 = arith.andi %or3A_244, %and3A_248 : i1
          %add3A_250 = arith.constant 1 : i32
          %add3A_251 = arith.addi %while3A_145, %add3A_250 : i32
          %select_n3A_252 = arith.select %and3A_249, %add3A_251, %while3A_145 : i32
          %ne3A_253 = arith.cmpi ne, %add3A_155, %add3A_165 : i32
          %or3A_254 = arith.constant false
          %or3A_255 = arith.ori %or3A_254, %ne3A_253 : i1
          %not3A_256 = arith.constant true
          %not3A_257 = arith.xori %eq3A_151, %not3A_256 : i1
          %and3A_258 = arith.andi %or3A_255, %not3A_257 : i1
          %convert_element_type3A_259 = arith.extui %and3A_258 : i1 to i32
          %cond3A_260 = arith.constant 0 : i32
          %cond3A_261 = arith.cmpi ne, %convert_element_type3A_259, %cond3A_260 : i32
          scf.if %cond3A_261 {
          } else {
          }
          %and3A_262 = arith.constant false
          %and3A_263 = arith.andi %and3A_258, %and3A_262 : i1
          %ne3A_264 = arith.cmpi ne, %add3A_155, %add3A_165 : i32
          %or3A_265 = arith.constant false
          %or3A_266 = arith.ori %or3A_265, %ne3A_264 : i1
          %or3A_267 = arith.constant false
          %or3A_268 = arith.ori %or3A_266, %or3A_267 : i1
          %not3A_269 = arith.constant true
          %not3A_270 = arith.xori %eq3A_151, %not3A_269 : i1
          %and3A_271 = arith.andi %or3A_268, %not3A_270 : i1
          %convert_element_type3A_272 = arith.extui %and3A_271 : i1 to i32
          %cond3A_273 = arith.constant 0 : i32
          %cond3A_274 = arith.cmpi ne, %convert_element_type3A_272, %cond3A_273 : i32
          scf.if %cond3A_274 {
            "tpu.trace_start"() <{level = 10 : i32, message = "ep_wait_out"}> : () -> ()
            %rem3A_294 = arith.constant 2 : i32
            %rem3A_295 = arith.remui %while3A_146, %rem3A_294 : i32
            %mul3A_296 = arith.constant 128 : i32
            %mul3A_297 = arith.muli %mul3A_296, %add3A_165 : i32
            %dma_wait3A = arith.constant 0 : i32
            %dma_wait3A_298 = arith.constant 0 : i32
            %dma_wait3A_299 = tpu.memref_slice %run_scoped3A_18[%rem3A_295, %dma_wait3A, %dma_wait3A_298] : memref<2x128x32xf32, #tpu.memory_space<vmem>> -> memref<1x128x32xf32, #tpu.memory_space<vmem>>
            %dma_wait3A_300 = tpu.memref_squeeze %dma_wait3A_299 : memref<1x128x32xf32, #tpu.memory_space<vmem>> -> memref<128x32xf32, #tpu.memory_space<vmem>>
            %dma_wait3A_301 = arith.constant 0 : i32
            %dma_wait3A_302 = tpu.memref_slice %arg4[%mul3A_297, %dma_wait3A_301] : memref<3200000x32xf32, #tpu.memory_space<hbm>> -> memref<128x32xf32, #tpu.memory_space<hbm>>
            %dma_wait3A_303 = tpu.memref_slice %run_scoped3A_19[%rem3A_295] : memref<2x!tpu.dma_semaphore, #tpu.memory_space<semaphore_mem>> -> memref<1x!tpu.dma_semaphore, #tpu.memory_space<semaphore_mem>>
            %dma_wait3A_304 = tpu.memref_squeeze %dma_wait3A_303 : memref<1x!tpu.dma_semaphore, #tpu.memory_space<semaphore_mem>> -> memref<!tpu.dma_semaphore, #tpu.memory_space<semaphore_mem>>
            %dma_wait3A_305 = arith.constant 0 : i32
            %dma_wait3A_306 = tpu.memref_slice %arg4[%mul3A_297, %dma_wait3A_305] : memref<3200000x32xf32, #tpu.memory_space<hbm>> -> memref<128x32xf32, #tpu.memory_space<hbm>>
            %dma_wait3A_307 = arith.constant 0 : i32
            %dma_wait3A_308 = arith.constant 0 : i32
            %dma_wait3A_309 = tpu.memref_slice %run_scoped3A_18[%rem3A_295, %dma_wait3A_307, %dma_wait3A_308] : memref<2x128x32xf32, #tpu.memory_space<vmem>> -> memref<1x128x32xf32, #tpu.memory_space<vmem>>
            %dma_wait3A_310 = tpu.memref_squeeze %dma_wait3A_309 : memref<1x128x32xf32, #tpu.memory_space<vmem>> -> memref<128x32xf32, #tpu.memory_space<vmem>>
            tpu.wait_dma2 semaphore(%dma_wait3A_304 : memref<!tpu.dma_semaphore, #tpu.memory_space<semaphore_mem>>) src(%dma_wait3A_310 : memref<128x32xf32, #tpu.memory_space<vmem>>) dst(%dma_wait3A_306 : memref<128x32xf32, #tpu.memory_space<hbm>>)
            "tpu.trace_stop"() : () -> ()
          } else {
          }
          %and3A_275 = arith.constant true
          %and3A_276 = arith.andi %and3A_271, %and3A_275 : i1
          %add3A_277 = arith.constant 1 : i32
          %add3A_278 = arith.addi %while3A_146, %add3A_277 : i32
          %select_n3A_279 = arith.select %and3A_276, %add3A_278, %while3A_146 : i32
          %ne3A_280 = arith.cmpi ne, %add3A_155, %add3A_173 : i32
          %or3A_281 = arith.constant false
          %or3A_282 = arith.ori %or3A_281, %ne3A_280 : i1
          %or3A_283 = arith.ori %or3A_282, %eq3A_154 : i1
          %add3A_284 = arith.constant 1 : i32
          %add3A_285 = arith.addi %while3A_144, %add3A_284 : i32
          %select_n3A_286 = arith.select %or3A_283, %add3A_285, %while3A_144 : i32
          %add3A_287 = arith.constant 1 : i32
          %add3A_288 = arith.addi %while3A_147, %add3A_287 : i32
          %select_n3A_289 = arith.constant true
          %select_n3A_290 = arith.select %select_n3A_289, %add3A_288, %while3A_147 : i32
          %eq3A_291 = arith.cmpi eq, %select_n3A_290, %select_n3A : i32
          %select_n3A_292 = arith.constant 0 : i32
          %select_n3A_293 = arith.select %eq3A_291, %select_n3A_292, %select_n3A_290 : i32
          scf.yield %select_n3A_195, %select_n3A_286, %select_n3A_252, %select_n3A_279, %select_n3A_293 : i32, i32, i32, i32, i32
        }
        %while3A_89 = arith.constant 1 : i32
        %while3A_90:5 = scf.for %while3A_142 = %while3A_86 to %while3A_82 step %while3A_89 iter_args(%while3A_143 = %while3A_88#0, %while3A_144 = %while3A_88#1, %while3A_145 = %while3A_88#2, %while3A_146 = %while3A_88#3, %while3A_147 = %while3A_88#4) -> (i32, i32, i32, i32, i32)  : i32 {
          %mul3A_148 = arith.constant 1 : i32
          %mul3A_149 = arith.muli %mul3A_148, %select_n3A : i32
          %eq3A_150 = arith.constant 0 : i32
          %eq3A_151 = arith.cmpi eq, %while3A_142, %eq3A_150 : i32
          %sub3A_152 = arith.constant 1 : i32
          %sub3A_153 = arith.subi %mul3A_149, %sub3A_152 : i32
          %eq3A_154 = arith.cmpi eq, %while3A_142, %sub3A_153 : i32
          %add3A_155 = arith.addi %while3A_147, %select_n3A_14 : i32
          %sub3A_156 = arith.constant 1 : i32
          %sub3A_157 = arith.subi %while3A_147, %sub3A_156 : i32
          %select_n3A_158 = arith.constant true
          %select_n3A_159 = arith.select %select_n3A_158, %sub3A_157, %while3A_147 : i32
          %eq3A_160 = arith.constant -1 : i32
          %eq3A_161 = arith.cmpi eq, %select_n3A_159, %eq3A_160 : i32
          %sub3A_162 = arith.constant 1 : i32
          %sub3A_163 = arith.subi %select_n3A, %sub3A_162 : i32
          %select_n3A_164 = arith.select %eq3A_161, %sub3A_163, %select_n3A_159 : i32
          %add3A_165 = arith.addi %select_n3A_164, %select_n3A_14 : i32
          %add3A_166 = arith.constant 1 : i32
          %add3A_167 = arith.addi %while3A_147, %add3A_166 : i32
          %select_n3A_168 = arith.constant true
          %select_n3A_169 = arith.select %select_n3A_168, %add3A_167, %while3A_147 : i32
          %eq3A_170 = arith.cmpi eq, %select_n3A_169, %select_n3A : i32
          %select_n3A_171 = arith.constant 0 : i32
          %select_n3A_172 = arith.select %eq3A_170, %select_n3A_171, %select_n3A_169 : i32
          %add3A_173 = arith.addi %select_n3A_172, %select_n3A_14 : i32
          %add3A_174 = arith.constant 1 : i32
          %add3A_175 = arith.addi %select_n3A_172, %add3A_174 : i32
          %select_n3A_176 = arith.constant true
          %select_n3A_177 = arith.select %select_n3A_176, %add3A_175, %select_n3A_172 : i32
          %eq3A_178 = arith.cmpi eq, %select_n3A_177, %select_n3A : i32
          %select_n3A_179 = arith.constant 0 : i32
          %select_n3A_180 = arith.select %eq3A_178, %select_n3A_179, %select_n3A_177 : i32
          %add3A_181 = arith.addi %select_n3A_180, %select_n3A_14 : i32
          %ne3A = arith.cmpi ne, %add3A_155, %add3A_173 : i32
          %or3A = arith.constant false
          %or3A_182 = arith.ori %or3A, %ne3A : i1
          %sub3A_183 = arith.constant 2 : i32
          %sub3A_184 = arith.subi %mul3A_149, %sub3A_183 : i32
          %add3A_185 = arith.constant 1 : i32
          %add3A_186 = arith.addi %sub3A_184, %add3A_185 : i32
          %ge3A = arith.cmpi sge, %while3A_142, %add3A_186 : i32
          %not3A = arith.constant true
          %not3A_187 = arith.xori %ge3A, %not3A : i1
          %and3A = arith.andi %or3A_182, %not3A_187 : i1
          %convert_element_type3A_188 = arith.extui %and3A : i1 to i32
          %cond3A_189 = arith.constant 0 : i32
          %cond3A_190 = arith.cmpi ne, %convert_element_type3A_188, %cond3A_189 : i32
          scf.if %cond3A_190 {
            "tpu.trace_start"() <{level = 10 : i32, message = "ep_copy_in"}> : () -> ()
            %rem3A_294 = arith.constant 2 : i32
            %rem3A_295 = arith.remui %while3A_143, %rem3A_294 : i32
            %mul3A_296 = arith.constant 128 : i32
            %mul3A_297 = arith.muli %mul3A_296, %add3A_173 : i32
            %dma_start3A_298 = arith.constant 0 : i32
            %dma_start3A_299 = arith.constant 0 : i32
            %dma_start3A_300 = tpu.memref_slice %run_scoped3A[%rem3A_295, %dma_start3A_298, %dma_start3A_299] : memref<2x1x128xi32, #tpu.memory_space<vmem>> -> memref<1x1x128xi32, #tpu.memory_space<vmem>>
            %dma_start3A_301 = tpu.memref_squeeze %dma_start3A_300 : memref<1x1x128xi32, #tpu.memory_space<vmem>> -> memref<1x128xi32, #tpu.memory_space<vmem>>
            %dma_start3A_302 = arith.constant 0 : i32
            %dma_start3A_303 = tpu.memref_slice %arg3[%dma_start3A_302, %mul3A_297] : memref<1x3200000xi32, #tpu.memory_space<hbm>> -> memref<1x128xi32, #tpu.memory_space<hbm>>
            %dma_start3A_304 = tpu.memref_slice %run_scoped3A_17[%rem3A_295] : memref<2x!tpu.dma_semaphore, #tpu.memory_space<semaphore_mem>> -> memref<1x!tpu.dma_semaphore, #tpu.memory_space<semaphore_mem>>
            %dma_start3A_305 = tpu.memref_squeeze %dma_start3A_304 : memref<1x!tpu.dma_semaphore, #tpu.memory_space<semaphore_mem>> -> memref<!tpu.dma_semaphore, #tpu.memory_space<semaphore_mem>>
            %dma_start3A_306 = arith.constant 0 : i32
            %dma_start3A_307 = arith.constant 0 : i32
            %dma_start3A_308 = tpu.memref_slice %run_scoped3A[%rem3A_295, %dma_start3A_306, %dma_start3A_307] : memref<2x1x128xi32, #tpu.memory_space<vmem>> -> memref<1x1x128xi32, #tpu.memory_space<vmem>>
            %dma_start3A_309 = tpu.memref_squeeze %dma_start3A_308 : memref<1x1x128xi32, #tpu.memory_space<vmem>> -> memref<1x128xi32, #tpu.memory_space<vmem>>
            %dma_start3A_310 = arith.constant 0 : i32
            %dma_start3A_311 = tpu.memref_slice %arg3[%dma_start3A_310, %mul3A_297] : memref<1x3200000xi32, #tpu.memory_space<hbm>> -> memref<1x128xi32, #tpu.memory_space<hbm>>
            tpu.enqueue_dma source(%dma_start3A_311 : memref<1x128xi32, #tpu.memory_space<hbm>>) target(%dma_start3A_309 : memref<1x128xi32, #tpu.memory_space<vmem>>) target_semaphore(%dma_start3A_305 : memref<!tpu.dma_semaphore, #tpu.memory_space<semaphore_mem>>)
            "tpu.trace_stop"() : () -> ()
          } else {
          }
          %and3A_191 = arith.constant true
          %and3A_192 = arith.andi %and3A, %and3A_191 : i1
          %add3A_193 = arith.constant 1 : i32
          %add3A_194 = arith.addi %while3A_143, %add3A_193 : i32
          %select_n3A_195 = arith.select %and3A_192, %add3A_194, %while3A_143 : i32
          %ne3A_196 = arith.cmpi ne, %add3A_155, %add3A_173 : i32
          %or3A_197 = arith.constant false
          %or3A_198 = arith.ori %or3A_197, %ne3A_196 : i1
          %or3A_199 = arith.constant false
          %or3A_200 = arith.ori %or3A_198, %or3A_199 : i1
          %sub3A_201 = arith.constant 2 : i32
          %sub3A_202 = arith.subi %mul3A_149, %sub3A_201 : i32
          %add3A_203 = arith.constant 1 : i32
          %add3A_204 = arith.addi %sub3A_202, %add3A_203 : i32
          %ge3A_205 = arith.cmpi sge, %while3A_142, %add3A_204 : i32
          %not3A_206 = arith.constant true
          %not3A_207 = arith.xori %ge3A_205, %not3A_206 : i1
          %and3A_208 = arith.andi %or3A_200, %not3A_207 : i1
          %ne3A_209 = arith.cmpi ne, %add3A_155, %add3A_165 : i32
          %or3A_210 = arith.constant false
          %or3A_211 = arith.ori %or3A_210, %ne3A_209 : i1
          %or3A_212 = arith.ori %or3A_211, %eq3A_151 : i1
          %convert_element_type3A_213 = arith.extui %or3A_212 : i1 to i32
          %cond3A_214 = arith.constant 0 : i32
          %cond3A_215 = arith.cmpi ne, %convert_element_type3A_213, %cond3A_214 : i32
          scf.if %cond3A_215 {
            "tpu.trace_start"() <{level = 10 : i32, message = "ep_wait_in"}> : () -> ()
            %mul3A_294 = arith.constant 128 : i32
            %mul3A_295 = arith.muli %mul3A_294, %add3A_155 : i32
            %rem3A_296 = arith.constant 2 : i32
            %rem3A_297 = arith.remui %while3A_144, %rem3A_296 : i32
            %dma_wait3A = arith.constant 0 : i32
            %dma_wait3A_298 = arith.constant 0 : i32
            %dma_wait3A_299 = tpu.memref_slice %run_scoped3A[%rem3A_297, %dma_wait3A, %dma_wait3A_298] : memref<2x1x128xi32, #tpu.memory_space<vmem>> -> memref<1x1x128xi32, #tpu.memory_space<vmem>>
            %dma_wait3A_300 = tpu.memref_squeeze %dma_wait3A_299 : memref<1x1x128xi32, #tpu.memory_space<vmem>> -> memref<1x128xi32, #tpu.memory_space<vmem>>
            %dma_wait3A_301 = arith.constant 0 : i32
            %dma_wait3A_302 = tpu.memref_slice %arg3[%dma_wait3A_301, %mul3A_295] : memref<1x3200000xi32, #tpu.memory_space<hbm>> -> memref<1x128xi32, #tpu.memory_space<hbm>>
            %dma_wait3A_303 = tpu.memref_slice %run_scoped3A_17[%rem3A_297] : memref<2x!tpu.dma_semaphore, #tpu.memory_space<semaphore_mem>> -> memref<1x!tpu.dma_semaphore, #tpu.memory_space<semaphore_mem>>
            %dma_wait3A_304 = tpu.memref_squeeze %dma_wait3A_303 : memref<1x!tpu.dma_semaphore, #tpu.memory_space<semaphore_mem>> -> memref<!tpu.dma_semaphore, #tpu.memory_space<semaphore_mem>>
            %dma_wait3A_305 = arith.constant 0 : i32
            %dma_wait3A_306 = arith.constant 0 : i32
            %dma_wait3A_307 = tpu.memref_slice %run_scoped3A[%rem3A_297, %dma_wait3A_305, %dma_wait3A_306] : memref<2x1x128xi32, #tpu.memory_space<vmem>> -> memref<1x1x128xi32, #tpu.memory_space<vmem>>
            %dma_wait3A_308 = tpu.memref_squeeze %dma_wait3A_307 : memref<1x1x128xi32, #tpu.memory_space<vmem>> -> memref<1x128xi32, #tpu.memory_space<vmem>>
            %dma_wait3A_309 = arith.constant 0 : i32
            %dma_wait3A_310 = tpu.memref_slice %arg3[%dma_wait3A_309, %mul3A_295] : memref<1x3200000xi32, #tpu.memory_space<hbm>> -> memref<1x128xi32, #tpu.memory_space<hbm>>
            tpu.wait_dma2 semaphore(%dma_wait3A_304 : memref<!tpu.dma_semaphore, #tpu.memory_space<semaphore_mem>>) src(%dma_wait3A_310 : memref<1x128xi32, #tpu.memory_space<hbm>>) dst(%dma_wait3A_308 : memref<1x128xi32, #tpu.memory_space<vmem>>)
            "tpu.trace_stop"() : () -> ()
          } else {
          }
          %ne3A_216 = arith.cmpi ne, %add3A_155, %add3A_165 : i32
          %or3A_217 = arith.constant false
          %or3A_218 = arith.ori %or3A_217, %ne3A_216 : i1
          %or3A_219 = arith.constant false
          %or3A_220 = arith.ori %or3A_218, %or3A_219 : i1
          %or3A_221 = arith.ori %or3A_220, %eq3A_151 : i1
          %convert_element_type3A_222 = arith.extui %or3A_221 : i1 to i32
          %cond3A_223 = arith.constant 0 : i32
          %cond3A_224 = arith.cmpi ne, %convert_element_type3A_222, %cond3A_223 : i32
          scf.if %cond3A_224 {
          } else {
          }
          %rem3A_225 = arith.constant 2 : i32
          %rem3A_226 = arith.remui %while3A_144, %rem3A_225 : i32
          %rem3A_227 = arith.constant 2 : i32
          %rem3A_228 = arith.remui %while3A_145, %rem3A_227 : i32
          %run_scoped3A_229 = arith.constant 0 : i32
          "tpu.trace_start"() <{level = 10 : i32, message = "ep_run_kernel"}> : () -> ()
          "tpu.region"() ({
            %run_scoped3A_294 = tpu.sem_alloc : memref<!tpu.dma_semaphore, #tpu.memory_space<semaphore_mem>>
            %dma_start3A_295 = arith.constant 0 : i32
            %dma_start3A_296 = arith.constant 0 : i32
            %dma_start3A_297 = tpu.memref_slice %run_scoped3A_18[%rem3A_228, %dma_start3A_295, %dma_start3A_296] : memref<2x128x32xf32, #tpu.memory_space<vmem>> -> memref<1x128x32xf32, #tpu.memory_space<vmem>>
            %dma_start3A_298 = tpu.memref_squeeze %dma_start3A_297 : memref<1x128x32xf32, #tpu.memory_space<vmem>> -> memref<128x32xf32, #tpu.memory_space<vmem>>
            %dma_start3A_299 = arith.constant 0 : i32
            %dma_start3A_300 = arith.constant 0 : i32
            %dma_start3A_301 = tpu.memref_slice %run_scoped3A[%rem3A_226, %dma_start3A_299, %dma_start3A_300] : memref<2x1x128xi32, #tpu.memory_space<vmem>> -> memref<1x1x128xi32, #tpu.memory_space<vmem>>
            %dma_start3A_302 = tpu.memref_squeeze %dma_start3A_301 : memref<1x1x128xi32, #tpu.memory_space<vmem>> -> memref<1x128xi32, #tpu.memory_space<vmem>>
            %dma_start3A_303 = arith.constant 0 : i32
            %dma_start3A_304 = tpu.memref_slice %dma_start3A_302[%run_scoped3A_229, %dma_start3A_303] : memref<1x128xi32, #tpu.memory_space<vmem>> -> memref<1x128xi32, #tpu.memory_space<vmem>>
            %dma_start3A_305 = tpu.memref_squeeze %dma_start3A_304 : memref<1x128xi32, #tpu.memory_space<vmem>> -> memref<128xi32, #tpu.memory_space<vmem>>
            %dma_start3A_306 = arith.constant 0 : i32
            %dma_start3A_307 = arith.constant 0 : i32
            %dma_start3A_308 = tpu.memref_slice %arg2[%dma_start3A_306, %dma_start3A_307] : memref<100000x32xf32, #tpu.memory_space<hbm>> -> memref<100000x32xf32, #tpu.memory_space<hbm>>
            tpu.enqueue_indirect_dma source(%dma_start3A_308 : memref<100000x32xf32, #tpu.memory_space<hbm>>) target(%dma_start3A_298 : memref<128x32xf32, #tpu.memory_space<vmem>>) offsets(%dma_start3A_305 : memref<128xi32, #tpu.memory_space<vmem>>) semaphore(%run_scoped3A_294 : memref<!tpu.dma_semaphore, #tpu.memory_space<semaphore_mem>>)
            %dma_wait3A = arith.constant 0 : i32
            %dma_wait3A_309 = arith.constant 0 : i32
            %dma_wait3A_310 = tpu.memref_slice %run_scoped3A_18[%rem3A_228, %dma_wait3A, %dma_wait3A_309] : memref<2x128x32xf32, #tpu.memory_space<vmem>> -> memref<1x128x32xf32, #tpu.memory_space<vmem>>
            %dma_wait3A_311 = tpu.memref_squeeze %dma_wait3A_310 : memref<1x128x32xf32, #tpu.memory_space<vmem>> -> memref<128x32xf32, #tpu.memory_space<vmem>>
            %dma_wait3A_312 = arith.constant 0 : i32
            %dma_wait3A_313 = arith.constant 0 : i32
            %dma_wait3A_314 = tpu.memref_slice %run_scoped3A[%rem3A_226, %dma_wait3A_312, %dma_wait3A_313] : memref<2x1x128xi32, #tpu.memory_space<vmem>> -> memref<1x1x128xi32, #tpu.memory_space<vmem>>
            %dma_wait3A_315 = tpu.memref_squeeze %dma_wait3A_314 : memref<1x1x128xi32, #tpu.memory_space<vmem>> -> memref<1x128xi32, #tpu.memory_space<vmem>>
            %dma_wait3A_316 = arith.constant 0 : i32
            %dma_wait3A_317 = tpu.memref_slice %dma_wait3A_315[%run_scoped3A_229, %dma_wait3A_316] : memref<1x128xi32, #tpu.memory_space<vmem>> -> memref<1x128xi32, #tpu.memory_space<vmem>>
            %dma_wait3A_318 = tpu.memref_squeeze %dma_wait3A_317 : memref<1x128xi32, #tpu.memory_space<vmem>> -> memref<128xi32, #tpu.memory_space<vmem>>
            %dma_wait3A_319 = arith.constant 0 : i32
            %dma_wait3A_320 = arith.constant 0 : i32
            %dma_wait3A_321 = tpu.memref_slice %arg2[%dma_wait3A_319, %dma_wait3A_320] : memref<100000x32xf32, #tpu.memory_space<hbm>> -> memref<100000x32xf32, #tpu.memory_space<hbm>>
            tpu.wait_indirect_dma semaphore(%run_scoped3A_294 : memref<!tpu.dma_semaphore, #tpu.memory_space<semaphore_mem>>) src(%dma_wait3A_321 : memref<100000x32xf32, #tpu.memory_space<hbm>>) dst(%dma_wait3A_311 : memref<128x32xf32, #tpu.memory_space<vmem>>)
            tpu.yield
          }) : () -> ()
          "tpu.trace_stop"() : () -> ()
          %ne3A_230 = arith.cmpi ne, %add3A_155, %add3A_173 : i32
          %or3A_231 = arith.constant false
          %or3A_232 = arith.ori %or3A_231, %ne3A_230 : i1
          %or3A_233 = arith.ori %or3A_232, %eq3A_154 : i1
          %convert_element_type3A_234 = arith.extui %or3A_233 : i1 to i32
          %cond3A_235 = arith.constant 0 : i32
          %cond3A_236 = arith.cmpi ne, %convert_element_type3A_234, %cond3A_235 : i32
          scf.if %cond3A_236 {
          } else {
          }
          %and3A_237 = arith.constant false
          %and3A_238 = arith.andi %or3A_233, %and3A_237 : i1
          %ne3A_239 = arith.cmpi ne, %add3A_155, %add3A_173 : i32
          %or3A_240 = arith.constant false
          %or3A_241 = arith.ori %or3A_240, %ne3A_239 : i1
          %or3A_242 = arith.constant false
          %or3A_243 = arith.ori %or3A_241, %or3A_242 : i1
          %or3A_244 = arith.ori %or3A_243, %eq3A_154 : i1
          %convert_element_type3A_245 = arith.extui %or3A_244 : i1 to i32
          %cond3A_246 = arith.constant 0 : i32
          %cond3A_247 = arith.cmpi ne, %convert_element_type3A_245, %cond3A_246 : i32
          scf.if %cond3A_247 {
            "tpu.trace_start"() <{level = 10 : i32, message = "ep_copy_out"}> : () -> ()
            %rem3A_294 = arith.constant 2 : i32
            %rem3A_295 = arith.remui %while3A_145, %rem3A_294 : i32
            %mul3A_296 = arith.constant 128 : i32
            %mul3A_297 = arith.muli %mul3A_296, %add3A_155 : i32
            %dma_start3A_298 = arith.constant 0 : i32
            %dma_start3A_299 = arith.constant 0 : i32
            %dma_start3A_300 = tpu.memref_slice %run_scoped3A_18[%rem3A_295, %dma_start3A_298, %dma_start3A_299] : memref<2x128x32xf32, #tpu.memory_space<vmem>> -> memref<1x128x32xf32, #tpu.memory_space<vmem>>
            %dma_start3A_301 = tpu.memref_squeeze %dma_start3A_300 : memref<1x128x32xf32, #tpu.memory_space<vmem>> -> memref<128x32xf32, #tpu.memory_space<vmem>>
            %dma_start3A_302 = arith.constant 0 : i32
            %dma_start3A_303 = tpu.memref_slice %arg4[%mul3A_297, %dma_start3A_302] : memref<3200000x32xf32, #tpu.memory_space<hbm>> -> memref<128x32xf32, #tpu.memory_space<hbm>>
            %dma_start3A_304 = tpu.memref_slice %run_scoped3A_19[%rem3A_295] : memref<2x!tpu.dma_semaphore, #tpu.memory_space<semaphore_mem>> -> memref<1x!tpu.dma_semaphore, #tpu.memory_space<semaphore_mem>>
            %dma_start3A_305 = tpu.memref_squeeze %dma_start3A_304 : memref<1x!tpu.dma_semaphore, #tpu.memory_space<semaphore_mem>> -> memref<!tpu.dma_semaphore, #tpu.memory_space<semaphore_mem>>
            %dma_start3A_306 = arith.constant 0 : i32
            %dma_start3A_307 = tpu.memref_slice %arg4[%mul3A_297, %dma_start3A_306] : memref<3200000x32xf32, #tpu.memory_space<hbm>> -> memref<128x32xf32, #tpu.memory_space<hbm>>
            %dma_start3A_308 = arith.constant 0 : i32
            %dma_start3A_309 = arith.constant 0 : i32
            %dma_start3A_310 = tpu.memref_slice %run_scoped3A_18[%rem3A_295, %dma_start3A_308, %dma_start3A_309] : memref<2x128x32xf32, #tpu.memory_space<vmem>> -> memref<1x128x32xf32, #tpu.memory_space<vmem>>
            %dma_start3A_311 = tpu.memref_squeeze %dma_start3A_310 : memref<1x128x32xf32, #tpu.memory_space<vmem>> -> memref<128x32xf32, #tpu.memory_space<vmem>>
            tpu.enqueue_dma source(%dma_start3A_311 : memref<128x32xf32, #tpu.memory_space<vmem>>) target(%dma_start3A_307 : memref<128x32xf32, #tpu.memory_space<hbm>>) target_semaphore(%dma_start3A_305 : memref<!tpu.dma_semaphore, #tpu.memory_space<semaphore_mem>>)
            "tpu.trace_stop"() : () -> ()
          } else {
          }
          %and3A_248 = arith.constant true
          %and3A_249 = arith.andi %or3A_244, %and3A_248 : i1
          %add3A_250 = arith.constant 1 : i32
          %add3A_251 = arith.addi %while3A_145, %add3A_250 : i32
          %select_n3A_252 = arith.select %and3A_249, %add3A_251, %while3A_145 : i32
          %ne3A_253 = arith.cmpi ne, %add3A_155, %add3A_165 : i32
          %or3A_254 = arith.constant false
          %or3A_255 = arith.ori %or3A_254, %ne3A_253 : i1
          %not3A_256 = arith.constant true
          %not3A_257 = arith.xori %eq3A_151, %not3A_256 : i1
          %and3A_258 = arith.andi %or3A_255, %not3A_257 : i1
          %convert_element_type3A_259 = arith.extui %and3A_258 : i1 to i32
          %cond3A_260 = arith.constant 0 : i32
          %cond3A_261 = arith.cmpi ne, %convert_element_type3A_259, %cond3A_260 : i32
          scf.if %cond3A_261 {
          } else {
          }
          %and3A_262 = arith.constant false
          %and3A_263 = arith.andi %and3A_258, %and3A_262 : i1
          %ne3A_264 = arith.cmpi ne, %add3A_155, %add3A_165 : i32
          %or3A_265 = arith.constant false
          %or3A_266 = arith.ori %or3A_265, %ne3A_264 : i1
          %or3A_267 = arith.constant false
          %or3A_268 = arith.ori %or3A_266, %or3A_267 : i1
          %not3A_269 = arith.constant true
          %not3A_270 = arith.xori %eq3A_151, %not3A_269 : i1
          %and3A_271 = arith.andi %or3A_268, %not3A_270 : i1
          %convert_element_type3A_272 = arith.extui %and3A_271 : i1 to i32
          %cond3A_273 = arith.constant 0 : i32
          %cond3A_274 = arith.cmpi ne, %convert_element_type3A_272, %cond3A_273 : i32
          scf.if %cond3A_274 {
            "tpu.trace_start"() <{level = 10 : i32, message = "ep_wait_out"}> : () -> ()
            %rem3A_294 = arith.constant 2 : i32
            %rem3A_295 = arith.remui %while3A_146, %rem3A_294 : i32
            %mul3A_296 = arith.constant 128 : i32
            %mul3A_297 = arith.muli %mul3A_296, %add3A_165 : i32
            %dma_wait3A = arith.constant 0 : i32
            %dma_wait3A_298 = arith.constant 0 : i32
            %dma_wait3A_299 = tpu.memref_slice %run_scoped3A_18[%rem3A_295, %dma_wait3A, %dma_wait3A_298] : memref<2x128x32xf32, #tpu.memory_space<vmem>> -> memref<1x128x32xf32, #tpu.memory_space<vmem>>
            %dma_wait3A_300 = tpu.memref_squeeze %dma_wait3A_299 : memref<1x128x32xf32, #tpu.memory_space<vmem>> -> memref<128x32xf32, #tpu.memory_space<vmem>>
            %dma_wait3A_301 = arith.constant 0 : i32
            %dma_wait3A_302 = tpu.memref_slice %arg4[%mul3A_297, %dma_wait3A_301] : memref<3200000x32xf32, #tpu.memory_space<hbm>> -> memref<128x32xf32, #tpu.memory_space<hbm>>
            %dma_wait3A_303 = tpu.memref_slice %run_scoped3A_19[%rem3A_295] : memref<2x!tpu.dma_semaphore, #tpu.memory_space<semaphore_mem>> -> memref<1x!tpu.dma_semaphore, #tpu.memory_space<semaphore_mem>>
            %dma_wait3A_304 = tpu.memref_squeeze %dma_wait3A_303 : memref<1x!tpu.dma_semaphore, #tpu.memory_space<semaphore_mem>> -> memref<!tpu.dma_semaphore, #tpu.memory_space<semaphore_mem>>
            %dma_wait3A_305 = arith.constant 0 : i32
            %dma_wait3A_306 = tpu.memref_slice %arg4[%mul3A_297, %dma_wait3A_305] : memref<3200000x32xf32, #tpu.memory_space<hbm>> -> memref<128x32xf32, #tpu.memory_space<hbm>>
            %dma_wait3A_307 = arith.constant 0 : i32
            %dma_wait3A_308 = arith.constant 0 : i32
            %dma_wait3A_309 = tpu.memref_slice %run_scoped3A_18[%rem3A_295, %dma_wait3A_307, %dma_wait3A_308] : memref<2x128x32xf32, #tpu.memory_space<vmem>> -> memref<1x128x32xf32, #tpu.memory_space<vmem>>
            %dma_wait3A_310 = tpu.memref_squeeze %dma_wait3A_309 : memref<1x128x32xf32, #tpu.memory_space<vmem>> -> memref<128x32xf32, #tpu.memory_space<vmem>>
            tpu.wait_dma2 semaphore(%dma_wait3A_304 : memref<!tpu.dma_semaphore, #tpu.memory_space<semaphore_mem>>) src(%dma_wait3A_310 : memref<128x32xf32, #tpu.memory_space<vmem>>) dst(%dma_wait3A_306 : memref<128x32xf32, #tpu.memory_space<hbm>>)
            "tpu.trace_stop"() : () -> ()
          } else {
          }
          %and3A_275 = arith.constant true
          %and3A_276 = arith.andi %and3A_271, %and3A_275 : i1
          %add3A_277 = arith.constant 1 : i32
          %add3A_278 = arith.addi %while3A_146, %add3A_277 : i32
          %select_n3A_279 = arith.select %and3A_276, %add3A_278, %while3A_146 : i32
          %ne3A_280 = arith.cmpi ne, %add3A_155, %add3A_173 : i32
          %or3A_281 = arith.constant false
          %or3A_282 = arith.ori %or3A_281, %ne3A_280 : i1
          %or3A_283 = arith.ori %or3A_282, %eq3A_154 : i1
          %add3A_284 = arith.constant 1 : i32
          %add3A_285 = arith.addi %while3A_144, %add3A_284 : i32
          %select_n3A_286 = arith.select %or3A_283, %add3A_285, %while3A_144 : i32
          %add3A_287 = arith.constant 1 : i32
          %add3A_288 = arith.addi %while3A_147, %add3A_287 : i32
          %select_n3A_289 = arith.constant true
          %select_n3A_290 = arith.select %select_n3A_289, %add3A_288, %while3A_147 : i32
          %eq3A_291 = arith.cmpi eq, %select_n3A_290, %select_n3A : i32
          %select_n3A_292 = arith.constant 0 : i32
          %select_n3A_293 = arith.select %eq3A_291, %select_n3A_292, %select_n3A_290 : i32
          scf.yield %select_n3A_195, %select_n3A_286, %select_n3A_252, %select_n3A_279, %select_n3A_293 : i32, i32, i32, i32, i32
        }
        %sub3A_91 = arith.constant 1 : i32
        %sub3A_92 = arith.subi %while3A_90#4, %sub3A_91 : i32
        %select_n3A_93 = arith.constant true
        %select_n3A_94 = arith.select %select_n3A_93, %sub3A_92, %while3A_90#4 : i32
        %eq3A_95 = arith.constant -1 : i32
        %eq3A_96 = arith.cmpi eq, %select_n3A_94, %eq3A_95 : i32
        %sub3A_97 = arith.constant 1 : i32
        %sub3A_98 = arith.subi %select_n3A, %sub3A_97 : i32
        %select_n3A_99 = arith.select %eq3A_96, %sub3A_98, %select_n3A_94 : i32
        %sub3A_100 = arith.constant 1 : i32
        %sub3A_101 = arith.subi %mul3A_16, %sub3A_100 : i32
        %mul3A_102 = arith.constant 1 : i32
        %mul3A_103 = arith.muli %mul3A_102, %select_n3A : i32
        %eq3A_104 = arith.constant 0 : i32
        %eq3A_105 = arith.cmpi eq, %sub3A_101, %eq3A_104 : i32
        %sub3A_106 = arith.constant 1 : i32
        %sub3A_107 = arith.subi %mul3A_103, %sub3A_106 : i32
        %eq3A_108 = arith.cmpi eq, %sub3A_101, %sub3A_107 : i32
        %add3A_109 = arith.addi %select_n3A_99, %select_n3A_14 : i32
        %sub3A_110 = arith.constant 1 : i32
        %sub3A_111 = arith.subi %select_n3A_99, %sub3A_110 : i32
        %select_n3A_112 = arith.constant true
        %select_n3A_113 = arith.select %select_n3A_112, %sub3A_111, %select_n3A_99 : i32
        %eq3A_114 = arith.constant -1 : i32
        %eq3A_115 = arith.cmpi eq, %select_n3A_113, %eq3A_114 : i32
        %sub3A_116 = arith.constant 1 : i32
        %sub3A_117 = arith.subi %select_n3A, %sub3A_116 : i32
        %select_n3A_118 = arith.select %eq3A_115, %sub3A_117, %select_n3A_113 : i32
        %add3A_119 = arith.addi %select_n3A_118, %select_n3A_14 : i32
        %add3A_120 = arith.constant 1 : i32
        %add3A_121 = arith.addi %select_n3A_99, %add3A_120 : i32
        %select_n3A_122 = arith.constant true
        %select_n3A_123 = arith.select %select_n3A_122, %add3A_121, %select_n3A_99 : i32
        %eq3A_124 = arith.cmpi eq, %select_n3A_123, %select_n3A : i32
        %select_n3A_125 = arith.constant 0 : i32
        %select_n3A_126 = arith.select %eq3A_124, %select_n3A_125, %select_n3A_123 : i32
        %add3A_127 = arith.addi %select_n3A_126, %select_n3A_14 : i32
        %add3A_128 = arith.constant 1 : i32
        %add3A_129 = arith.addi %select_n3A_126, %add3A_128 : i32
        %select_n3A_130 = arith.constant true
        %select_n3A_131 = arith.select %select_n3A_130, %add3A_129, %select_n3A_126 : i32
        %eq3A_132 = arith.cmpi eq, %select_n3A_131, %select_n3A : i32
        %select_n3A_133 = arith.constant 0 : i32
        %select_n3A_134 = arith.select %eq3A_132, %select_n3A_133, %select_n3A_131 : i32
        %add3A_135 = arith.addi %select_n3A_134, %select_n3A_14 : i32
        %convert_element_type3A_136 = arith.extui %eq3A_108 : i1 to i32
        %cond3A_137 = arith.constant 0 : i32
        %cond3A_138 = arith.cmpi ne, %convert_element_type3A_136, %cond3A_137 : i32
        scf.if %cond3A_138 {
        } else {
        }
        %convert_element_type3A_139 = arith.extui %eq3A_108 : i1 to i32
        %cond3A_140 = arith.constant 0 : i32
        %cond3A_141 = arith.cmpi ne, %convert_element_type3A_139, %cond3A_140 : i32
        scf.if %cond3A_141 {
          "tpu.trace_start"() <{level = 10 : i32, message = "ep_finalize"}> : () -> ()
          %rem3A_142 = arith.constant 2 : i32
          %rem3A_143 = arith.remui %while3A_90#3, %rem3A_142 : i32
          %mul3A_144 = arith.constant 128 : i32
          %mul3A_145 = arith.muli %mul3A_144, %add3A_109 : i32
          %dma_wait3A = arith.constant 0 : i32
          %dma_wait3A_146 = arith.constant 0 : i32
          %dma_wait3A_147 = tpu.memref_slice %run_scoped3A_18[%rem3A_143, %dma_wait3A, %dma_wait3A_146] : memref<2x128x32xf32, #tpu.memory_space<vmem>> -> memref<1x128x32xf32, #tpu.memory_space<vmem>>
          %dma_wait3A_148 = tpu.memref_squeeze %dma_wait3A_147 : memref<1x128x32xf32, #tpu.memory_space<vmem>> -> memref<128x32xf32, #tpu.memory_space<vmem>>
          %dma_wait3A_149 = arith.constant 0 : i32
          %dma_wait3A_150 = tpu.memref_slice %arg4[%mul3A_145, %dma_wait3A_149] : memref<3200000x32xf32, #tpu.memory_space<hbm>> -> memref<128x32xf32, #tpu.memory_space<hbm>>
          %dma_wait3A_151 = tpu.memref_slice %run_scoped3A_19[%rem3A_143] : memref<2x!tpu.dma_semaphore, #tpu.memory_space<semaphore_mem>> -> memref<1x!tpu.dma_semaphore, #tpu.memory_space<semaphore_mem>>
          %dma_wait3A_152 = tpu.memref_squeeze %dma_wait3A_151 : memref<1x!tpu.dma_semaphore, #tpu.memory_space<semaphore_mem>> -> memref<!tpu.dma_semaphore, #tpu.memory_space<semaphore_mem>>
          %dma_wait3A_153 = arith.constant 0 : i32
          %dma_wait3A_154 = tpu.memref_slice %arg4[%mul3A_145, %dma_wait3A_153] : memref<3200000x32xf32, #tpu.memory_space<hbm>> -> memref<128x32xf32, #tpu.memory_space<hbm>>
          %dma_wait3A_155 = arith.constant 0 : i32
          %dma_wait3A_156 = arith.constant 0 : i32
          %dma_wait3A_157 = tpu.memref_slice %run_scoped3A_18[%rem3A_143, %dma_wait3A_155, %dma_wait3A_156] : memref<2x128x32xf32, #tpu.memory_space<vmem>> -> memref<1x128x32xf32, #tpu.memory_space<vmem>>
          %dma_wait3A_158 = tpu.memref_squeeze %dma_wait3A_157 : memref<1x128x32xf32, #tpu.memory_space<vmem>> -> memref<128x32xf32, #tpu.memory_space<vmem>>
          tpu.wait_dma2 semaphore(%dma_wait3A_152 : memref<!tpu.dma_semaphore, #tpu.memory_space<semaphore_mem>>) src(%dma_wait3A_158 : memref<128x32xf32, #tpu.memory_space<vmem>>) dst(%dma_wait3A_154 : memref<128x32xf32, #tpu.memory_space<hbm>>)
          "tpu.trace_stop"() : () -> ()
        } else {
        }
      } else {
      }
      tpu.yield
    }) : () -> ()
    return
  }
}

#map = affine_map<(d0, d1) -> (0, 0)>
module attributes {stable_mosaic.version = 14 : i64} {
  func.func @k(%arg0: i32, %arg1: i32, %arg2: memref<1600000x32xf32, #tpu.memory_space<hbm>>, %arg3: memref<1x1600000xi32, #tpu.memory_space<hbm>>, %arg4: memref<50176x32xf32, #tpu.memory_space<hbm>>, %arg5: memref<100000x32xf32, #tpu.memory_space<hbm>>, %arg6: memref<50176x32xf32, #tpu.memory_space<vmem_shared>>, %arg7: memref<1x128xi32, #tpu.memory_space<vmem>>) attributes {dimension_semantics = [#tpu.dimension_semantics<core_parallel>, #tpu.dimension_semantics<subcore_parallel>], iteration_bounds = array<i64: 2, 16>, scalar_prefetch = 0 : i64, scratch_operands = 2 : i64, tpu.core_type = #tpu.core_type<sc_vector_subcore>, window_params = [{transform_indices = #map}, {transform_indices = #map}, {transform_indices = #map}, {transform_indices = #map}]} {
    %mul3A = arith.constant 3136 : i32
    %mul3A_0 = arith.muli %arg1, %mul3A : i32
    %mul3A_1 = arith.constant 3136 : i32
    %mul3A_2 = arith.muli %arg1, %mul3A_1 : i32
    "tpu.region"() ({
      %run_scoped3A = tpu.sem_alloc : memref<!tpu.dma_semaphore, #tpu.memory_space<semaphore_mem>>
      %dma_start3A = arith.constant 0 : i32
      %dma_start3A_22 = tpu.memref_slice %arg6[%mul3A_2, %dma_start3A] : memref<50176x32xf32, #tpu.memory_space<vmem_shared>> -> memref<3136x32xf32, #tpu.memory_space<vmem_shared>>
      %dma_start3A_23 = arith.constant 0 : i32
      %dma_start3A_24 = tpu.memref_slice %arg4[%mul3A_0, %dma_start3A_23] : memref<50176x32xf32, #tpu.memory_space<hbm>> -> memref<3136x32xf32, #tpu.memory_space<hbm>>
      tpu.enqueue_dma source(%dma_start3A_24 : memref<3136x32xf32, #tpu.memory_space<hbm>>) target(%dma_start3A_22 : memref<3136x32xf32, #tpu.memory_space<vmem_shared>>) target_semaphore(%run_scoped3A : memref<!tpu.dma_semaphore, #tpu.memory_space<semaphore_mem>>)
      %dma_wait3A = arith.constant 0 : i32
      %dma_wait3A_25 = tpu.memref_slice %arg6[%mul3A_2, %dma_wait3A] : memref<50176x32xf32, #tpu.memory_space<vmem_shared>> -> memref<3136x32xf32, #tpu.memory_space<vmem_shared>>
      %dma_wait3A_26 = arith.constant 0 : i32
      %dma_wait3A_27 = tpu.memref_slice %arg4[%mul3A_0, %dma_wait3A_26] : memref<50176x32xf32, #tpu.memory_space<hbm>> -> memref<3136x32xf32, #tpu.memory_space<hbm>>
      tpu.wait_dma2 semaphore(%run_scoped3A : memref<!tpu.dma_semaphore, #tpu.memory_space<semaphore_mem>>) src(%dma_wait3A_27 : memref<3136x32xf32, #tpu.memory_space<hbm>>) dst(%dma_wait3A_25 : memref<3136x32xf32, #tpu.memory_space<vmem_shared>>)
      tpu.yield
    }) : () -> ()
    %barrier3A = arith.constant 0 : index
    tpu.barrier barrier_id(%barrier3A)
    %mul3A_3 = arith.constant 50000 : i32
    %mul3A_4 = arith.muli %arg0, %mul3A_3 : i32
    %lt3A = arith.constant 4 : i32
    %lt3A_5 = arith.cmpi slt, %arg1, %lt3A : i32
    %jit3A = arith.constant 782 : i32
    %jit3A_6 = arith.constant 781 : i32
    %select_n3A = arith.select %lt3A_5, %jit3A, %jit3A_6 : i32
    %lt3A_7 = arith.constant 4 : i32
    %lt3A_8 = arith.cmpi slt, %arg1, %lt3A_7 : i32
    %mul3A_9 = arith.muli %arg1, %select_n3A : i32
    %mul3A_10 = arith.constant 781 : i32
    %mul3A_11 = arith.muli %arg1, %mul3A_10 : i32
    %add3A = arith.constant 4 : i32
    %add3A_12 = arith.addi %mul3A_11, %add3A : i32
    %select_n3A_13 = arith.select %lt3A_8, %mul3A_9, %add3A_12 : i32
    %mul3A_14 = arith.constant 1 : i32
    %mul3A_15 = arith.muli %mul3A_14, %select_n3A : i32
    "tpu.region"() ({
      %run_scoped3A = memref.alloca() : memref<2x128x32xf32, #tpu.memory_space<vmem>>
      %run_scoped3A_22 = tpu.sem_alloc : memref<2x!tpu.dma_semaphore, #tpu.memory_space<semaphore_mem>>
      %run_scoped3A_23 = memref.alloca() : memref<2x1x128xi32, #tpu.memory_space<vmem>>
      %run_scoped3A_24 = tpu.sem_alloc : memref<2x!tpu.dma_semaphore, #tpu.memory_space<semaphore_mem>>
      %gt3A = arith.constant 0 : i32
      %gt3A_25 = arith.cmpi sgt, %mul3A_15, %gt3A : i32
      %convert_element_type3A = arith.extui %gt3A_25 : i1 to i32
      %cond3A = arith.constant 0 : i32
      %cond3A_26 = arith.cmpi ne, %convert_element_type3A, %cond3A : i32
      scf.if %cond3A_26 {
        %mul3A_27 = arith.constant 1 : i32
        %mul3A_28 = arith.muli %mul3A_27, %select_n3A : i32
        %sub3A = arith.constant 1 : i32
        %sub3A_29 = arith.subi %mul3A_28, %sub3A : i32
        %eq3A = arith.constant 0 : i32
        %eq3A_30 = arith.cmpi eq, %sub3A_29, %eq3A : i32
        %add3A_31 = arith.constant 0 : i32
        %add3A_32 = arith.addi %add3A_31, %select_n3A_13 : i32
        %select_n3A_33 = arith.constant true
        %select_n3A_34 = arith.constant 0 : i32
        %select_n3A_35 = arith.constant -1 : i32
        %select_n3A_36 = arith.select %select_n3A_33, %select_n3A_35, %select_n3A_34 : i32
        %eq3A_37 = arith.constant -1 : i32
        %eq3A_38 = arith.cmpi eq, %select_n3A_36, %eq3A_37 : i32
        %sub3A_39 = arith.constant 1 : i32
        %sub3A_40 = arith.subi %select_n3A, %sub3A_39 : i32
        %select_n3A_41 = arith.select %eq3A_38, %sub3A_40, %select_n3A_36 : i32
        %add3A_42 = arith.addi %select_n3A_41, %select_n3A_13 : i32
        %select_n3A_43 = arith.constant true
        %select_n3A_44 = arith.constant 0 : i32
        %select_n3A_45 = arith.constant 1 : i32
        %select_n3A_46 = arith.select %select_n3A_43, %select_n3A_45, %select_n3A_44 : i32
        %eq3A_47 = arith.cmpi eq, %select_n3A_46, %select_n3A : i32
        %select_n3A_48 = arith.constant 0 : i32
        %select_n3A_49 = arith.select %eq3A_47, %select_n3A_48, %select_n3A_46 : i32
        %add3A_50 = arith.addi %select_n3A_49, %select_n3A_13 : i32
        %add3A_51 = arith.constant 1 : i32
        %add3A_52 = arith.addi %select_n3A_49, %add3A_51 : i32
        %select_n3A_53 = arith.constant true
        %select_n3A_54 = arith.select %select_n3A_53, %add3A_52, %select_n3A_49 : i32
        %eq3A_55 = arith.cmpi eq, %select_n3A_54, %select_n3A : i32
        %select_n3A_56 = arith.constant 0 : i32
        %select_n3A_57 = arith.select %eq3A_55, %select_n3A_56, %select_n3A_54 : i32
        %add3A_58 = arith.addi %select_n3A_57, %select_n3A_13 : i32
        "tpu.trace_start"() <{level = 10 : i32, message = "ep_initialize_0"}> : () -> ()
        %rem3A = arith.constant 0 : i32
        %rem3A_59 = arith.constant 2 : i32
        %rem3A_60 = arith.remui %rem3A, %rem3A_59 : i32
        %mul3A_61 = arith.constant 128 : i32
        %mul3A_62 = arith.muli %mul3A_61, %add3A_32 : i32
        %dma_start3A = arith.constant 0 : i32
        %dma_start3A_63 = arith.constant 0 : i32
        %dma_start3A_64 = tpu.memref_slice %run_scoped3A[%rem3A_60, %dma_start3A, %dma_start3A_63] : memref<2x128x32xf32, #tpu.memory_space<vmem>> -> memref<1x128x32xf32, #tpu.memory_space<vmem>>
        %dma_start3A_65 = tpu.memref_squeeze %dma_start3A_64 : memref<1x128x32xf32, #tpu.memory_space<vmem>> -> memref<128x32xf32, #tpu.memory_space<vmem>>
        %dma_start3A_66 = arith.constant 0 : i32
        %dma_start3A_67 = tpu.memref_slice %arg2[%mul3A_62, %dma_start3A_66] : memref<1600000x32xf32, #tpu.memory_space<hbm>> -> memref<128x32xf32, #tpu.memory_space<hbm>>
        %dma_start3A_68 = tpu.memref_slice %run_scoped3A_22[%rem3A_60] : memref<2x!tpu.dma_semaphore, #tpu.memory_space<semaphore_mem>> -> memref<1x!tpu.dma_semaphore, #tpu.memory_space<semaphore_mem>>
        %dma_start3A_69 = tpu.memref_squeeze %dma_start3A_68 : memref<1x!tpu.dma_semaphore, #tpu.memory_space<semaphore_mem>> -> memref<!tpu.dma_semaphore, #tpu.memory_space<semaphore_mem>>
        %dma_start3A_70 = arith.constant 0 : i32
        %dma_start3A_71 = arith.constant 0 : i32
        %dma_start3A_72 = tpu.memref_slice %run_scoped3A[%rem3A_60, %dma_start3A_70, %dma_start3A_71] : memref<2x128x32xf32, #tpu.memory_space<vmem>> -> memref<1x128x32xf32, #tpu.memory_space<vmem>>
        %dma_start3A_73 = tpu.memref_squeeze %dma_start3A_72 : memref<1x128x32xf32, #tpu.memory_space<vmem>> -> memref<128x32xf32, #tpu.memory_space<vmem>>
        %dma_start3A_74 = arith.constant 0 : i32
        %dma_start3A_75 = tpu.memref_slice %arg2[%mul3A_62, %dma_start3A_74] : memref<1600000x32xf32, #tpu.memory_space<hbm>> -> memref<128x32xf32, #tpu.memory_space<hbm>>
        tpu.enqueue_dma source(%dma_start3A_75 : memref<128x32xf32, #tpu.memory_space<hbm>>) target(%dma_start3A_73 : memref<128x32xf32, #tpu.memory_space<vmem>>) target_semaphore(%dma_start3A_69 : memref<!tpu.dma_semaphore, #tpu.memory_space<semaphore_mem>>)
        %add3A_76 = arith.constant 0 : i32
        %add3A_77 = arith.constant 1 : i32
        %add3A_78 = arith.addi %add3A_76, %add3A_77 : i32
        %select_n3A_79 = arith.constant true
        %select_n3A_80 = arith.constant 0 : i32
        %select_n3A_81 = arith.select %select_n3A_79, %add3A_78, %select_n3A_80 : i32
        %rem3A_82 = arith.constant 0 : i32
        %rem3A_83 = arith.constant 2 : i32
        %rem3A_84 = arith.remui %rem3A_82, %rem3A_83 : i32
        %mul3A_85 = arith.constant 128 : i32
        %mul3A_86 = arith.muli %mul3A_85, %add3A_32 : i32
        %dma_start3A_87 = arith.constant 0 : i32
        %dma_start3A_88 = arith.constant 0 : i32
        %dma_start3A_89 = tpu.memref_slice %run_scoped3A_23[%rem3A_84, %dma_start3A_87, %dma_start3A_88] : memref<2x1x128xi32, #tpu.memory_space<vmem>> -> memref<1x1x128xi32, #tpu.memory_space<vmem>>
        %dma_start3A_90 = tpu.memref_squeeze %dma_start3A_89 : memref<1x1x128xi32, #tpu.memory_space<vmem>> -> memref<1x128xi32, #tpu.memory_space<vmem>>
        %dma_start3A_91 = arith.constant 0 : i32
        %dma_start3A_92 = tpu.memref_slice %arg3[%dma_start3A_91, %mul3A_86] : memref<1x1600000xi32, #tpu.memory_space<hbm>> -> memref<1x128xi32, #tpu.memory_space<hbm>>
        %dma_start3A_93 = tpu.memref_slice %run_scoped3A_24[%rem3A_84] : memref<2x!tpu.dma_semaphore, #tpu.memory_space<semaphore_mem>> -> memref<1x!tpu.dma_semaphore, #tpu.memory_space<semaphore_mem>>
        %dma_start3A_94 = tpu.memref_squeeze %dma_start3A_93 : memref<1x!tpu.dma_semaphore, #tpu.memory_space<semaphore_mem>> -> memref<!tpu.dma_semaphore, #tpu.memory_space<semaphore_mem>>
        %dma_start3A_95 = arith.constant 0 : i32
        %dma_start3A_96 = arith.constant 0 : i32
        %dma_start3A_97 = tpu.memref_slice %run_scoped3A_23[%rem3A_84, %dma_start3A_95, %dma_start3A_96] : memref<2x1x128xi32, #tpu.memory_space<vmem>> -> memref<1x1x128xi32, #tpu.memory_space<vmem>>
        %dma_start3A_98 = tpu.memref_squeeze %dma_start3A_97 : memref<1x1x128xi32, #tpu.memory_space<vmem>> -> memref<1x128xi32, #tpu.memory_space<vmem>>
        %dma_start3A_99 = arith.constant 0 : i32
        %dma_start3A_100 = tpu.memref_slice %arg3[%dma_start3A_99, %mul3A_86] : memref<1x1600000xi32, #tpu.memory_space<hbm>> -> memref<1x128xi32, #tpu.memory_space<hbm>>
        tpu.enqueue_dma source(%dma_start3A_100 : memref<1x128xi32, #tpu.memory_space<hbm>>) target(%dma_start3A_98 : memref<1x128xi32, #tpu.memory_space<vmem>>) target_semaphore(%dma_start3A_94 : memref<!tpu.dma_semaphore, #tpu.memory_space<semaphore_mem>>)
        %add3A_101 = arith.constant 0 : i32
        %add3A_102 = arith.constant 1 : i32
        %add3A_103 = arith.addi %add3A_101, %add3A_102 : i32
        %select_n3A_104 = arith.constant true
        %select_n3A_105 = arith.constant 0 : i32
        %select_n3A_106 = arith.select %select_n3A_104, %add3A_103, %select_n3A_105 : i32
        %while3A = arith.constant 0 : i32
        %while3A_107 = arith.constant 0 : i32
        %while3A_108 = arith.constant 0 : i32
        %while3A_109 = arith.constant 0 : i32
        "tpu.trace_stop"() : () -> ()
        %while3A_110 = arith.subi %mul3A_15, %while3A : i32
        %while3A_111 = arith.addi %while3A, %while3A_110 : i32
        %while3A_112 = arith.constant 1 : i32
        %while3A_113 = arith.divsi %while3A_110, %while3A_112 : i32
        %while3A_114 = arith.muli %while3A_113, %while3A_112 : i32
        %while3A_115 = arith.addi %while3A, %while3A_114 : i32
        %while3A_116 = arith.constant 1 : i32
        %while3A_117:5 = scf.for %while3A_171 = %while3A to %while3A_115 step %while3A_116 iter_args(%while3A_172 = %select_n3A_81, %while3A_173 = %while3A_107, %while3A_174 = %select_n3A_106, %while3A_175 = %while3A_108, %while3A_176 = %while3A_109) -> (i32, i32, i32, i32, i32)  : i32 {
          %mul3A_177 = arith.constant 1 : i32
          %mul3A_178 = arith.muli %mul3A_177, %select_n3A : i32
          %eq3A_179 = arith.constant 0 : i32
          %eq3A_180 = arith.cmpi eq, %while3A_171, %eq3A_179 : i32
          %sub3A_181 = arith.constant 1 : i32
          %sub3A_182 = arith.subi %mul3A_178, %sub3A_181 : i32
          %eq3A_183 = arith.cmpi eq, %while3A_171, %sub3A_182 : i32
          %add3A_184 = arith.addi %while3A_176, %select_n3A_13 : i32
          %sub3A_185 = arith.constant 1 : i32
          %sub3A_186 = arith.subi %while3A_176, %sub3A_185 : i32
          %select_n3A_187 = arith.constant true
          %select_n3A_188 = arith.select %select_n3A_187, %sub3A_186, %while3A_176 : i32
          %eq3A_189 = arith.constant -1 : i32
          %eq3A_190 = arith.cmpi eq, %select_n3A_188, %eq3A_189 : i32
          %sub3A_191 = arith.constant 1 : i32
          %sub3A_192 = arith.subi %select_n3A, %sub3A_191 : i32
          %select_n3A_193 = arith.select %eq3A_190, %sub3A_192, %select_n3A_188 : i32
          %add3A_194 = arith.addi %select_n3A_193, %select_n3A_13 : i32
          %add3A_195 = arith.constant 1 : i32
          %add3A_196 = arith.addi %while3A_176, %add3A_195 : i32
          %select_n3A_197 = arith.constant true
          %select_n3A_198 = arith.select %select_n3A_197, %add3A_196, %while3A_176 : i32
          %eq3A_199 = arith.cmpi eq, %select_n3A_198, %select_n3A : i32
          %select_n3A_200 = arith.constant 0 : i32
          %select_n3A_201 = arith.select %eq3A_199, %select_n3A_200, %select_n3A_198 : i32
          %add3A_202 = arith.addi %select_n3A_201, %select_n3A_13 : i32
          %add3A_203 = arith.constant 1 : i32
          %add3A_204 = arith.addi %select_n3A_201, %add3A_203 : i32
          %select_n3A_205 = arith.constant true
          %select_n3A_206 = arith.select %select_n3A_205, %add3A_204, %select_n3A_201 : i32
          %eq3A_207 = arith.cmpi eq, %select_n3A_206, %select_n3A : i32
          %select_n3A_208 = arith.constant 0 : i32
          %select_n3A_209 = arith.select %eq3A_207, %select_n3A_208, %select_n3A_206 : i32
          %add3A_210 = arith.addi %select_n3A_209, %select_n3A_13 : i32
          %ne3A = arith.cmpi ne, %add3A_184, %add3A_202 : i32
          %or3A = arith.constant false
          %or3A_211 = arith.ori %or3A, %ne3A : i1
          %or3A_212 = arith.constant false
          %or3A_213 = arith.ori %or3A_211, %or3A_212 : i1
          %sub3A_214 = arith.constant 2 : i32
          %sub3A_215 = arith.subi %mul3A_178, %sub3A_214 : i32
          %add3A_216 = arith.constant 1 : i32
          %add3A_217 = arith.addi %sub3A_215, %add3A_216 : i32
          %ge3A = arith.cmpi sge, %while3A_171, %add3A_217 : i32
          %not3A = arith.constant true
          %not3A_218 = arith.xori %ge3A, %not3A : i1
          %and3A = arith.andi %or3A_213, %not3A_218 : i1
          %convert_element_type3A_219 = arith.extui %and3A : i1 to i32
          %cond3A_220 = arith.constant 0 : i32
          %cond3A_221 = arith.cmpi ne, %convert_element_type3A_219, %cond3A_220 : i32
          scf.if %cond3A_221 {
            "tpu.trace_start"() <{level = 10 : i32, message = "ep_copy_in"}> : () -> ()
            %rem3A_547 = arith.constant 2 : i32
            %rem3A_548 = arith.remui %while3A_172, %rem3A_547 : i32
            %mul3A_549 = arith.constant 128 : i32
            %mul3A_550 = arith.muli %mul3A_549, %add3A_202 : i32
            %dma_start3A_551 = arith.constant 0 : i32
            %dma_start3A_552 = arith.constant 0 : i32
            %dma_start3A_553 = tpu.memref_slice %run_scoped3A[%rem3A_548, %dma_start3A_551, %dma_start3A_552] : memref<2x128x32xf32, #tpu.memory_space<vmem>> -> memref<1x128x32xf32, #tpu.memory_space<vmem>>
            %dma_start3A_554 = tpu.memref_squeeze %dma_start3A_553 : memref<1x128x32xf32, #tpu.memory_space<vmem>> -> memref<128x32xf32, #tpu.memory_space<vmem>>
            %dma_start3A_555 = arith.constant 0 : i32
            %dma_start3A_556 = tpu.memref_slice %arg2[%mul3A_550, %dma_start3A_555] : memref<1600000x32xf32, #tpu.memory_space<hbm>> -> memref<128x32xf32, #tpu.memory_space<hbm>>
            %dma_start3A_557 = tpu.memref_slice %run_scoped3A_22[%rem3A_548] : memref<2x!tpu.dma_semaphore, #tpu.memory_space<semaphore_mem>> -> memref<1x!tpu.dma_semaphore, #tpu.memory_space<semaphore_mem>>
            %dma_start3A_558 = tpu.memref_squeeze %dma_start3A_557 : memref<1x!tpu.dma_semaphore, #tpu.memory_space<semaphore_mem>> -> memref<!tpu.dma_semaphore, #tpu.memory_space<semaphore_mem>>
            %dma_start3A_559 = arith.constant 0 : i32
            %dma_start3A_560 = arith.constant 0 : i32
            %dma_start3A_561 = tpu.memref_slice %run_scoped3A[%rem3A_548, %dma_start3A_559, %dma_start3A_560] : memref<2x128x32xf32, #tpu.memory_space<vmem>> -> memref<1x128x32xf32, #tpu.memory_space<vmem>>
            %dma_start3A_562 = tpu.memref_squeeze %dma_start3A_561 : memref<1x128x32xf32, #tpu.memory_space<vmem>> -> memref<128x32xf32, #tpu.memory_space<vmem>>
            %dma_start3A_563 = arith.constant 0 : i32
            %dma_start3A_564 = tpu.memref_slice %arg2[%mul3A_550, %dma_start3A_563] : memref<1600000x32xf32, #tpu.memory_space<hbm>> -> memref<128x32xf32, #tpu.memory_space<hbm>>
            tpu.enqueue_dma source(%dma_start3A_564 : memref<128x32xf32, #tpu.memory_space<hbm>>) target(%dma_start3A_562 : memref<128x32xf32, #tpu.memory_space<vmem>>) target_semaphore(%dma_start3A_558 : memref<!tpu.dma_semaphore, #tpu.memory_space<semaphore_mem>>)
            "tpu.trace_stop"() : () -> ()
          } else {
          }
          %and3A_222 = arith.constant true
          %and3A_223 = arith.andi %and3A, %and3A_222 : i1
          %add3A_224 = arith.constant 1 : i32
          %add3A_225 = arith.addi %while3A_172, %add3A_224 : i32
          %select_n3A_226 = arith.select %and3A_223, %add3A_225, %while3A_172 : i32
          %ne3A_227 = arith.cmpi ne, %add3A_184, %add3A_202 : i32
          %or3A_228 = arith.constant false
          %or3A_229 = arith.ori %or3A_228, %ne3A_227 : i1
          %sub3A_230 = arith.constant 2 : i32
          %sub3A_231 = arith.subi %mul3A_178, %sub3A_230 : i32
          %add3A_232 = arith.constant 1 : i32
          %add3A_233 = arith.addi %sub3A_231, %add3A_232 : i32
          %ge3A_234 = arith.cmpi sge, %while3A_171, %add3A_233 : i32
          %not3A_235 = arith.constant true
          %not3A_236 = arith.xori %ge3A_234, %not3A_235 : i1
          %and3A_237 = arith.andi %or3A_229, %not3A_236 : i1
          %convert_element_type3A_238 = arith.extui %and3A_237 : i1 to i32
          %cond3A_239 = arith.constant 0 : i32
          %cond3A_240 = arith.cmpi ne, %convert_element_type3A_238, %cond3A_239 : i32
          scf.if %cond3A_240 {
            "tpu.trace_start"() <{level = 10 : i32, message = "ep_copy_in"}> : () -> ()
            %rem3A_547 = arith.constant 2 : i32
            %rem3A_548 = arith.remui %while3A_174, %rem3A_547 : i32
            %mul3A_549 = arith.constant 128 : i32
            %mul3A_550 = arith.muli %mul3A_549, %add3A_202 : i32
            %dma_start3A_551 = arith.constant 0 : i32
            %dma_start3A_552 = arith.constant 0 : i32
            %dma_start3A_553 = tpu.memref_slice %run_scoped3A_23[%rem3A_548, %dma_start3A_551, %dma_start3A_552] : memref<2x1x128xi32, #tpu.memory_space<vmem>> -> memref<1x1x128xi32, #tpu.memory_space<vmem>>
            %dma_start3A_554 = tpu.memref_squeeze %dma_start3A_553 : memref<1x1x128xi32, #tpu.memory_space<vmem>> -> memref<1x128xi32, #tpu.memory_space<vmem>>
            %dma_start3A_555 = arith.constant 0 : i32
            %dma_start3A_556 = tpu.memref_slice %arg3[%dma_start3A_555, %mul3A_550] : memref<1x1600000xi32, #tpu.memory_space<hbm>> -> memref<1x128xi32, #tpu.memory_space<hbm>>
            %dma_start3A_557 = tpu.memref_slice %run_scoped3A_24[%rem3A_548] : memref<2x!tpu.dma_semaphore, #tpu.memory_space<semaphore_mem>> -> memref<1x!tpu.dma_semaphore, #tpu.memory_space<semaphore_mem>>
            %dma_start3A_558 = tpu.memref_squeeze %dma_start3A_557 : memref<1x!tpu.dma_semaphore, #tpu.memory_space<semaphore_mem>> -> memref<!tpu.dma_semaphore, #tpu.memory_space<semaphore_mem>>
            %dma_start3A_559 = arith.constant 0 : i32
            %dma_start3A_560 = arith.constant 0 : i32
            %dma_start3A_561 = tpu.memref_slice %run_scoped3A_23[%rem3A_548, %dma_start3A_559, %dma_start3A_560] : memref<2x1x128xi32, #tpu.memory_space<vmem>> -> memref<1x1x128xi32, #tpu.memory_space<vmem>>
            %dma_start3A_562 = tpu.memref_squeeze %dma_start3A_561 : memref<1x1x128xi32, #tpu.memory_space<vmem>> -> memref<1x128xi32, #tpu.memory_space<vmem>>
            %dma_start3A_563 = arith.constant 0 : i32
            %dma_start3A_564 = tpu.memref_slice %arg3[%dma_start3A_563, %mul3A_550] : memref<1x1600000xi32, #tpu.memory_space<hbm>> -> memref<1x128xi32, #tpu.memory_space<hbm>>
            tpu.enqueue_dma source(%dma_start3A_564 : memref<1x128xi32, #tpu.memory_space<hbm>>) target(%dma_start3A_562 : memref<1x128xi32, #tpu.memory_space<vmem>>) target_semaphore(%dma_start3A_558 : memref<!tpu.dma_semaphore, #tpu.memory_space<semaphore_mem>>)
            "tpu.trace_stop"() : () -> ()
          } else {
          }
          %and3A_241 = arith.constant true
          %and3A_242 = arith.andi %and3A_237, %and3A_241 : i1
          %add3A_243 = arith.constant 1 : i32
          %add3A_244 = arith.addi %while3A_174, %add3A_243 : i32
          %select_n3A_245 = arith.select %and3A_242, %add3A_244, %while3A_174 : i32
          %ne3A_246 = arith.cmpi ne, %add3A_184, %add3A_194 : i32
          %or3A_247 = arith.constant false
          %or3A_248 = arith.ori %or3A_247, %ne3A_246 : i1
          %or3A_249 = arith.constant false
          %or3A_250 = arith.ori %or3A_248, %or3A_249 : i1
          %or3A_251 = arith.ori %or3A_250, %eq3A_180 : i1
          %convert_element_type3A_252 = arith.extui %or3A_251 : i1 to i32
          %cond3A_253 = arith.constant 0 : i32
          %cond3A_254 = arith.cmpi ne, %convert_element_type3A_252, %cond3A_253 : i32
          scf.if %cond3A_254 {
            "tpu.trace_start"() <{level = 10 : i32, message = "ep_wait_in"}> : () -> ()
            %mul3A_547 = arith.constant 128 : i32
            %mul3A_548 = arith.muli %mul3A_547, %add3A_184 : i32
            %rem3A_549 = arith.constant 2 : i32
            %rem3A_550 = arith.remui %while3A_173, %rem3A_549 : i32
            %dma_wait3A = arith.constant 0 : i32
            %dma_wait3A_551 = arith.constant 0 : i32
            %dma_wait3A_552 = tpu.memref_slice %run_scoped3A[%rem3A_550, %dma_wait3A, %dma_wait3A_551] : memref<2x128x32xf32, #tpu.memory_space<vmem>> -> memref<1x128x32xf32, #tpu.memory_space<vmem>>
            %dma_wait3A_553 = tpu.memref_squeeze %dma_wait3A_552 : memref<1x128x32xf32, #tpu.memory_space<vmem>> -> memref<128x32xf32, #tpu.memory_space<vmem>>
            %dma_wait3A_554 = arith.constant 0 : i32
            %dma_wait3A_555 = tpu.memref_slice %arg2[%mul3A_548, %dma_wait3A_554] : memref<1600000x32xf32, #tpu.memory_space<hbm>> -> memref<128x32xf32, #tpu.memory_space<hbm>>
            %dma_wait3A_556 = tpu.memref_slice %run_scoped3A_22[%rem3A_550] : memref<2x!tpu.dma_semaphore, #tpu.memory_space<semaphore_mem>> -> memref<1x!tpu.dma_semaphore, #tpu.memory_space<semaphore_mem>>
            %dma_wait3A_557 = tpu.memref_squeeze %dma_wait3A_556 : memref<1x!tpu.dma_semaphore, #tpu.memory_space<semaphore_mem>> -> memref<!tpu.dma_semaphore, #tpu.memory_space<semaphore_mem>>
            %dma_wait3A_558 = arith.constant 0 : i32
            %dma_wait3A_559 = arith.constant 0 : i32
            %dma_wait3A_560 = tpu.memref_slice %run_scoped3A[%rem3A_550, %dma_wait3A_558, %dma_wait3A_559] : memref<2x128x32xf32, #tpu.memory_space<vmem>> -> memref<1x128x32xf32, #tpu.memory_space<vmem>>
            %dma_wait3A_561 = tpu.memref_squeeze %dma_wait3A_560 : memref<1x128x32xf32, #tpu.memory_space<vmem>> -> memref<128x32xf32, #tpu.memory_space<vmem>>
            %dma_wait3A_562 = arith.constant 0 : i32
            %dma_wait3A_563 = tpu.memref_slice %arg2[%mul3A_548, %dma_wait3A_562] : memref<1600000x32xf32, #tpu.memory_space<hbm>> -> memref<128x32xf32, #tpu.memory_space<hbm>>
            tpu.wait_dma2 semaphore(%dma_wait3A_557 : memref<!tpu.dma_semaphore, #tpu.memory_space<semaphore_mem>>) src(%dma_wait3A_563 : memref<128x32xf32, #tpu.memory_space<hbm>>) dst(%dma_wait3A_561 : memref<128x32xf32, #tpu.memory_space<vmem>>)
            "tpu.trace_stop"() : () -> ()
          } else {
          }
          %ne3A_255 = arith.cmpi ne, %add3A_184, %add3A_194 : i32
          %or3A_256 = arith.constant false
          %or3A_257 = arith.ori %or3A_256, %ne3A_255 : i1
          %or3A_258 = arith.ori %or3A_257, %eq3A_180 : i1
          %convert_element_type3A_259 = arith.extui %or3A_258 : i1 to i32
          %cond3A_260 = arith.constant 0 : i32
          %cond3A_261 = arith.cmpi ne, %convert_element_type3A_259, %cond3A_260 : i32
          scf.if %cond3A_261 {
            "tpu.trace_start"() <{level = 10 : i32, message = "ep_wait_in"}> : () -> ()
            %mul3A_547 = arith.constant 128 : i32
            %mul3A_548 = arith.muli %mul3A_547, %add3A_184 : i32
            %rem3A_549 = arith.constant 2 : i32
            %rem3A_550 = arith.remui %while3A_175, %rem3A_549 : i32
            %dma_wait3A = arith.constant 0 : i32
            %dma_wait3A_551 = arith.constant 0 : i32
            %dma_wait3A_552 = tpu.memref_slice %run_scoped3A_23[%rem3A_550, %dma_wait3A, %dma_wait3A_551] : memref<2x1x128xi32, #tpu.memory_space<vmem>> -> memref<1x1x128xi32, #tpu.memory_space<vmem>>
            %dma_wait3A_553 = tpu.memref_squeeze %dma_wait3A_552 : memref<1x1x128xi32, #tpu.memory_space<vmem>> -> memref<1x128xi32, #tpu.memory_space<vmem>>
            %dma_wait3A_554 = arith.constant 0 : i32
            %dma_wait3A_555 = tpu.memref_slice %arg3[%dma_wait3A_554, %mul3A_548] : memref<1x1600000xi32, #tpu.memory_space<hbm>> -> memref<1x128xi32, #tpu.memory_space<hbm>>
            %dma_wait3A_556 = tpu.memref_slice %run_scoped3A_24[%rem3A_550] : memref<2x!tpu.dma_semaphore, #tpu.memory_space<semaphore_mem>> -> memref<1x!tpu.dma_semaphore, #tpu.memory_space<semaphore_mem>>
            %dma_wait3A_557 = tpu.memref_squeeze %dma_wait3A_556 : memref<1x!tpu.dma_semaphore, #tpu.memory_space<semaphore_mem>> -> memref<!tpu.dma_semaphore, #tpu.memory_space<semaphore_mem>>
            %dma_wait3A_558 = arith.constant 0 : i32
            %dma_wait3A_559 = arith.constant 0 : i32
            %dma_wait3A_560 = tpu.memref_slice %run_scoped3A_23[%rem3A_550, %dma_wait3A_558, %dma_wait3A_559] : memref<2x1x128xi32, #tpu.memory_space<vmem>> -> memref<1x1x128xi32, #tpu.memory_space<vmem>>
            %dma_wait3A_561 = tpu.memref_squeeze %dma_wait3A_560 : memref<1x1x128xi32, #tpu.memory_space<vmem>> -> memref<1x128xi32, #tpu.memory_space<vmem>>
            %dma_wait3A_562 = arith.constant 0 : i32
            %dma_wait3A_563 = tpu.memref_slice %arg3[%dma_wait3A_562, %mul3A_548] : memref<1x1600000xi32, #tpu.memory_space<hbm>> -> memref<1x128xi32, #tpu.memory_space<hbm>>
            tpu.wait_dma2 semaphore(%dma_wait3A_557 : memref<!tpu.dma_semaphore, #tpu.memory_space<semaphore_mem>>) src(%dma_wait3A_563 : memref<1x128xi32, #tpu.memory_space<hbm>>) dst(%dma_wait3A_561 : memref<1x128xi32, #tpu.memory_space<vmem>>)
            "tpu.trace_stop"() : () -> ()
          } else {
          }
          %rem3A_262 = arith.constant 2 : i32
          %rem3A_263 = arith.remui %while3A_173, %rem3A_262 : i32
          %rem3A_264 = arith.constant 2 : i32
          %rem3A_265 = arith.remui %while3A_175, %rem3A_264 : i32
          %get3A = arith.constant 0 : i32
          "tpu.trace_start"() <{level = 10 : i32, message = "ep_run_kernel"}> : () -> ()
          %get3A_266 = arith.constant 0 : i32
          %get3A_267 = arith.constant 0 : i32
          %get3A_268 = tpu.memref_slice %run_scoped3A_23[%rem3A_265, %get3A_266, %get3A_267] : memref<2x1x128xi32, #tpu.memory_space<vmem>> -> memref<1x1x128xi32, #tpu.memory_space<vmem>>
          %get3A_269 = tpu.memref_squeeze %get3A_268 : memref<1x1x128xi32, #tpu.memory_space<vmem>> -> memref<1x128xi32, #tpu.memory_space<vmem>>
          %get3A_270 = arith.index_cast %get3A : i32 to index
          %get3A_271 = arith.constant 0 : index
          %get3A_272 = tpu.vector_load %get3A_269[%get3A_270, %get3A_271] {strides = array<i32>} : memref<1x128xi32, #tpu.memory_space<vmem>>, vector<1x16xi32>,
          %get3A_273 = vector.shape_cast %get3A_272 : vector<1x16xi32> to vector<16xi32>
          %sub3A_274 = vector.broadcast %mul3A_4 : i32 to vector<16xi32>
          %sub3A_275 = arith.subi %get3A_273, %sub3A_274 : vector<16xi32>
          %ge3A_276 = arith.constant 0 : i32
          %ge3A_277 = vector.broadcast %ge3A_276 : i32 to vector<16xi32>
          %ge3A_278 = arith.cmpi sge, %sub3A_275, %ge3A_277 : vector<16xi32>
          %lt3A_279 = arith.constant 50000 : i32
          %lt3A_280 = vector.broadcast %lt3A_279 : i32 to vector<16xi32>
          %lt3A_281 = arith.cmpi slt, %sub3A_275, %lt3A_280 : vector<16xi32>
          %and3A_282 = arith.andi %ge3A_278, %lt3A_281 : vector<16xi1>
          %jit3A_283 = arith.constant 50000 : i32
          %broadcast_in_dim3A = vector.broadcast %jit3A_283 : i32 to vector<16xi32>
          %select_n3A_284 = arith.select %and3A_282, %sub3A_275, %broadcast_in_dim3A : vector<16xi1>, vector<16xi32>
          %swap3A = arith.constant 0 : i32
          %swap3A_285 = arith.index_cast %swap3A : i32 to index
          %swap3A_286 = arith.constant 0 : index
          %swap3A_287 = tpu.vector_load %arg7[%swap3A_285, %swap3A_286] {strides = array<i32>} : memref<1x128xi32, #tpu.memory_space<vmem>>, vector<1x16xi32>,
          %swap3A_288 = vector.shape_cast %swap3A_287 : vector<1x16xi32> to vector<16xi32>
          %swap3A_289 = vector.shape_cast %select_n3A_284 : vector<16xi32> to vector<1x16xi32>
          tpu.vector_store %arg7[%swap3A_285, %swap3A_286], %swap3A_289 {strides = array<i32>} : memref<1x128xi32, #tpu.memory_space<vmem>>, vector<1x16xi32>,
          %get3A_290 = arith.constant 0 : i32
          %get3A_291 = arith.constant 0 : i32
          %get3A_292 = arith.constant 0 : i32
          %get3A_293 = tpu.memref_slice %run_scoped3A_23[%rem3A_265, %get3A_291, %get3A_292] : memref<2x1x128xi32, #tpu.memory_space<vmem>> -> memref<1x1x128xi32, #tpu.memory_space<vmem>>
          %get3A_294 = tpu.memref_squeeze %get3A_293 : memref<1x1x128xi32, #tpu.memory_space<vmem>> -> memref<1x128xi32, #tpu.memory_space<vmem>>
          %get3A_295 = arith.index_cast %get3A_290 : i32 to index
          %get3A_296 = arith.constant 16 : index
          %get3A_297 = tpu.vector_load %get3A_294[%get3A_295, %get3A_296] {strides = array<i32>} : memref<1x128xi32, #tpu.memory_space<vmem>>, vector<1x16xi32>,
          %get3A_298 = vector.shape_cast %get3A_297 : vector<1x16xi32> to vector<16xi32>
          %sub3A_299 = vector.broadcast %mul3A_4 : i32 to vector<16xi32>
          %sub3A_300 = arith.subi %get3A_298, %sub3A_299 : vector<16xi32>
          %ge3A_301 = arith.constant 0 : i32
          %ge3A_302 = vector.broadcast %ge3A_301 : i32 to vector<16xi32>
          %ge3A_303 = arith.cmpi sge, %sub3A_300, %ge3A_302 : vector<16xi32>
          %lt3A_304 = arith.constant 50000 : i32
          %lt3A_305 = vector.broadcast %lt3A_304 : i32 to vector<16xi32>
          %lt3A_306 = arith.cmpi slt, %sub3A_300, %lt3A_305 : vector<16xi32>
          %and3A_307 = arith.andi %ge3A_303, %lt3A_306 : vector<16xi1>
          %jit3A_308 = arith.constant 50000 : i32
          %broadcast_in_dim3A_309 = vector.broadcast %jit3A_308 : i32 to vector<16xi32>
          %select_n3A_310 = arith.select %and3A_307, %sub3A_300, %broadcast_in_dim3A_309 : vector<16xi1>, vector<16xi32>
          %swap3A_311 = arith.constant 0 : i32
          %swap3A_312 = arith.index_cast %swap3A_311 : i32 to index
          %swap3A_313 = arith.constant 16 : index
          %swap3A_314 = tpu.vector_load %arg7[%swap3A_312, %swap3A_313] {strides = array<i32>} : memref<1x128xi32, #tpu.memory_space<vmem>>, vector<1x16xi32>,
          %swap3A_315 = vector.shape_cast %swap3A_314 : vector<1x16xi32> to vector<16xi32>
          %swap3A_316 = vector.shape_cast %select_n3A_310 : vector<16xi32> to vector<1x16xi32>
          tpu.vector_store %arg7[%swap3A_312, %swap3A_313], %swap3A_316 {strides = array<i32>} : memref<1x128xi32, #tpu.memory_space<vmem>>, vector<1x16xi32>,
          %get3A_317 = arith.constant 0 : i32
          %get3A_318 = arith.constant 0 : i32
          %get3A_319 = arith.constant 0 : i32
          %get3A_320 = tpu.memref_slice %run_scoped3A_23[%rem3A_265, %get3A_318, %get3A_319] : memref<2x1x128xi32, #tpu.memory_space<vmem>> -> memref<1x1x128xi32, #tpu.memory_space<vmem>>
          %get3A_321 = tpu.memref_squeeze %get3A_320 : memref<1x1x128xi32, #tpu.memory_space<vmem>> -> memref<1x128xi32, #tpu.memory_space<vmem>>
          %get3A_322 = arith.index_cast %get3A_317 : i32 to index
          %get3A_323 = arith.constant 32 : index
          %get3A_324 = tpu.vector_load %get3A_321[%get3A_322, %get3A_323] {strides = array<i32>} : memref<1x128xi32, #tpu.memory_space<vmem>>, vector<1x16xi32>,
          %get3A_325 = vector.shape_cast %get3A_324 : vector<1x16xi32> to vector<16xi32>
          %sub3A_326 = vector.broadcast %mul3A_4 : i32 to vector<16xi32>
          %sub3A_327 = arith.subi %get3A_325, %sub3A_326 : vector<16xi32>
          %ge3A_328 = arith.constant 0 : i32
          %ge3A_329 = vector.broadcast %ge3A_328 : i32 to vector<16xi32>
          %ge3A_330 = arith.cmpi sge, %sub3A_327, %ge3A_329 : vector<16xi32>
          %lt3A_331 = arith.constant 50000 : i32
          %lt3A_332 = vector.broadcast %lt3A_331 : i32 to vector<16xi32>
          %lt3A_333 = arith.cmpi slt, %sub3A_327, %lt3A_332 : vector<16xi32>
          %and3A_334 = arith.andi %ge3A_330, %lt3A_333 : vector<16xi1>
          %jit3A_335 = arith.constant 50000 : i32
          %broadcast_in_dim3A_336 = vector.broadcast %jit3A_335 : i32 to vector<16xi32>
          %select_n3A_337 = arith.select %and3A_334, %sub3A_327, %broadcast_in_dim3A_336 : vector<16xi1>, vector<16xi32>
          %swap3A_338 = arith.constant 0 : i32
          %swap3A_339 = arith.index_cast %swap3A_338 : i32 to index
          %swap3A_340 = arith.constant 32 : index
          %swap3A_341 = tpu.vector_load %arg7[%swap3A_339, %swap3A_340] {strides = array<i32>} : memref<1x128xi32, #tpu.memory_space<vmem>>, vector<1x16xi32>,
          %swap3A_342 = vector.shape_cast %swap3A_341 : vector<1x16xi32> to vector<16xi32>
          %swap3A_343 = vector.shape_cast %select_n3A_337 : vector<16xi32> to vector<1x16xi32>
          tpu.vector_store %arg7[%swap3A_339, %swap3A_340], %swap3A_343 {strides = array<i32>} : memref<1x128xi32, #tpu.memory_space<vmem>>, vector<1x16xi32>,
          %get3A_344 = arith.constant 0 : i32
          %get3A_345 = arith.constant 0 : i32
          %get3A_346 = arith.constant 0 : i32
          %get3A_347 = tpu.memref_slice %run_scoped3A_23[%rem3A_265, %get3A_345, %get3A_346] : memref<2x1x128xi32, #tpu.memory_space<vmem>> -> memref<1x1x128xi32, #tpu.memory_space<vmem>>
          %get3A_348 = tpu.memref_squeeze %get3A_347 : memref<1x1x128xi32, #tpu.memory_space<vmem>> -> memref<1x128xi32, #tpu.memory_space<vmem>>
          %get3A_349 = arith.index_cast %get3A_344 : i32 to index
          %get3A_350 = arith.constant 48 : index
          %get3A_351 = tpu.vector_load %get3A_348[%get3A_349, %get3A_350] {strides = array<i32>} : memref<1x128xi32, #tpu.memory_space<vmem>>, vector<1x16xi32>,
          %get3A_352 = vector.shape_cast %get3A_351 : vector<1x16xi32> to vector<16xi32>
          %sub3A_353 = vector.broadcast %mul3A_4 : i32 to vector<16xi32>
          %sub3A_354 = arith.subi %get3A_352, %sub3A_353 : vector<16xi32>
          %ge3A_355 = arith.constant 0 : i32
          %ge3A_356 = vector.broadcast %ge3A_355 : i32 to vector<16xi32>
          %ge3A_357 = arith.cmpi sge, %sub3A_354, %ge3A_356 : vector<16xi32>
          %lt3A_358 = arith.constant 50000 : i32
          %lt3A_359 = vector.broadcast %lt3A_358 : i32 to vector<16xi32>
          %lt3A_360 = arith.cmpi slt, %sub3A_354, %lt3A_359 : vector<16xi32>
          %and3A_361 = arith.andi %ge3A_357, %lt3A_360 : vector<16xi1>
          %jit3A_362 = arith.constant 50000 : i32
          %broadcast_in_dim3A_363 = vector.broadcast %jit3A_362 : i32 to vector<16xi32>
          %select_n3A_364 = arith.select %and3A_361, %sub3A_354, %broadcast_in_dim3A_363 : vector<16xi1>, vector<16xi32>
          %swap3A_365 = arith.constant 0 : i32
          %swap3A_366 = arith.index_cast %swap3A_365 : i32 to index
          %swap3A_367 = arith.constant 48 : index
          %swap3A_368 = tpu.vector_load %arg7[%swap3A_366, %swap3A_367] {strides = array<i32>} : memref<1x128xi32, #tpu.memory_space<vmem>>, vector<1x16xi32>,
          %swap3A_369 = vector.shape_cast %swap3A_368 : vector<1x16xi32> to vector<16xi32>
          %swap3A_370 = vector.shape_cast %select_n3A_364 : vector<16xi32> to vector<1x16xi32>
          tpu.vector_store %arg7[%swap3A_366, %swap3A_367], %swap3A_370 {strides = array<i32>} : memref<1x128xi32, #tpu.memory_space<vmem>>, vector<1x16xi32>,
          %get3A_371 = arith.constant 0 : i32
          %get3A_372 = arith.constant 0 : i32
          %get3A_373 = arith.constant 0 : i32
          %get3A_374 = tpu.memref_slice %run_scoped3A_23[%rem3A_265, %get3A_372, %get3A_373] : memref<2x1x128xi32, #tpu.memory_space<vmem>> -> memref<1x1x128xi32, #tpu.memory_space<vmem>>
          %get3A_375 = tpu.memref_squeeze %get3A_374 : memref<1x1x128xi32, #tpu.memory_space<vmem>> -> memref<1x128xi32, #tpu.memory_space<vmem>>
          %get3A_376 = arith.index_cast %get3A_371 : i32 to index
          %get3A_377 = arith.constant 64 : index
          %get3A_378 = tpu.vector_load %get3A_375[%get3A_376, %get3A_377] {strides = array<i32>} : memref<1x128xi32, #tpu.memory_space<vmem>>, vector<1x16xi32>,
          %get3A_379 = vector.shape_cast %get3A_378 : vector<1x16xi32> to vector<16xi32>
          %sub3A_380 = vector.broadcast %mul3A_4 : i32 to vector<16xi32>
          %sub3A_381 = arith.subi %get3A_379, %sub3A_380 : vector<16xi32>
          %ge3A_382 = arith.constant 0 : i32
          %ge3A_383 = vector.broadcast %ge3A_382 : i32 to vector<16xi32>
          %ge3A_384 = arith.cmpi sge, %sub3A_381, %ge3A_383 : vector<16xi32>
          %lt3A_385 = arith.constant 50000 : i32
          %lt3A_386 = vector.broadcast %lt3A_385 : i32 to vector<16xi32>
          %lt3A_387 = arith.cmpi slt, %sub3A_381, %lt3A_386 : vector<16xi32>
          %and3A_388 = arith.andi %ge3A_384, %lt3A_387 : vector<16xi1>
          %jit3A_389 = arith.constant 50000 : i32
          %broadcast_in_dim3A_390 = vector.broadcast %jit3A_389 : i32 to vector<16xi32>
          %select_n3A_391 = arith.select %and3A_388, %sub3A_381, %broadcast_in_dim3A_390 : vector<16xi1>, vector<16xi32>
          %swap3A_392 = arith.constant 0 : i32
          %swap3A_393 = arith.index_cast %swap3A_392 : i32 to index
          %swap3A_394 = arith.constant 64 : index
          %swap3A_395 = tpu.vector_load %arg7[%swap3A_393, %swap3A_394] {strides = array<i32>} : memref<1x128xi32, #tpu.memory_space<vmem>>, vector<1x16xi32>,
          %swap3A_396 = vector.shape_cast %swap3A_395 : vector<1x16xi32> to vector<16xi32>
          %swap3A_397 = vector.shape_cast %select_n3A_391 : vector<16xi32> to vector<1x16xi32>
          tpu.vector_store %arg7[%swap3A_393, %swap3A_394], %swap3A_397 {strides = array<i32>} : memref<1x128xi32, #tpu.memory_space<vmem>>, vector<1x16xi32>,
          %get3A_398 = arith.constant 0 : i32
          %get3A_399 = arith.constant 0 : i32
          %get3A_400 = arith.constant 0 : i32
          %get3A_401 = tpu.memref_slice %run_scoped3A_23[%rem3A_265, %get3A_399, %get3A_400] : memref<2x1x128xi32, #tpu.memory_space<vmem>> -> memref<1x1x128xi32, #tpu.memory_space<vmem>>
          %get3A_402 = tpu.memref_squeeze %get3A_401 : memref<1x1x128xi32, #tpu.memory_space<vmem>> -> memref<1x128xi32, #tpu.memory_space<vmem>>
          %get3A_403 = arith.index_cast %get3A_398 : i32 to index
          %get3A_404 = arith.constant 80 : index
          %get3A_405 = tpu.vector_load %get3A_402[%get3A_403, %get3A_404] {strides = array<i32>} : memref<1x128xi32, #tpu.memory_space<vmem>>, vector<1x16xi32>,
          %get3A_406 = vector.shape_cast %get3A_405 : vector<1x16xi32> to vector<16xi32>
          %sub3A_407 = vector.broadcast %mul3A_4 : i32 to vector<16xi32>
          %sub3A_408 = arith.subi %get3A_406, %sub3A_407 : vector<16xi32>
          %ge3A_409 = arith.constant 0 : i32
          %ge3A_410 = vector.broadcast %ge3A_409 : i32 to vector<16xi32>
          %ge3A_411 = arith.cmpi sge, %sub3A_408, %ge3A_410 : vector<16xi32>
          %lt3A_412 = arith.constant 50000 : i32
          %lt3A_413 = vector.broadcast %lt3A_412 : i32 to vector<16xi32>
          %lt3A_414 = arith.cmpi slt, %sub3A_408, %lt3A_413 : vector<16xi32>
          %and3A_415 = arith.andi %ge3A_411, %lt3A_414 : vector<16xi1>
          %jit3A_416 = arith.constant 50000 : i32
          %broadcast_in_dim3A_417 = vector.broadcast %jit3A_416 : i32 to vector<16xi32>
          %select_n3A_418 = arith.select %and3A_415, %sub3A_408, %broadcast_in_dim3A_417 : vector<16xi1>, vector<16xi32>
          %swap3A_419 = arith.constant 0 : i32
          %swap3A_420 = arith.index_cast %swap3A_419 : i32 to index
          %swap3A_421 = arith.constant 80 : index
          %swap3A_422 = tpu.vector_load %arg7[%swap3A_420, %swap3A_421] {strides = array<i32>} : memref<1x128xi32, #tpu.memory_space<vmem>>, vector<1x16xi32>,
          %swap3A_423 = vector.shape_cast %swap3A_422 : vector<1x16xi32> to vector<16xi32>
          %swap3A_424 = vector.shape_cast %select_n3A_418 : vector<16xi32> to vector<1x16xi32>
          tpu.vector_store %arg7[%swap3A_420, %swap3A_421], %swap3A_424 {strides = array<i32>} : memref<1x128xi32, #tpu.memory_space<vmem>>, vector<1x16xi32>,
          %get3A_425 = arith.constant 0 : i32
          %get3A_426 = arith.constant 0 : i32
          %get3A_427 = arith.constant 0 : i32
          %get3A_428 = tpu.memref_slice %run_scoped3A_23[%rem3A_265, %get3A_426, %get3A_427] : memref<2x1x128xi32, #tpu.memory_space<vmem>> -> memref<1x1x128xi32, #tpu.memory_space<vmem>>
          %get3A_429 = tpu.memref_squeeze %get3A_428 : memref<1x1x128xi32, #tpu.memory_space<vmem>> -> memref<1x128xi32, #tpu.memory_space<vmem>>
          %get3A_430 = arith.index_cast %get3A_425 : i32 to index
          %get3A_431 = arith.constant 96 : index
          %get3A_432 = tpu.vector_load %get3A_429[%get3A_430, %get3A_431] {strides = array<i32>} : memref<1x128xi32, #tpu.memory_space<vmem>>, vector<1x16xi32>,
          %get3A_433 = vector.shape_cast %get3A_432 : vector<1x16xi32> to vector<16xi32>
          %sub3A_434 = vector.broadcast %mul3A_4 : i32 to vector<16xi32>
          %sub3A_435 = arith.subi %get3A_433, %sub3A_434 : vector<16xi32>
          %ge3A_436 = arith.constant 0 : i32
          %ge3A_437 = vector.broadcast %ge3A_436 : i32 to vector<16xi32>
          %ge3A_438 = arith.cmpi sge, %sub3A_435, %ge3A_437 : vector<16xi32>
          %lt3A_439 = arith.constant 50000 : i32
          %lt3A_440 = vector.broadcast %lt3A_439 : i32 to vector<16xi32>
          %lt3A_441 = arith.cmpi slt, %sub3A_435, %lt3A_440 : vector<16xi32>
          %and3A_442 = arith.andi %ge3A_438, %lt3A_441 : vector<16xi1>
          %jit3A_443 = arith.constant 50000 : i32
          %broadcast_in_dim3A_444 = vector.broadcast %jit3A_443 : i32 to vector<16xi32>
          %select_n3A_445 = arith.select %and3A_442, %sub3A_435, %broadcast_in_dim3A_444 : vector<16xi1>, vector<16xi32>
          %swap3A_446 = arith.constant 0 : i32
          %swap3A_447 = arith.index_cast %swap3A_446 : i32 to index
          %swap3A_448 = arith.constant 96 : index
          %swap3A_449 = tpu.vector_load %arg7[%swap3A_447, %swap3A_448] {strides = array<i32>} : memref<1x128xi32, #tpu.memory_space<vmem>>, vector<1x16xi32>,
          %swap3A_450 = vector.shape_cast %swap3A_449 : vector<1x16xi32> to vector<16xi32>
          %swap3A_451 = vector.shape_cast %select_n3A_445 : vector<16xi32> to vector<1x16xi32>
          tpu.vector_store %arg7[%swap3A_447, %swap3A_448], %swap3A_451 {strides = array<i32>} : memref<1x128xi32, #tpu.memory_space<vmem>>, vector<1x16xi32>,
          %get3A_452 = arith.constant 0 : i32
          %get3A_453 = arith.constant 0 : i32
          %get3A_454 = arith.constant 0 : i32
          %get3A_455 = tpu.memref_slice %run_scoped3A_23[%rem3A_265, %get3A_453, %get3A_454] : memref<2x1x128xi32, #tpu.memory_space<vmem>> -> memref<1x1x128xi32, #tpu.memory_space<vmem>>
          %get3A_456 = tpu.memref_squeeze %get3A_455 : memref<1x1x128xi32, #tpu.memory_space<vmem>> -> memref<1x128xi32, #tpu.memory_space<vmem>>
          %get3A_457 = arith.index_cast %get3A_452 : i32 to index
          %get3A_458 = arith.constant 112 : index
          %get3A_459 = tpu.vector_load %get3A_456[%get3A_457, %get3A_458] {strides = array<i32>} : memref<1x128xi32, #tpu.memory_space<vmem>>, vector<1x16xi32>,
          %get3A_460 = vector.shape_cast %get3A_459 : vector<1x16xi32> to vector<16xi32>
          %sub3A_461 = vector.broadcast %mul3A_4 : i32 to vector<16xi32>
          %sub3A_462 = arith.subi %get3A_460, %sub3A_461 : vector<16xi32>
          %ge3A_463 = arith.constant 0 : i32
          %ge3A_464 = vector.broadcast %ge3A_463 : i32 to vector<16xi32>
          %ge3A_465 = arith.cmpi sge, %sub3A_462, %ge3A_464 : vector<16xi32>
          %lt3A_466 = arith.constant 50000 : i32
          %lt3A_467 = vector.broadcast %lt3A_466 : i32 to vector<16xi32>
          %lt3A_468 = arith.cmpi slt, %sub3A_462, %lt3A_467 : vector<16xi32>
          %and3A_469 = arith.andi %ge3A_465, %lt3A_468 : vector<16xi1>
          %jit3A_470 = arith.constant 50000 : i32
          %broadcast_in_dim3A_471 = vector.broadcast %jit3A_470 : i32 to vector<16xi32>
          %select_n3A_472 = arith.select %and3A_469, %sub3A_462, %broadcast_in_dim3A_471 : vector<16xi1>, vector<16xi32>
          %swap3A_473 = arith.constant 0 : i32
          %swap3A_474 = arith.index_cast %swap3A_473 : i32 to index
          %swap3A_475 = arith.constant 112 : index
          %swap3A_476 = tpu.vector_load %arg7[%swap3A_474, %swap3A_475] {strides = array<i32>} : memref<1x128xi32, #tpu.memory_space<vmem>>, vector<1x16xi32>,
          %swap3A_477 = vector.shape_cast %swap3A_476 : vector<1x16xi32> to vector<16xi32>
          %swap3A_478 = vector.shape_cast %select_n3A_472 : vector<16xi32> to vector<1x16xi32>
          tpu.vector_store %arg7[%swap3A_474, %swap3A_475], %swap3A_478 {strides = array<i32>} : memref<1x128xi32, #tpu.memory_space<vmem>>, vector<1x16xi32>,
          %run_scoped3A_479 = arith.constant 0 : i32
          "tpu.region"() ({
            %run_scoped3A_547 = tpu.sem_alloc : memref<!tpu.dma_semaphore, #tpu.memory_space<semaphore_mem>>
            %dma_start3A_548 = arith.constant 0 : i32
            %dma_start3A_549 = arith.constant 0 : i32
            %dma_start3A_550 = tpu.memref_slice %run_scoped3A[%rem3A_263, %dma_start3A_548, %dma_start3A_549] : memref<2x128x32xf32, #tpu.memory_space<vmem>> -> memref<1x128x32xf32, #tpu.memory_space<vmem>>
            %dma_start3A_551 = tpu.memref_squeeze %dma_start3A_550 : memref<1x128x32xf32, #tpu.memory_space<vmem>> -> memref<128x32xf32, #tpu.memory_space<vmem>>
            %dma_start3A_552 = arith.constant 0 : i32
            %dma_start3A_553 = tpu.memref_slice %arg7[%run_scoped3A_479, %dma_start3A_552] : memref<1x128xi32, #tpu.memory_space<vmem>> -> memref<1x128xi32, #tpu.memory_space<vmem>>
            %dma_start3A_554 = tpu.memref_squeeze %dma_start3A_553 : memref<1x128xi32, #tpu.memory_space<vmem>> -> memref<128xi32, #tpu.memory_space<vmem>>
            %dma_start3A_555 = arith.constant 0 : i32
            %dma_start3A_556 = arith.constant 0 : i32
            %dma_start3A_557 = tpu.memref_slice %arg6[%dma_start3A_555, %dma_start3A_556] : memref<50176x32xf32, #tpu.memory_space<vmem_shared>> -> memref<50176x32xf32, #tpu.memory_space<vmem_shared>>
            tpu.enqueue_indirect_dma source(%dma_start3A_551 : memref<128x32xf32, #tpu.memory_space<vmem>>) target(%dma_start3A_557 : memref<50176x32xf32, #tpu.memory_space<vmem_shared>>) offsets(%dma_start3A_554 : memref<128xi32, #tpu.memory_space<vmem>>) semaphore(%run_scoped3A_547 : memref<!tpu.dma_semaphore, #tpu.memory_space<semaphore_mem>>) {add = true}
            %dma_wait3A = arith.constant 0 : i32
            %dma_wait3A_558 = arith.constant 0 : i32
            %dma_wait3A_559 = tpu.memref_slice %run_scoped3A[%rem3A_263, %dma_wait3A, %dma_wait3A_558] : memref<2x128x32xf32, #tpu.memory_space<vmem>> -> memref<1x128x32xf32, #tpu.memory_space<vmem>>
            %dma_wait3A_560 = tpu.memref_squeeze %dma_wait3A_559 : memref<1x128x32xf32, #tpu.memory_space<vmem>> -> memref<128x32xf32, #tpu.memory_space<vmem>>
            %dma_wait3A_561 = arith.constant 0 : i32
            %dma_wait3A_562 = tpu.memref_slice %arg7[%run_scoped3A_479, %dma_wait3A_561] : memref<1x128xi32, #tpu.memory_space<vmem>> -> memref<1x128xi32, #tpu.memory_space<vmem>>
            %dma_wait3A_563 = tpu.memref_squeeze %dma_wait3A_562 : memref<1x128xi32, #tpu.memory_space<vmem>> -> memref<128xi32, #tpu.memory_space<vmem>>
            %dma_wait3A_564 = arith.constant 0 : i32
            %dma_wait3A_565 = arith.constant 0 : i32
            %dma_wait3A_566 = tpu.memref_slice %arg6[%dma_wait3A_564, %dma_wait3A_565] : memref<50176x32xf32, #tpu.memory_space<vmem_shared>> -> memref<50176x32xf32, #tpu.memory_space<vmem_shared>>
            tpu.wait_indirect_dma semaphore(%run_scoped3A_547 : memref<!tpu.dma_semaphore, #tpu.memory_space<semaphore_mem>>) src(%dma_wait3A_560 : memref<128x32xf32, #tpu.memory_space<vmem>>) dst(%dma_wait3A_566 : memref<50176x32xf32, #tpu.memory_space<vmem_shared>>)
            tpu.yield
          }) : () -> ()
          "tpu.trace_stop"() : () -> ()
          %ne3A_480 = arith.cmpi ne, %add3A_184, %add3A_202 : i32
          %or3A_481 = arith.constant false
          %or3A_482 = arith.ori %or3A_481, %ne3A_480 : i1
          %or3A_483 = arith.constant false
          %or3A_484 = arith.ori %or3A_482, %or3A_483 : i1
          %or3A_485 = arith.ori %or3A_484, %eq3A_183 : i1
          %convert_element_type3A_486 = arith.extui %or3A_485 : i1 to i32
          %cond3A_487 = arith.constant 0 : i32
          %cond3A_488 = arith.cmpi ne, %convert_element_type3A_486, %cond3A_487 : i32
          scf.if %cond3A_488 {
          } else {
          }
          %and3A_489 = arith.constant false
          %and3A_490 = arith.andi %or3A_485, %and3A_489 : i1
          %ne3A_491 = arith.cmpi ne, %add3A_184, %add3A_202 : i32
          %or3A_492 = arith.constant false
          %or3A_493 = arith.ori %or3A_492, %ne3A_491 : i1
          %or3A_494 = arith.ori %or3A_493, %eq3A_183 : i1
          %convert_element_type3A_495 = arith.extui %or3A_494 : i1 to i32
          %cond3A_496 = arith.constant 0 : i32
          %cond3A_497 = arith.cmpi ne, %convert_element_type3A_495, %cond3A_496 : i32
          scf.if %cond3A_497 {
          } else {
          }
          %and3A_498 = arith.constant false
          %and3A_499 = arith.andi %or3A_494, %and3A_498 : i1
          %ne3A_500 = arith.cmpi ne, %add3A_184, %add3A_194 : i32
          %or3A_501 = arith.constant false
          %or3A_502 = arith.ori %or3A_501, %ne3A_500 : i1
          %or3A_503 = arith.constant false
          %or3A_504 = arith.ori %or3A_502, %or3A_503 : i1
          %not3A_505 = arith.constant true
          %not3A_506 = arith.xori %eq3A_180, %not3A_505 : i1
          %and3A_507 = arith.andi %or3A_504, %not3A_506 : i1
          %convert_element_type3A_508 = arith.extui %and3A_507 : i1 to i32
          %cond3A_509 = arith.constant 0 : i32
          %cond3A_510 = arith.cmpi ne, %convert_element_type3A_508, %cond3A_509 : i32
          scf.if %cond3A_510 {
          } else {
          }
          %and3A_511 = arith.constant false
          %and3A_512 = arith.andi %and3A_507, %and3A_511 : i1
          %ne3A_513 = arith.cmpi ne, %add3A_184, %add3A_194 : i32
          %or3A_514 = arith.constant false
          %or3A_515 = arith.ori %or3A_514, %ne3A_513 : i1
          %not3A_516 = arith.constant true
          %not3A_517 = arith.xori %eq3A_180, %not3A_516 : i1
          %and3A_518 = arith.andi %or3A_515, %not3A_517 : i1
          %convert_element_type3A_519 = arith.extui %and3A_518 : i1 to i32
          %cond3A_520 = arith.constant 0 : i32
          %cond3A_521 = arith.cmpi ne, %convert_element_type3A_519, %cond3A_520 : i32
          scf.if %cond3A_521 {
          } else {
          }
          %and3A_522 = arith.constant false
          %and3A_523 = arith.andi %and3A_518, %and3A_522 : i1
          %ne3A_524 = arith.cmpi ne, %add3A_184, %add3A_202 : i32
          %or3A_525 = arith.constant false
          %or3A_526 = arith.ori %or3A_525, %ne3A_524 : i1
          %or3A_527 = arith.constant false
          %or3A_528 = arith.ori %or3A_526, %or3A_527 : i1
          %or3A_529 = arith.ori %or3A_528, %eq3A_183 : i1
          %add3A_530 = arith.constant 1 : i32
          %add3A_531 = arith.addi %while3A_173, %add3A_530 : i32
          %select_n3A_532 = arith.select %or3A_529, %add3A_531, %while3A_173 : i32
          %ne3A_533 = arith.cmpi ne, %add3A_184, %add3A_202 : i32
          %or3A_534 = arith.constant false
          %or3A_535 = arith.ori %or3A_534, %ne3A_533 : i1
          %or3A_536 = arith.ori %or3A_535, %eq3A_183 : i1
          %add3A_537 = arith.constant 1 : i32
          %add3A_538 = arith.addi %while3A_175, %add3A_537 : i32
          %select_n3A_539 = arith.select %or3A_536, %add3A_538, %while3A_175 : i32
          %add3A_540 = arith.constant 1 : i32
          %add3A_541 = arith.addi %while3A_176, %add3A_540 : i32
          %select_n3A_542 = arith.constant true
          %select_n3A_543 = arith.select %select_n3A_542, %add3A_541, %while3A_176 : i32
          %eq3A_544 = arith.cmpi eq, %select_n3A_543, %select_n3A : i32
          %select_n3A_545 = arith.constant 0 : i32
          %select_n3A_546 = arith.select %eq3A_544, %select_n3A_545, %select_n3A_543 : i32
          scf.yield %select_n3A_226, %select_n3A_532, %select_n3A_245, %select_n3A_539, %select_n3A_546 : i32, i32, i32, i32, i32
        }
        %while3A_118 = arith.constant 1 : i32
        %while3A_119:5 = scf.for %while3A_171 = %while3A_115 to %while3A_111 step %while3A_118 iter_args(%while3A_172 = %while3A_117#0, %while3A_173 = %while3A_117#1, %while3A_174 = %while3A_117#2, %while3A_175 = %while3A_117#3, %while3A_176 = %while3A_117#4) -> (i32, i32, i32, i32, i32)  : i32 {
          %mul3A_177 = arith.constant 1 : i32
          %mul3A_178 = arith.muli %mul3A_177, %select_n3A : i32
          %eq3A_179 = arith.constant 0 : i32
          %eq3A_180 = arith.cmpi eq, %while3A_171, %eq3A_179 : i32
          %sub3A_181 = arith.constant 1 : i32
          %sub3A_182 = arith.subi %mul3A_178, %sub3A_181 : i32
          %eq3A_183 = arith.cmpi eq, %while3A_171, %sub3A_182 : i32
          %add3A_184 = arith.addi %while3A_176, %select_n3A_13 : i32
          %sub3A_185 = arith.constant 1 : i32
          %sub3A_186 = arith.subi %while3A_176, %sub3A_185 : i32
          %select_n3A_187 = arith.constant true
          %select_n3A_188 = arith.select %select_n3A_187, %sub3A_186, %while3A_176 : i32
          %eq3A_189 = arith.constant -1 : i32
          %eq3A_190 = arith.cmpi eq, %select_n3A_188, %eq3A_189 : i32
          %sub3A_191 = arith.constant 1 : i32
          %sub3A_192 = arith.subi %select_n3A, %sub3A_191 : i32
          %select_n3A_193 = arith.select %eq3A_190, %sub3A_192, %select_n3A_188 : i32
          %add3A_194 = arith.addi %select_n3A_193, %select_n3A_13 : i32
          %add3A_195 = arith.constant 1 : i32
          %add3A_196 = arith.addi %while3A_176, %add3A_195 : i32
          %select_n3A_197 = arith.constant true
          %select_n3A_198 = arith.select %select_n3A_197, %add3A_196, %while3A_176 : i32
          %eq3A_199 = arith.cmpi eq, %select_n3A_198, %select_n3A : i32
          %select_n3A_200 = arith.constant 0 : i32
          %select_n3A_201 = arith.select %eq3A_199, %select_n3A_200, %select_n3A_198 : i32
          %add3A_202 = arith.addi %select_n3A_201, %select_n3A_13 : i32
          %add3A_203 = arith.constant 1 : i32
          %add3A_204 = arith.addi %select_n3A_201, %add3A_203 : i32
          %select_n3A_205 = arith.constant true
          %select_n3A_206 = arith.select %select_n3A_205, %add3A_204, %select_n3A_201 : i32
          %eq3A_207 = arith.cmpi eq, %select_n3A_206, %select_n3A : i32
          %select_n3A_208 = arith.constant 0 : i32
          %select_n3A_209 = arith.select %eq3A_207, %select_n3A_208, %select_n3A_206 : i32
          %add3A_210 = arith.addi %select_n3A_209, %select_n3A_13 : i32
          %ne3A = arith.cmpi ne, %add3A_184, %add3A_202 : i32
          %or3A = arith.constant false
          %or3A_211 = arith.ori %or3A, %ne3A : i1
          %or3A_212 = arith.constant false
          %or3A_213 = arith.ori %or3A_211, %or3A_212 : i1
          %sub3A_214 = arith.constant 2 : i32
          %sub3A_215 = arith.subi %mul3A_178, %sub3A_214 : i32
          %add3A_216 = arith.constant 1 : i32
          %add3A_217 = arith.addi %sub3A_215, %add3A_216 : i32
          %ge3A = arith.cmpi sge, %while3A_171, %add3A_217 : i32
          %not3A = arith.constant true
          %not3A_218 = arith.xori %ge3A, %not3A : i1
          %and3A = arith.andi %or3A_213, %not3A_218 : i1
          %convert_element_type3A_219 = arith.extui %and3A : i1 to i32
          %cond3A_220 = arith.constant 0 : i32
          %cond3A_221 = arith.cmpi ne, %convert_element_type3A_219, %cond3A_220 : i32
          scf.if %cond3A_221 {
            "tpu.trace_start"() <{level = 10 : i32, message = "ep_copy_in"}> : () -> ()
            %rem3A_547 = arith.constant 2 : i32
            %rem3A_548 = arith.remui %while3A_172, %rem3A_547 : i32
            %mul3A_549 = arith.constant 128 : i32
            %mul3A_550 = arith.muli %mul3A_549, %add3A_202 : i32
            %dma_start3A_551 = arith.constant 0 : i32
            %dma_start3A_552 = arith.constant 0 : i32
            %dma_start3A_553 = tpu.memref_slice %run_scoped3A[%rem3A_548, %dma_start3A_551, %dma_start3A_552] : memref<2x128x32xf32, #tpu.memory_space<vmem>> -> memref<1x128x32xf32, #tpu.memory_space<vmem>>
            %dma_start3A_554 = tpu.memref_squeeze %dma_start3A_553 : memref<1x128x32xf32, #tpu.memory_space<vmem>> -> memref<128x32xf32, #tpu.memory_space<vmem>>
            %dma_start3A_555 = arith.constant 0 : i32
            %dma_start3A_556 = tpu.memref_slice %arg2[%mul3A_550, %dma_start3A_555] : memref<1600000x32xf32, #tpu.memory_space<hbm>> -> memref<128x32xf32, #tpu.memory_space<hbm>>
            %dma_start3A_557 = tpu.memref_slice %run_scoped3A_22[%rem3A_548] : memref<2x!tpu.dma_semaphore, #tpu.memory_space<semaphore_mem>> -> memref<1x!tpu.dma_semaphore, #tpu.memory_space<semaphore_mem>>
            %dma_start3A_558 = tpu.memref_squeeze %dma_start3A_557 : memref<1x!tpu.dma_semaphore, #tpu.memory_space<semaphore_mem>> -> memref<!tpu.dma_semaphore, #tpu.memory_space<semaphore_mem>>
            %dma_start3A_559 = arith.constant 0 : i32
            %dma_start3A_560 = arith.constant 0 : i32
            %dma_start3A_561 = tpu.memref_slice %run_scoped3A[%rem3A_548, %dma_start3A_559, %dma_start3A_560] : memref<2x128x32xf32, #tpu.memory_space<vmem>> -> memref<1x128x32xf32, #tpu.memory_space<vmem>>
            %dma_start3A_562 = tpu.memref_squeeze %dma_start3A_561 : memref<1x128x32xf32, #tpu.memory_space<vmem>> -> memref<128x32xf32, #tpu.memory_space<vmem>>
            %dma_start3A_563 = arith.constant 0 : i32
            %dma_start3A_564 = tpu.memref_slice %arg2[%mul3A_550, %dma_start3A_563] : memref<1600000x32xf32, #tpu.memory_space<hbm>> -> memref<128x32xf32, #tpu.memory_space<hbm>>
            tpu.enqueue_dma source(%dma_start3A_564 : memref<128x32xf32, #tpu.memory_space<hbm>>) target(%dma_start3A_562 : memref<128x32xf32, #tpu.memory_space<vmem>>) target_semaphore(%dma_start3A_558 : memref<!tpu.dma_semaphore, #tpu.memory_space<semaphore_mem>>)
            "tpu.trace_stop"() : () -> ()
          } else {
          }
          %and3A_222 = arith.constant true
          %and3A_223 = arith.andi %and3A, %and3A_222 : i1
          %add3A_224 = arith.constant 1 : i32
          %add3A_225 = arith.addi %while3A_172, %add3A_224 : i32
          %select_n3A_226 = arith.select %and3A_223, %add3A_225, %while3A_172 : i32
          %ne3A_227 = arith.cmpi ne, %add3A_184, %add3A_202 : i32
          %or3A_228 = arith.constant false
          %or3A_229 = arith.ori %or3A_228, %ne3A_227 : i1
          %sub3A_230 = arith.constant 2 : i32
          %sub3A_231 = arith.subi %mul3A_178, %sub3A_230 : i32
          %add3A_232 = arith.constant 1 : i32
          %add3A_233 = arith.addi %sub3A_231, %add3A_232 : i32
          %ge3A_234 = arith.cmpi sge, %while3A_171, %add3A_233 : i32
          %not3A_235 = arith.constant true
          %not3A_236 = arith.xori %ge3A_234, %not3A_235 : i1
          %and3A_237 = arith.andi %or3A_229, %not3A_236 : i1
          %convert_element_type3A_238 = arith.extui %and3A_237 : i1 to i32
          %cond3A_239 = arith.constant 0 : i32
          %cond3A_240 = arith.cmpi ne, %convert_element_type3A_238, %cond3A_239 : i32
          scf.if %cond3A_240 {
            "tpu.trace_start"() <{level = 10 : i32, message = "ep_copy_in"}> : () -> ()
            %rem3A_547 = arith.constant 2 : i32
            %rem3A_548 = arith.remui %while3A_174, %rem3A_547 : i32
            %mul3A_549 = arith.constant 128 : i32
            %mul3A_550 = arith.muli %mul3A_549, %add3A_202 : i32
            %dma_start3A_551 = arith.constant 0 : i32
            %dma_start3A_552 = arith.constant 0 : i32
            %dma_start3A_553 = tpu.memref_slice %run_scoped3A_23[%rem3A_548, %dma_start3A_551, %dma_start3A_552] : memref<2x1x128xi32, #tpu.memory_space<vmem>> -> memref<1x1x128xi32, #tpu.memory_space<vmem>>
            %dma_start3A_554 = tpu.memref_squeeze %dma_start3A_553 : memref<1x1x128xi32, #tpu.memory_space<vmem>> -> memref<1x128xi32, #tpu.memory_space<vmem>>
            %dma_start3A_555 = arith.constant 0 : i32
            %dma_start3A_556 = tpu.memref_slice %arg3[%dma_start3A_555, %mul3A_550] : memref<1x1600000xi32, #tpu.memory_space<hbm>> -> memref<1x128xi32, #tpu.memory_space<hbm>>
            %dma_start3A_557 = tpu.memref_slice %run_scoped3A_24[%rem3A_548] : memref<2x!tpu.dma_semaphore, #tpu.memory_space<semaphore_mem>> -> memref<1x!tpu.dma_semaphore, #tpu.memory_space<semaphore_mem>>
            %dma_start3A_558 = tpu.memref_squeeze %dma_start3A_557 : memref<1x!tpu.dma_semaphore, #tpu.memory_space<semaphore_mem>> -> memref<!tpu.dma_semaphore, #tpu.memory_space<semaphore_mem>>
            %dma_start3A_559 = arith.constant 0 : i32
            %dma_start3A_560 = arith.constant 0 : i32
            %dma_start3A_561 = tpu.memref_slice %run_scoped3A_23[%rem3A_548, %dma_start3A_559, %dma_start3A_560] : memref<2x1x128xi32, #tpu.memory_space<vmem>> -> memref<1x1x128xi32, #tpu.memory_space<vmem>>
            %dma_start3A_562 = tpu.memref_squeeze %dma_start3A_561 : memref<1x1x128xi32, #tpu.memory_space<vmem>> -> memref<1x128xi32, #tpu.memory_space<vmem>>
            %dma_start3A_563 = arith.constant 0 : i32
            %dma_start3A_564 = tpu.memref_slice %arg3[%dma_start3A_563, %mul3A_550] : memref<1x1600000xi32, #tpu.memory_space<hbm>> -> memref<1x128xi32, #tpu.memory_space<hbm>>
            tpu.enqueue_dma source(%dma_start3A_564 : memref<1x128xi32, #tpu.memory_space<hbm>>) target(%dma_start3A_562 : memref<1x128xi32, #tpu.memory_space<vmem>>) target_semaphore(%dma_start3A_558 : memref<!tpu.dma_semaphore, #tpu.memory_space<semaphore_mem>>)
            "tpu.trace_stop"() : () -> ()
          } else {
          }
          %and3A_241 = arith.constant true
          %and3A_242 = arith.andi %and3A_237, %and3A_241 : i1
          %add3A_243 = arith.constant 1 : i32
          %add3A_244 = arith.addi %while3A_174, %add3A_243 : i32
          %select_n3A_245 = arith.select %and3A_242, %add3A_244, %while3A_174 : i32
          %ne3A_246 = arith.cmpi ne, %add3A_184, %add3A_194 : i32
          %or3A_247 = arith.constant false
          %or3A_248 = arith.ori %or3A_247, %ne3A_246 : i1
          %or3A_249 = arith.constant false
          %or3A_250 = arith.ori %or3A_248, %or3A_249 : i1
          %or3A_251 = arith.ori %or3A_250, %eq3A_180 : i1
          %convert_element_type3A_252 = arith.extui %or3A_251 : i1 to i32
          %cond3A_253 = arith.constant 0 : i32
          %cond3A_254 = arith.cmpi ne, %convert_element_type3A_252, %cond3A_253 : i32
          scf.if %cond3A_254 {
            "tpu.trace_start"() <{level = 10 : i32, message = "ep_wait_in"}> : () -> ()
            %mul3A_547 = arith.constant 128 : i32
            %mul3A_548 = arith.muli %mul3A_547, %add3A_184 : i32
            %rem3A_549 = arith.constant 2 : i32
            %rem3A_550 = arith.remui %while3A_173, %rem3A_549 : i32
            %dma_wait3A = arith.constant 0 : i32
            %dma_wait3A_551 = arith.constant 0 : i32
            %dma_wait3A_552 = tpu.memref_slice %run_scoped3A[%rem3A_550, %dma_wait3A, %dma_wait3A_551] : memref<2x128x32xf32, #tpu.memory_space<vmem>> -> memref<1x128x32xf32, #tpu.memory_space<vmem>>
            %dma_wait3A_553 = tpu.memref_squeeze %dma_wait3A_552 : memref<1x128x32xf32, #tpu.memory_space<vmem>> -> memref<128x32xf32, #tpu.memory_space<vmem>>
            %dma_wait3A_554 = arith.constant 0 : i32
            %dma_wait3A_555 = tpu.memref_slice %arg2[%mul3A_548, %dma_wait3A_554] : memref<1600000x32xf32, #tpu.memory_space<hbm>> -> memref<128x32xf32, #tpu.memory_space<hbm>>
            %dma_wait3A_556 = tpu.memref_slice %run_scoped3A_22[%rem3A_550] : memref<2x!tpu.dma_semaphore, #tpu.memory_space<semaphore_mem>> -> memref<1x!tpu.dma_semaphore, #tpu.memory_space<semaphore_mem>>
            %dma_wait3A_557 = tpu.memref_squeeze %dma_wait3A_556 : memref<1x!tpu.dma_semaphore, #tpu.memory_space<semaphore_mem>> -> memref<!tpu.dma_semaphore, #tpu.memory_space<semaphore_mem>>
            %dma_wait3A_558 = arith.constant 0 : i32
            %dma_wait3A_559 = arith.constant 0 : i32
            %dma_wait3A_560 = tpu.memref_slice %run_scoped3A[%rem3A_550, %dma_wait3A_558, %dma_wait3A_559] : memref<2x128x32xf32, #tpu.memory_space<vmem>> -> memref<1x128x32xf32, #tpu.memory_space<vmem>>
            %dma_wait3A_561 = tpu.memref_squeeze %dma_wait3A_560 : memref<1x128x32xf32, #tpu.memory_space<vmem>> -> memref<128x32xf32, #tpu.memory_space<vmem>>
            %dma_wait3A_562 = arith.constant 0 : i32
            %dma_wait3A_563 = tpu.memref_slice %arg2[%mul3A_548, %dma_wait3A_562] : memref<1600000x32xf32, #tpu.memory_space<hbm>> -> memref<128x32xf32, #tpu.memory_space<hbm>>
            tpu.wait_dma2 semaphore(%dma_wait3A_557 : memref<!tpu.dma_semaphore, #tpu.memory_space<semaphore_mem>>) src(%dma_wait3A_563 : memref<128x32xf32, #tpu.memory_space<hbm>>) dst(%dma_wait3A_561 : memref<128x32xf32, #tpu.memory_space<vmem>>)
            "tpu.trace_stop"() : () -> ()
          } else {
          }
          %ne3A_255 = arith.cmpi ne, %add3A_184, %add3A_194 : i32
          %or3A_256 = arith.constant false
          %or3A_257 = arith.ori %or3A_256, %ne3A_255 : i1
          %or3A_258 = arith.ori %or3A_257, %eq3A_180 : i1
          %convert_element_type3A_259 = arith.extui %or3A_258 : i1 to i32
          %cond3A_260 = arith.constant 0 : i32
          %cond3A_261 = arith.cmpi ne, %convert_element_type3A_259, %cond3A_260 : i32
          scf.if %cond3A_261 {
            "tpu.trace_start"() <{level = 10 : i32, message = "ep_wait_in"}> : () -> ()
            %mul3A_547 = arith.constant 128 : i32
            %mul3A_548 = arith.muli %mul3A_547, %add3A_184 : i32
            %rem3A_549 = arith.constant 2 : i32
            %rem3A_550 = arith.remui %while3A_175, %rem3A_549 : i32
            %dma_wait3A = arith.constant 0 : i32
            %dma_wait3A_551 = arith.constant 0 : i32
            %dma_wait3A_552 = tpu.memref_slice %run_scoped3A_23[%rem3A_550, %dma_wait3A, %dma_wait3A_551] : memref<2x1x128xi32, #tpu.memory_space<vmem>> -> memref<1x1x128xi32, #tpu.memory_space<vmem>>
            %dma_wait3A_553 = tpu.memref_squeeze %dma_wait3A_552 : memref<1x1x128xi32, #tpu.memory_space<vmem>> -> memref<1x128xi32, #tpu.memory_space<vmem>>
            %dma_wait3A_554 = arith.constant 0 : i32
            %dma_wait3A_555 = tpu.memref_slice %arg3[%dma_wait3A_554, %mul3A_548] : memref<1x1600000xi32, #tpu.memory_space<hbm>> -> memref<1x128xi32, #tpu.memory_space<hbm>>
            %dma_wait3A_556 = tpu.memref_slice %run_scoped3A_24[%rem3A_550] : memref<2x!tpu.dma_semaphore, #tpu.memory_space<semaphore_mem>> -> memref<1x!tpu.dma_semaphore, #tpu.memory_space<semaphore_mem>>
            %dma_wait3A_557 = tpu.memref_squeeze %dma_wait3A_556 : memref<1x!tpu.dma_semaphore, #tpu.memory_space<semaphore_mem>> -> memref<!tpu.dma_semaphore, #tpu.memory_space<semaphore_mem>>
            %dma_wait3A_558 = arith.constant 0 : i32
            %dma_wait3A_559 = arith.constant 0 : i32
            %dma_wait3A_560 = tpu.memref_slice %run_scoped3A_23[%rem3A_550, %dma_wait3A_558, %dma_wait3A_559] : memref<2x1x128xi32, #tpu.memory_space<vmem>> -> memref<1x1x128xi32, #tpu.memory_space<vmem>>
            %dma_wait3A_561 = tpu.memref_squeeze %dma_wait3A_560 : memref<1x1x128xi32, #tpu.memory_space<vmem>> -> memref<1x128xi32, #tpu.memory_space<vmem>>
            %dma_wait3A_562 = arith.constant 0 : i32
            %dma_wait3A_563 = tpu.memref_slice %arg3[%dma_wait3A_562, %mul3A_548] : memref<1x1600000xi32, #tpu.memory_space<hbm>> -> memref<1x128xi32, #tpu.memory_space<hbm>>
            tpu.wait_dma2 semaphore(%dma_wait3A_557 : memref<!tpu.dma_semaphore, #tpu.memory_space<semaphore_mem>>) src(%dma_wait3A_563 : memref<1x128xi32, #tpu.memory_space<hbm>>) dst(%dma_wait3A_561 : memref<1x128xi32, #tpu.memory_space<vmem>>)
            "tpu.trace_stop"() : () -> ()
          } else {
          }
          %rem3A_262 = arith.constant 2 : i32
          %rem3A_263 = arith.remui %while3A_173, %rem3A_262 : i32
          %rem3A_264 = arith.constant 2 : i32
          %rem3A_265 = arith.remui %while3A_175, %rem3A_264 : i32
          %get3A = arith.constant 0 : i32
          "tpu.trace_start"() <{level = 10 : i32, message = "ep_run_kernel"}> : () -> ()
          %get3A_266 = arith.constant 0 : i32
          %get3A_267 = arith.constant 0 : i32
          %get3A_268 = tpu.memref_slice %run_scoped3A_23[%rem3A_265, %get3A_266, %get3A_267] : memref<2x1x128xi32, #tpu.memory_space<vmem>> -> memref<1x1x128xi32, #tpu.memory_space<vmem>>
          %get3A_269 = tpu.memref_squeeze %get3A_268 : memref<1x1x128xi32, #tpu.memory_space<vmem>> -> memref<1x128xi32, #tpu.memory_space<vmem>>
          %get3A_270 = arith.index_cast %get3A : i32 to index
          %get3A_271 = arith.constant 0 : index
          %get3A_272 = tpu.vector_load %get3A_269[%get3A_270, %get3A_271] {strides = array<i32>} : memref<1x128xi32, #tpu.memory_space<vmem>>, vector<1x16xi32>,
          %get3A_273 = vector.shape_cast %get3A_272 : vector<1x16xi32> to vector<16xi32>
          %sub3A_274 = vector.broadcast %mul3A_4 : i32 to vector<16xi32>
          %sub3A_275 = arith.subi %get3A_273, %sub3A_274 : vector<16xi32>
          %ge3A_276 = arith.constant 0 : i32
          %ge3A_277 = vector.broadcast %ge3A_276 : i32 to vector<16xi32>
          %ge3A_278 = arith.cmpi sge, %sub3A_275, %ge3A_277 : vector<16xi32>
          %lt3A_279 = arith.constant 50000 : i32
          %lt3A_280 = vector.broadcast %lt3A_279 : i32 to vector<16xi32>
          %lt3A_281 = arith.cmpi slt, %sub3A_275, %lt3A_280 : vector<16xi32>
          %and3A_282 = arith.andi %ge3A_278, %lt3A_281 : vector<16xi1>
          %jit3A_283 = arith.constant 50000 : i32
          %broadcast_in_dim3A = vector.broadcast %jit3A_283 : i32 to vector<16xi32>
          %select_n3A_284 = arith.select %and3A_282, %sub3A_275, %broadcast_in_dim3A : vector<16xi1>, vector<16xi32>
          %swap3A = arith.constant 0 : i32
          %swap3A_285 = arith.index_cast %swap3A : i32 to index
          %swap3A_286 = arith.constant 0 : index
          %swap3A_287 = tpu.vector_load %arg7[%swap3A_285, %swap3A_286] {strides = array<i32>} : memref<1x128xi32, #tpu.memory_space<vmem>>, vector<1x16xi32>,
          %swap3A_288 = vector.shape_cast %swap3A_287 : vector<1x16xi32> to vector<16xi32>
          %swap3A_289 = vector.shape_cast %select_n3A_284 : vector<16xi32> to vector<1x16xi32>
          tpu.vector_store %arg7[%swap3A_285, %swap3A_286], %swap3A_289 {strides = array<i32>} : memref<1x128xi32, #tpu.memory_space<vmem>>, vector<1x16xi32>,
          %get3A_290 = arith.constant 0 : i32
          %get3A_291 = arith.constant 0 : i32
          %get3A_292 = arith.constant 0 : i32
          %get3A_293 = tpu.memref_slice %run_scoped3A_23[%rem3A_265, %get3A_291, %get3A_292] : memref<2x1x128xi32, #tpu.memory_space<vmem>> -> memref<1x1x128xi32, #tpu.memory_space<vmem>>
          %get3A_294 = tpu.memref_squeeze %get3A_293 : memref<1x1x128xi32, #tpu.memory_space<vmem>> -> memref<1x128xi32, #tpu.memory_space<vmem>>
          %get3A_295 = arith.index_cast %get3A_290 : i32 to index
          %get3A_296 = arith.constant 16 : index
          %get3A_297 = tpu.vector_load %get3A_294[%get3A_295, %get3A_296] {strides = array<i32>} : memref<1x128xi32, #tpu.memory_space<vmem>>, vector<1x16xi32>,
          %get3A_298 = vector.shape_cast %get3A_297 : vector<1x16xi32> to vector<16xi32>
          %sub3A_299 = vector.broadcast %mul3A_4 : i32 to vector<16xi32>
          %sub3A_300 = arith.subi %get3A_298, %sub3A_299 : vector<16xi32>
          %ge3A_301 = arith.constant 0 : i32
          %ge3A_302 = vector.broadcast %ge3A_301 : i32 to vector<16xi32>
          %ge3A_303 = arith.cmpi sge, %sub3A_300, %ge3A_302 : vector<16xi32>
          %lt3A_304 = arith.constant 50000 : i32
          %lt3A_305 = vector.broadcast %lt3A_304 : i32 to vector<16xi32>
          %lt3A_306 = arith.cmpi slt, %sub3A_300, %lt3A_305 : vector<16xi32>
          %and3A_307 = arith.andi %ge3A_303, %lt3A_306 : vector<16xi1>
          %jit3A_308 = arith.constant 50000 : i32
          %broadcast_in_dim3A_309 = vector.broadcast %jit3A_308 : i32 to vector<16xi32>
          %select_n3A_310 = arith.select %and3A_307, %sub3A_300, %broadcast_in_dim3A_309 : vector<16xi1>, vector<16xi32>
          %swap3A_311 = arith.constant 0 : i32
          %swap3A_312 = arith.index_cast %swap3A_311 : i32 to index
          %swap3A_313 = arith.constant 16 : index
          %swap3A_314 = tpu.vector_load %arg7[%swap3A_312, %swap3A_313] {strides = array<i32>} : memref<1x128xi32, #tpu.memory_space<vmem>>, vector<1x16xi32>,
          %swap3A_315 = vector.shape_cast %swap3A_314 : vector<1x16xi32> to vector<16xi32>
          %swap3A_316 = vector.shape_cast %select_n3A_310 : vector<16xi32> to vector<1x16xi32>
          tpu.vector_store %arg7[%swap3A_312, %swap3A_313], %swap3A_316 {strides = array<i32>} : memref<1x128xi32, #tpu.memory_space<vmem>>, vector<1x16xi32>,
          %get3A_317 = arith.constant 0 : i32
          %get3A_318 = arith.constant 0 : i32
          %get3A_319 = arith.constant 0 : i32
          %get3A_320 = tpu.memref_slice %run_scoped3A_23[%rem3A_265, %get3A_318, %get3A_319] : memref<2x1x128xi32, #tpu.memory_space<vmem>> -> memref<1x1x128xi32, #tpu.memory_space<vmem>>
          %get3A_321 = tpu.memref_squeeze %get3A_320 : memref<1x1x128xi32, #tpu.memory_space<vmem>> -> memref<1x128xi32, #tpu.memory_space<vmem>>
          %get3A_322 = arith.index_cast %get3A_317 : i32 to index
          %get3A_323 = arith.constant 32 : index
          %get3A_324 = tpu.vector_load %get3A_321[%get3A_322, %get3A_323] {strides = array<i32>} : memref<1x128xi32, #tpu.memory_space<vmem>>, vector<1x16xi32>,
          %get3A_325 = vector.shape_cast %get3A_324 : vector<1x16xi32> to vector<16xi32>
          %sub3A_326 = vector.broadcast %mul3A_4 : i32 to vector<16xi32>
          %sub3A_327 = arith.subi %get3A_325, %sub3A_326 : vector<16xi32>
          %ge3A_328 = arith.constant 0 : i32
          %ge3A_329 = vector.broadcast %ge3A_328 : i32 to vector<16xi32>
          %ge3A_330 = arith.cmpi sge, %sub3A_327, %ge3A_329 : vector<16xi32>
          %lt3A_331 = arith.constant 50000 : i32
          %lt3A_332 = vector.broadcast %lt3A_331 : i32 to vector<16xi32>
          %lt3A_333 = arith.cmpi slt, %sub3A_327, %lt3A_332 : vector<16xi32>
          %and3A_334 = arith.andi %ge3A_330, %lt3A_333 : vector<16xi1>
          %jit3A_335 = arith.constant 50000 : i32
          %broadcast_in_dim3A_336 = vector.broadcast %jit3A_335 : i32 to vector<16xi32>
          %select_n3A_337 = arith.select %and3A_334, %sub3A_327, %broadcast_in_dim3A_336 : vector<16xi1>, vector<16xi32>
          %swap3A_338 = arith.constant 0 : i32
          %swap3A_339 = arith.index_cast %swap3A_338 : i32 to index
          %swap3A_340 = arith.constant 32 : index
          %swap3A_341 = tpu.vector_load %arg7[%swap3A_339, %swap3A_340] {strides = array<i32>} : memref<1x128xi32, #tpu.memory_space<vmem>>, vector<1x16xi32>,
          %swap3A_342 = vector.shape_cast %swap3A_341 : vector<1x16xi32> to vector<16xi32>
          %swap3A_343 = vector.shape_cast %select_n3A_337 : vector<16xi32> to vector<1x16xi32>
          tpu.vector_store %arg7[%swap3A_339, %swap3A_340], %swap3A_343 {strides = array<i32>} : memref<1x128xi32, #tpu.memory_space<vmem>>, vector<1x16xi32>,
          %get3A_344 = arith.constant 0 : i32
          %get3A_345 = arith.constant 0 : i32
          %get3A_346 = arith.constant 0 : i32
          %get3A_347 = tpu.memref_slice %run_scoped3A_23[%rem3A_265, %get3A_345, %get3A_346] : memref<2x1x128xi32, #tpu.memory_space<vmem>> -> memref<1x1x128xi32, #tpu.memory_space<vmem>>
          %get3A_348 = tpu.memref_squeeze %get3A_347 : memref<1x1x128xi32, #tpu.memory_space<vmem>> -> memref<1x128xi32, #tpu.memory_space<vmem>>
          %get3A_349 = arith.index_cast %get3A_344 : i32 to index
          %get3A_350 = arith.constant 48 : index
          %get3A_351 = tpu.vector_load %get3A_348[%get3A_349, %get3A_350] {strides = array<i32>} : memref<1x128xi32, #tpu.memory_space<vmem>>, vector<1x16xi32>,
          %get3A_352 = vector.shape_cast %get3A_351 : vector<1x16xi32> to vector<16xi32>
          %sub3A_353 = vector.broadcast %mul3A_4 : i32 to vector<16xi32>
          %sub3A_354 = arith.subi %get3A_352, %sub3A_353 : vector<16xi32>
          %ge3A_355 = arith.constant 0 : i32
          %ge3A_356 = vector.broadcast %ge3A_355 : i32 to vector<16xi32>
          %ge3A_357 = arith.cmpi sge, %sub3A_354, %ge3A_356 : vector<16xi32>
          %lt3A_358 = arith.constant 50000 : i32
          %lt3A_359 = vector.broadcast %lt3A_358 : i32 to vector<16xi32>
          %lt3A_360 = arith.cmpi slt, %sub3A_354, %lt3A_359 : vector<16xi32>
          %and3A_361 = arith.andi %ge3A_357, %lt3A_360 : vector<16xi1>
          %jit3A_362 = arith.constant 50000 : i32
          %broadcast_in_dim3A_363 = vector.broadcast %jit3A_362 : i32 to vector<16xi32>
          %select_n3A_364 = arith.select %and3A_361, %sub3A_354, %broadcast_in_dim3A_363 : vector<16xi1>, vector<16xi32>
          %swap3A_365 = arith.constant 0 : i32
          %swap3A_366 = arith.index_cast %swap3A_365 : i32 to index
          %swap3A_367 = arith.constant 48 : index
          %swap3A_368 = tpu.vector_load %arg7[%swap3A_366, %swap3A_367] {strides = array<i32>} : memref<1x128xi32, #tpu.memory_space<vmem>>, vector<1x16xi32>,
          %swap3A_369 = vector.shape_cast %swap3A_368 : vector<1x16xi32> to vector<16xi32>
          %swap3A_370 = vector.shape_cast %select_n3A_364 : vector<16xi32> to vector<1x16xi32>
          tpu.vector_store %arg7[%swap3A_366, %swap3A_367], %swap3A_370 {strides = array<i32>} : memref<1x128xi32, #tpu.memory_space<vmem>>, vector<1x16xi32>,
          %get3A_371 = arith.constant 0 : i32
          %get3A_372 = arith.constant 0 : i32
          %get3A_373 = arith.constant 0 : i32
          %get3A_374 = tpu.memref_slice %run_scoped3A_23[%rem3A_265, %get3A_372, %get3A_373] : memref<2x1x128xi32, #tpu.memory_space<vmem>> -> memref<1x1x128xi32, #tpu.memory_space<vmem>>
          %get3A_375 = tpu.memref_squeeze %get3A_374 : memref<1x1x128xi32, #tpu.memory_space<vmem>> -> memref<1x128xi32, #tpu.memory_space<vmem>>
          %get3A_376 = arith.index_cast %get3A_371 : i32 to index
          %get3A_377 = arith.constant 64 : index
          %get3A_378 = tpu.vector_load %get3A_375[%get3A_376, %get3A_377] {strides = array<i32>} : memref<1x128xi32, #tpu.memory_space<vmem>>, vector<1x16xi32>,
          %get3A_379 = vector.shape_cast %get3A_378 : vector<1x16xi32> to vector<16xi32>
          %sub3A_380 = vector.broadcast %mul3A_4 : i32 to vector<16xi32>
          %sub3A_381 = arith.subi %get3A_379, %sub3A_380 : vector<16xi32>
          %ge3A_382 = arith.constant 0 : i32
          %ge3A_383 = vector.broadcast %ge3A_382 : i32 to vector<16xi32>
          %ge3A_384 = arith.cmpi sge, %sub3A_381, %ge3A_383 : vector<16xi32>
          %lt3A_385 = arith.constant 50000 : i32
          %lt3A_386 = vector.broadcast %lt3A_385 : i32 to vector<16xi32>
          %lt3A_387 = arith.cmpi slt, %sub3A_381, %lt3A_386 : vector<16xi32>
          %and3A_388 = arith.andi %ge3A_384, %lt3A_387 : vector<16xi1>
          %jit3A_389 = arith.constant 50000 : i32
          %broadcast_in_dim3A_390 = vector.broadcast %jit3A_389 : i32 to vector<16xi32>
          %select_n3A_391 = arith.select %and3A_388, %sub3A_381, %broadcast_in_dim3A_390 : vector<16xi1>, vector<16xi32>
          %swap3A_392 = arith.constant 0 : i32
          %swap3A_393 = arith.index_cast %swap3A_392 : i32 to index
          %swap3A_394 = arith.constant 64 : index
          %swap3A_395 = tpu.vector_load %arg7[%swap3A_393, %swap3A_394] {strides = array<i32>} : memref<1x128xi32, #tpu.memory_space<vmem>>, vector<1x16xi32>,
          %swap3A_396 = vector.shape_cast %swap3A_395 : vector<1x16xi32> to vector<16xi32>
          %swap3A_397 = vector.shape_cast %select_n3A_391 : vector<16xi32> to vector<1x16xi32>
          tpu.vector_store %arg7[%swap3A_393, %swap3A_394], %swap3A_397 {strides = array<i32>} : memref<1x128xi32, #tpu.memory_space<vmem>>, vector<1x16xi32>,
          %get3A_398 = arith.constant 0 : i32
          %get3A_399 = arith.constant 0 : i32
          %get3A_400 = arith.constant 0 : i32
          %get3A_401 = tpu.memref_slice %run_scoped3A_23[%rem3A_265, %get3A_399, %get3A_400] : memref<2x1x128xi32, #tpu.memory_space<vmem>> -> memref<1x1x128xi32, #tpu.memory_space<vmem>>
          %get3A_402 = tpu.memref_squeeze %get3A_401 : memref<1x1x128xi32, #tpu.memory_space<vmem>> -> memref<1x128xi32, #tpu.memory_space<vmem>>
          %get3A_403 = arith.index_cast %get3A_398 : i32 to index
          %get3A_404 = arith.constant 80 : index
          %get3A_405 = tpu.vector_load %get3A_402[%get3A_403, %get3A_404] {strides = array<i32>} : memref<1x128xi32, #tpu.memory_space<vmem>>, vector<1x16xi32>,
          %get3A_406 = vector.shape_cast %get3A_405 : vector<1x16xi32> to vector<16xi32>
          %sub3A_407 = vector.broadcast %mul3A_4 : i32 to vector<16xi32>
          %sub3A_408 = arith.subi %get3A_406, %sub3A_407 : vector<16xi32>
          %ge3A_409 = arith.constant 0 : i32
          %ge3A_410 = vector.broadcast %ge3A_409 : i32 to vector<16xi32>
          %ge3A_411 = arith.cmpi sge, %sub3A_408, %ge3A_410 : vector<16xi32>
          %lt3A_412 = arith.constant 50000 : i32
          %lt3A_413 = vector.broadcast %lt3A_412 : i32 to vector<16xi32>
          %lt3A_414 = arith.cmpi slt, %sub3A_408, %lt3A_413 : vector<16xi32>
          %and3A_415 = arith.andi %ge3A_411, %lt3A_414 : vector<16xi1>
          %jit3A_416 = arith.constant 50000 : i32
          %broadcast_in_dim3A_417 = vector.broadcast %jit3A_416 : i32 to vector<16xi32>
          %select_n3A_418 = arith.select %and3A_415, %sub3A_408, %broadcast_in_dim3A_417 : vector<16xi1>, vector<16xi32>
          %swap3A_419 = arith.constant 0 : i32
          %swap3A_420 = arith.index_cast %swap3A_419 : i32 to index
          %swap3A_421 = arith.constant 80 : index
          %swap3A_422 = tpu.vector_load %arg7[%swap3A_420, %swap3A_421] {strides = array<i32>} : memref<1x128xi32, #tpu.memory_space<vmem>>, vector<1x16xi32>,
          %swap3A_423 = vector.shape_cast %swap3A_422 : vector<1x16xi32> to vector<16xi32>
          %swap3A_424 = vector.shape_cast %select_n3A_418 : vector<16xi32> to vector<1x16xi32>
          tpu.vector_store %arg7[%swap3A_420, %swap3A_421], %swap3A_424 {strides = array<i32>} : memref<1x128xi32, #tpu.memory_space<vmem>>, vector<1x16xi32>,
          %get3A_425 = arith.constant 0 : i32
          %get3A_426 = arith.constant 0 : i32
          %get3A_427 = arith.constant 0 : i32
          %get3A_428 = tpu.memref_slice %run_scoped3A_23[%rem3A_265, %get3A_426, %get3A_427] : memref<2x1x128xi32, #tpu.memory_space<vmem>> -> memref<1x1x128xi32, #tpu.memory_space<vmem>>
          %get3A_429 = tpu.memref_squeeze %get3A_428 : memref<1x1x128xi32, #tpu.memory_space<vmem>> -> memref<1x128xi32, #tpu.memory_space<vmem>>
          %get3A_430 = arith.index_cast %get3A_425 : i32 to index
          %get3A_431 = arith.constant 96 : index
          %get3A_432 = tpu.vector_load %get3A_429[%get3A_430, %get3A_431] {strides = array<i32>} : memref<1x128xi32, #tpu.memory_space<vmem>>, vector<1x16xi32>,
          %get3A_433 = vector.shape_cast %get3A_432 : vector<1x16xi32> to vector<16xi32>
          %sub3A_434 = vector.broadcast %mul3A_4 : i32 to vector<16xi32>
          %sub3A_435 = arith.subi %get3A_433, %sub3A_434 : vector<16xi32>
          %ge3A_436 = arith.constant 0 : i32
          %ge3A_437 = vector.broadcast %ge3A_436 : i32 to vector<16xi32>
          %ge3A_438 = arith.cmpi sge, %sub3A_435, %ge3A_437 : vector<16xi32>
          %lt3A_439 = arith.constant 50000 : i32
          %lt3A_440 = vector.broadcast %lt3A_439 : i32 to vector<16xi32>
          %lt3A_441 = arith.cmpi slt, %sub3A_435, %lt3A_440 : vector<16xi32>
          %and3A_442 = arith.andi %ge3A_438, %lt3A_441 : vector<16xi1>
          %jit3A_443 = arith.constant 50000 : i32
          %broadcast_in_dim3A_444 = vector.broadcast %jit3A_443 : i32 to vector<16xi32>
          %select_n3A_445 = arith.select %and3A_442, %sub3A_435, %broadcast_in_dim3A_444 : vector<16xi1>, vector<16xi32>
          %swap3A_446 = arith.constant 0 : i32
          %swap3A_447 = arith.index_cast %swap3A_446 : i32 to index
          %swap3A_448 = arith.constant 96 : index
          %swap3A_449 = tpu.vector_load %arg7[%swap3A_447, %swap3A_448] {strides = array<i32>} : memref<1x128xi32, #tpu.memory_space<vmem>>, vector<1x16xi32>,
          %swap3A_450 = vector.shape_cast %swap3A_449 : vector<1x16xi32> to vector<16xi32>
          %swap3A_451 = vector.shape_cast %select_n3A_445 : vector<16xi32> to vector<1x16xi32>
          tpu.vector_store %arg7[%swap3A_447, %swap3A_448], %swap3A_451 {strides = array<i32>} : memref<1x128xi32, #tpu.memory_space<vmem>>, vector<1x16xi32>,
          %get3A_452 = arith.constant 0 : i32
          %get3A_453 = arith.constant 0 : i32
          %get3A_454 = arith.constant 0 : i32
          %get3A_455 = tpu.memref_slice %run_scoped3A_23[%rem3A_265, %get3A_453, %get3A_454] : memref<2x1x128xi32, #tpu.memory_space<vmem>> -> memref<1x1x128xi32, #tpu.memory_space<vmem>>
          %get3A_456 = tpu.memref_squeeze %get3A_455 : memref<1x1x128xi32, #tpu.memory_space<vmem>> -> memref<1x128xi32, #tpu.memory_space<vmem>>
          %get3A_457 = arith.index_cast %get3A_452 : i32 to index
          %get3A_458 = arith.constant 112 : index
          %get3A_459 = tpu.vector_load %get3A_456[%get3A_457, %get3A_458] {strides = array<i32>} : memref<1x128xi32, #tpu.memory_space<vmem>>, vector<1x16xi32>,
          %get3A_460 = vector.shape_cast %get3A_459 : vector<1x16xi32> to vector<16xi32>
          %sub3A_461 = vector.broadcast %mul3A_4 : i32 to vector<16xi32>
          %sub3A_462 = arith.subi %get3A_460, %sub3A_461 : vector<16xi32>
          %ge3A_463 = arith.constant 0 : i32
          %ge3A_464 = vector.broadcast %ge3A_463 : i32 to vector<16xi32>
          %ge3A_465 = arith.cmpi sge, %sub3A_462, %ge3A_464 : vector<16xi32>
          %lt3A_466 = arith.constant 50000 : i32
          %lt3A_467 = vector.broadcast %lt3A_466 : i32 to vector<16xi32>
          %lt3A_468 = arith.cmpi slt, %sub3A_462, %lt3A_467 : vector<16xi32>
          %and3A_469 = arith.andi %ge3A_465, %lt3A_468 : vector<16xi1>
          %jit3A_470 = arith.constant 50000 : i32
          %broadcast_in_dim3A_471 = vector.broadcast %jit3A_470 : i32 to vector<16xi32>
          %select_n3A_472 = arith.select %and3A_469, %sub3A_462, %broadcast_in_dim3A_471 : vector<16xi1>, vector<16xi32>
          %swap3A_473 = arith.constant 0 : i32
          %swap3A_474 = arith.index_cast %swap3A_473 : i32 to index
          %swap3A_475 = arith.constant 112 : index
          %swap3A_476 = tpu.vector_load %arg7[%swap3A_474, %swap3A_475] {strides = array<i32>} : memref<1x128xi32, #tpu.memory_space<vmem>>, vector<1x16xi32>,
          %swap3A_477 = vector.shape_cast %swap3A_476 : vector<1x16xi32> to vector<16xi32>
          %swap3A_478 = vector.shape_cast %select_n3A_472 : vector<16xi32> to vector<1x16xi32>
          tpu.vector_store %arg7[%swap3A_474, %swap3A_475], %swap3A_478 {strides = array<i32>} : memref<1x128xi32, #tpu.memory_space<vmem>>, vector<1x16xi32>,
          %run_scoped3A_479 = arith.constant 0 : i32
          "tpu.region"() ({
            %run_scoped3A_547 = tpu.sem_alloc : memref<!tpu.dma_semaphore, #tpu.memory_space<semaphore_mem>>
            %dma_start3A_548 = arith.constant 0 : i32
            %dma_start3A_549 = arith.constant 0 : i32
            %dma_start3A_550 = tpu.memref_slice %run_scoped3A[%rem3A_263, %dma_start3A_548, %dma_start3A_549] : memref<2x128x32xf32, #tpu.memory_space<vmem>> -> memref<1x128x32xf32, #tpu.memory_space<vmem>>
            %dma_start3A_551 = tpu.memref_squeeze %dma_start3A_550 : memref<1x128x32xf32, #tpu.memory_space<vmem>> -> memref<128x32xf32, #tpu.memory_space<vmem>>
            %dma_start3A_552 = arith.constant 0 : i32
            %dma_start3A_553 = tpu.memref_slice %arg7[%run_scoped3A_479, %dma_start3A_552] : memref<1x128xi32, #tpu.memory_space<vmem>> -> memref<1x128xi32, #tpu.memory_space<vmem>>
            %dma_start3A_554 = tpu.memref_squeeze %dma_start3A_553 : memref<1x128xi32, #tpu.memory_space<vmem>> -> memref<128xi32, #tpu.memory_space<vmem>>
            %dma_start3A_555 = arith.constant 0 : i32
            %dma_start3A_556 = arith.constant 0 : i32
            %dma_start3A_557 = tpu.memref_slice %arg6[%dma_start3A_555, %dma_start3A_556] : memref<50176x32xf32, #tpu.memory_space<vmem_shared>> -> memref<50176x32xf32, #tpu.memory_space<vmem_shared>>
            tpu.enqueue_indirect_dma source(%dma_start3A_551 : memref<128x32xf32, #tpu.memory_space<vmem>>) target(%dma_start3A_557 : memref<50176x32xf32, #tpu.memory_space<vmem_shared>>) offsets(%dma_start3A_554 : memref<128xi32, #tpu.memory_space<vmem>>) semaphore(%run_scoped3A_547 : memref<!tpu.dma_semaphore, #tpu.memory_space<semaphore_mem>>) {add = true}
            %dma_wait3A = arith.constant 0 : i32
            %dma_wait3A_558 = arith.constant 0 : i32
            %dma_wait3A_559 = tpu.memref_slice %run_scoped3A[%rem3A_263, %dma_wait3A, %dma_wait3A_558] : memref<2x128x32xf32, #tpu.memory_space<vmem>> -> memref<1x128x32xf32, #tpu.memory_space<vmem>>
            %dma_wait3A_560 = tpu.memref_squeeze %dma_wait3A_559 : memref<1x128x32xf32, #tpu.memory_space<vmem>> -> memref<128x32xf32, #tpu.memory_space<vmem>>
            %dma_wait3A_561 = arith.constant 0 : i32
            %dma_wait3A_562 = tpu.memref_slice %arg7[%run_scoped3A_479, %dma_wait3A_561] : memref<1x128xi32, #tpu.memory_space<vmem>> -> memref<1x128xi32, #tpu.memory_space<vmem>>
            %dma_wait3A_563 = tpu.memref_squeeze %dma_wait3A_562 : memref<1x128xi32, #tpu.memory_space<vmem>> -> memref<128xi32, #tpu.memory_space<vmem>>
            %dma_wait3A_564 = arith.constant 0 : i32
            %dma_wait3A_565 = arith.constant 0 : i32
            %dma_wait3A_566 = tpu.memref_slice %arg6[%dma_wait3A_564, %dma_wait3A_565] : memref<50176x32xf32, #tpu.memory_space<vmem_shared>> -> memref<50176x32xf32, #tpu.memory_space<vmem_shared>>
            tpu.wait_indirect_dma semaphore(%run_scoped3A_547 : memref<!tpu.dma_semaphore, #tpu.memory_space<semaphore_mem>>) src(%dma_wait3A_560 : memref<128x32xf32, #tpu.memory_space<vmem>>) dst(%dma_wait3A_566 : memref<50176x32xf32, #tpu.memory_space<vmem_shared>>)
            tpu.yield
          }) : () -> ()
          "tpu.trace_stop"() : () -> ()
          %ne3A_480 = arith.cmpi ne, %add3A_184, %add3A_202 : i32
          %or3A_481 = arith.constant false
          %or3A_482 = arith.ori %or3A_481, %ne3A_480 : i1
          %or3A_483 = arith.constant false
          %or3A_484 = arith.ori %or3A_482, %or3A_483 : i1
          %or3A_485 = arith.ori %or3A_484, %eq3A_183 : i1
          %convert_element_type3A_486 = arith.extui %or3A_485 : i1 to i32
          %cond3A_487 = arith.constant 0 : i32
          %cond3A_488 = arith.cmpi ne, %convert_element_type3A_486, %cond3A_487 : i32
          scf.if %cond3A_488 {
          } else {
          }
          %and3A_489 = arith.constant false
          %and3A_490 = arith.andi %or3A_485, %and3A_489 : i1
          %ne3A_491 = arith.cmpi ne, %add3A_184, %add3A_202 : i32
          %or3A_492 = arith.constant false
          %or3A_493 = arith.ori %or3A_492, %ne3A_491 : i1
          %or3A_494 = arith.ori %or3A_493, %eq3A_183 : i1
          %convert_element_type3A_495 = arith.extui %or3A_494 : i1 to i32
          %cond3A_496 = arith.constant 0 : i32
          %cond3A_497 = arith.cmpi ne, %convert_element_type3A_495, %cond3A_496 : i32
          scf.if %cond3A_497 {
          } else {
          }
          %and3A_498 = arith.constant false
          %and3A_499 = arith.andi %or3A_494, %and3A_498 : i1
          %ne3A_500 = arith.cmpi ne, %add3A_184, %add3A_194 : i32
          %or3A_501 = arith.constant false
          %or3A_502 = arith.ori %or3A_501, %ne3A_500 : i1
          %or3A_503 = arith.constant false
          %or3A_504 = arith.ori %or3A_502, %or3A_503 : i1
          %not3A_505 = arith.constant true
          %not3A_506 = arith.xori %eq3A_180, %not3A_505 : i1
          %and3A_507 = arith.andi %or3A_504, %not3A_506 : i1
          %convert_element_type3A_508 = arith.extui %and3A_507 : i1 to i32
          %cond3A_509 = arith.constant 0 : i32
          %cond3A_510 = arith.cmpi ne, %convert_element_type3A_508, %cond3A_509 : i32
          scf.if %cond3A_510 {
          } else {
          }
          %and3A_511 = arith.constant false
          %and3A_512 = arith.andi %and3A_507, %and3A_511 : i1
          %ne3A_513 = arith.cmpi ne, %add3A_184, %add3A_194 : i32
          %or3A_514 = arith.constant false
          %or3A_515 = arith.ori %or3A_514, %ne3A_513 : i1
          %not3A_516 = arith.constant true
          %not3A_517 = arith.xori %eq3A_180, %not3A_516 : i1
          %and3A_518 = arith.andi %or3A_515, %not3A_517 : i1
          %convert_element_type3A_519 = arith.extui %and3A_518 : i1 to i32
          %cond3A_520 = arith.constant 0 : i32
          %cond3A_521 = arith.cmpi ne, %convert_element_type3A_519, %cond3A_520 : i32
          scf.if %cond3A_521 {
          } else {
          }
          %and3A_522 = arith.constant false
          %and3A_523 = arith.andi %and3A_518, %and3A_522 : i1
          %ne3A_524 = arith.cmpi ne, %add3A_184, %add3A_202 : i32
          %or3A_525 = arith.constant false
          %or3A_526 = arith.ori %or3A_525, %ne3A_524 : i1
          %or3A_527 = arith.constant false
          %or3A_528 = arith.ori %or3A_526, %or3A_527 : i1
          %or3A_529 = arith.ori %or3A_528, %eq3A_183 : i1
          %add3A_530 = arith.constant 1 : i32
          %add3A_531 = arith.addi %while3A_173, %add3A_530 : i32
          %select_n3A_532 = arith.select %or3A_529, %add3A_531, %while3A_173 : i32
          %ne3A_533 = arith.cmpi ne, %add3A_184, %add3A_202 : i32
          %or3A_534 = arith.constant false
          %or3A_535 = arith.ori %or3A_534, %ne3A_533 : i1
          %or3A_536 = arith.ori %or3A_535, %eq3A_183 : i1
          %add3A_537 = arith.constant 1 : i32
          %add3A_538 = arith.addi %while3A_175, %add3A_537 : i32
          %select_n3A_539 = arith.select %or3A_536, %add3A_538, %while3A_175 : i32
          %add3A_540 = arith.constant 1 : i32
          %add3A_541 = arith.addi %while3A_176, %add3A_540 : i32
          %select_n3A_542 = arith.constant true
          %select_n3A_543 = arith.select %select_n3A_542, %add3A_541, %while3A_176 : i32
          %eq3A_544 = arith.cmpi eq, %select_n3A_543, %select_n3A : i32
          %select_n3A_545 = arith.constant 0 : i32
          %select_n3A_546 = arith.select %eq3A_544, %select_n3A_545, %select_n3A_543 : i32
          scf.yield %select_n3A_226, %select_n3A_532, %select_n3A_245, %select_n3A_539, %select_n3A_546 : i32, i32, i32, i32, i32
        }
        %sub3A_120 = arith.constant 1 : i32
        %sub3A_121 = arith.subi %while3A_119#4, %sub3A_120 : i32
        %select_n3A_122 = arith.constant true
        %select_n3A_123 = arith.select %select_n3A_122, %sub3A_121, %while3A_119#4 : i32
        %eq3A_124 = arith.constant -1 : i32
        %eq3A_125 = arith.cmpi eq, %select_n3A_123, %eq3A_124 : i32
        %sub3A_126 = arith.constant 1 : i32
        %sub3A_127 = arith.subi %select_n3A, %sub3A_126 : i32
        %select_n3A_128 = arith.select %eq3A_125, %sub3A_127, %select_n3A_123 : i32
        %sub3A_129 = arith.constant 1 : i32
        %sub3A_130 = arith.subi %mul3A_15, %sub3A_129 : i32
        %mul3A_131 = arith.constant 1 : i32
        %mul3A_132 = arith.muli %mul3A_131, %select_n3A : i32
        %eq3A_133 = arith.constant 0 : i32
        %eq3A_134 = arith.cmpi eq, %sub3A_130, %eq3A_133 : i32
        %sub3A_135 = arith.constant 1 : i32
        %sub3A_136 = arith.subi %mul3A_132, %sub3A_135 : i32
        %eq3A_137 = arith.cmpi eq, %sub3A_130, %sub3A_136 : i32
        %add3A_138 = arith.addi %select_n3A_128, %select_n3A_13 : i32
        %sub3A_139 = arith.constant 1 : i32
        %sub3A_140 = arith.subi %select_n3A_128, %sub3A_139 : i32
        %select_n3A_141 = arith.constant true
        %select_n3A_142 = arith.select %select_n3A_141, %sub3A_140, %select_n3A_128 : i32
        %eq3A_143 = arith.constant -1 : i32
        %eq3A_144 = arith.cmpi eq, %select_n3A_142, %eq3A_143 : i32
        %sub3A_145 = arith.constant 1 : i32
        %sub3A_146 = arith.subi %select_n3A, %sub3A_145 : i32
        %select_n3A_147 = arith.select %eq3A_144, %sub3A_146, %select_n3A_142 : i32
        %add3A_148 = arith.addi %select_n3A_147, %select_n3A_13 : i32
        %add3A_149 = arith.constant 1 : i32
        %add3A_150 = arith.addi %select_n3A_128, %add3A_149 : i32
        %select_n3A_151 = arith.constant true
        %select_n3A_152 = arith.select %select_n3A_151, %add3A_150, %select_n3A_128 : i32
        %eq3A_153 = arith.cmpi eq, %select_n3A_152, %select_n3A : i32
        %select_n3A_154 = arith.constant 0 : i32
        %select_n3A_155 = arith.select %eq3A_153, %select_n3A_154, %select_n3A_152 : i32
        %add3A_156 = arith.addi %select_n3A_155, %select_n3A_13 : i32
        %add3A_157 = arith.constant 1 : i32
        %add3A_158 = arith.addi %select_n3A_155, %add3A_157 : i32
        %select_n3A_159 = arith.constant true
        %select_n3A_160 = arith.select %select_n3A_159, %add3A_158, %select_n3A_155 : i32
        %eq3A_161 = arith.cmpi eq, %select_n3A_160, %select_n3A : i32
        %select_n3A_162 = arith.constant 0 : i32
        %select_n3A_163 = arith.select %eq3A_161, %select_n3A_162, %select_n3A_160 : i32
        %add3A_164 = arith.addi %select_n3A_163, %select_n3A_13 : i32
        %convert_element_type3A_165 = arith.extui %eq3A_137 : i1 to i32
        %cond3A_166 = arith.constant 0 : i32
        %cond3A_167 = arith.cmpi ne, %convert_element_type3A_165, %cond3A_166 : i32
        scf.if %cond3A_167 {
        } else {
        }
        %convert_element_type3A_168 = arith.extui %eq3A_137 : i1 to i32
        %cond3A_169 = arith.constant 0 : i32
        %cond3A_170 = arith.cmpi ne, %convert_element_type3A_168, %cond3A_169 : i32
        scf.if %cond3A_170 {
        } else {
        }
      } else {
      }
      tpu.yield
    }) : () -> ()
    %barrier3A_16 = arith.constant 0 : index
    tpu.barrier barrier_id(%barrier3A_16)
    %mul3A_17 = arith.constant 3125 : i32
    %mul3A_18 = arith.muli %arg1, %mul3A_17 : i32
    %mul3A_19 = arith.constant 3125 : i32
    %mul3A_20 = arith.muli %arg1, %mul3A_19 : i32
    %add3A_21 = arith.addi %mul3A_4, %mul3A_20 : i32
    "tpu.region"() ({
      %run_scoped3A = tpu.sem_alloc : memref<!tpu.dma_semaphore, #tpu.memory_space<semaphore_mem>>
      %dma_start3A = arith.constant 0 : i32
      %dma_start3A_22 = tpu.memref_slice %arg5[%add3A_21, %dma_start3A] : memref<100000x32xf32, #tpu.memory_space<hbm>> -> memref<3125x32xf32, #tpu.memory_space<hbm>>
      %dma_start3A_23 = arith.constant 0 : i32
      %dma_start3A_24 = tpu.memref_slice %arg6[%mul3A_18, %dma_start3A_23] : memref<50176x32xf32, #tpu.memory_space<vmem_shared>> -> memref<3125x32xf32, #tpu.memory_space<vmem_shared>>
      tpu.enqueue_dma source(%dma_start3A_24 : memref<3125x32xf32, #tpu.memory_space<vmem_shared>>) target(%dma_start3A_22 : memref<3125x32xf32, #tpu.memory_space<hbm>>) target_semaphore(%run_scoped3A : memref<!tpu.dma_semaphore, #tpu.memory_space<semaphore_mem>>)
      %dma_wait3A = arith.constant 0 : i32
      %dma_wait3A_25 = tpu.memref_slice %arg5[%add3A_21, %dma_wait3A] : memref<100000x32xf32, #tpu.memory_space<hbm>> -> memref<3125x32xf32, #tpu.memory_space<hbm>>
      %dma_wait3A_26 = arith.constant 0 : i32
      %dma_wait3A_27 = tpu.memref_slice %arg6[%mul3A_18, %dma_wait3A_26] : memref<50176x32xf32, #tpu.memory_space<vmem_shared>> -> memref<3125x32xf32, #tpu.memory_space<vmem_shared>>
      tpu.wait_dma2 semaphore(%run_scoped3A : memref<!tpu.dma_semaphore, #tpu.memory_space<semaphore_mem>>) src(%dma_wait3A_27 : memref<3125x32xf32, #tpu.memory_space<vmem_shared>>) dst(%dma_wait3A_25 : memref<3125x32xf32, #tpu.memory_space<hbm>>)
      tpu.yield
    }) : () -> ()
    return
  }
}

module attributes {stable_mosaic.version = 14 : i64} {
  func.func @body(%arg0: i32, %arg1: memref<2000x128xf32, #tpu.memory_space<vmem>>, %arg2: memref<2000x128xf32, #tpu.memory_space<vmem>>, %arg3: memref<2000x24xf32, #tpu.memory_space<vmem>>, %arg4: memref<128x128xf32, #tpu.memory_space<vmem>>, %arg5: memref<128x128xf32, #tpu.memory_space<vmem>>, %arg6: memref<24x128xf32, #tpu.memory_space<vmem>>, %arg7: memref<1x128xf32, #tpu.memory_space<vmem>>, %arg8: memref<128x24xf32, #tpu.memory_space<vmem>>, %arg9: memref<1x24xf32, #tpu.memory_space<vmem>>, %arg10: memref<128x256xf32, #tpu.memory_space<vmem>>, %arg11: memref<24x256xf32, #tpu.memory_space<vmem>>, %arg12: memref<1x256xf32, #tpu.memory_space<vmem>>, %arg13: memref<256x128xf32, #tpu.memory_space<vmem>>, %arg14: memref<1x128xf32, #tpu.memory_space<vmem>>, %arg15: memref<2000x24xf32, #tpu.memory_space<vmem>>, %arg16: memref<2000x128xf32, #tpu.memory_space<vmem>>) attributes {dimension_semantics = [#tpu.dimension_semantics<arbitrary>], iteration_bounds = array<i64: 200>, scalar_prefetch = 0 : i64, scratch_operands = 0 : i64, tpu.core_type = #tpu.core_type<tc>, window_params = [{transform_indices = @transform_0, window_bounds = array<i64: 2000, 128>}, {transform_indices = @transform_1, window_bounds = array<i64: 2000, 128>}, {transform_indices = @transform_2, window_bounds = array<i64: 2000, 24>}, {pipeline_mode = #tpu.pipeline_mode<synchronous>, transform_indices = @transform_3, window_bounds = array<i64: 128, 128>}, {pipeline_mode = #tpu.pipeline_mode<synchronous>, transform_indices = @transform_4, window_bounds = array<i64: 128, 128>}, {pipeline_mode = #tpu.pipeline_mode<synchronous>, transform_indices = @transform_5, window_bounds = array<i64: 24, 128>}, {pipeline_mode = #tpu.pipeline_mode<synchronous>, transform_indices = @transform_6, window_bounds = array<i64: 1, 128>}, {pipeline_mode = #tpu.pipeline_mode<synchronous>, transform_indices = @transform_7, window_bounds = array<i64: 128, 24>}, {pipeline_mode = #tpu.pipeline_mode<synchronous>, transform_indices = @transform_8, window_bounds = array<i64: 1, 24>}, {pipeline_mode = #tpu.pipeline_mode<synchronous>, transform_indices = @transform_9, window_bounds = array<i64: 128, 256>}, {pipeline_mode = #tpu.pipeline_mode<synchronous>, transform_indices = @transform_10, window_bounds = array<i64: 24, 256>}, {pipeline_mode = #tpu.pipeline_mode<synchronous>, transform_indices = @transform_11, window_bounds = array<i64: 1, 256>}, {pipeline_mode = #tpu.pipeline_mode<synchronous>, transform_indices = @transform_12, window_bounds = array<i64: 256, 128>}, {pipeline_mode = #tpu.pipeline_mode<synchronous>, transform_indices = @transform_13, window_bounds = array<i64: 1, 128>}, {transform_indices = @transform_14, window_bounds = array<i64: 2000, 24>}, {transform_indices = @transform_15, window_bounds = array<i64: 2000, 128>}]} {
    %get3A = arith.constant 0 : index
    %get3A_0 = arith.constant 0 : index
    %get3A_1 = vector.load %arg1[%get3A, %get3A_0] : memref<2000x128xf32, #tpu.memory_space<vmem>>, vector<2000x128xf32>
    %get3A_2 = arith.constant 0 : index
    %get3A_3 = arith.constant 0 : index
    %get3A_4 = vector.load %arg2[%get3A_2, %get3A_3] : memref<2000x128xf32, #tpu.memory_space<vmem>>, vector<2000x128xf32>
    %get3A_5 = arith.constant 0 : index
    %get3A_6 = arith.constant 0 : index
    %get3A_7 = vector.load %arg3[%get3A_5, %get3A_6] : memref<2000x24xf32, #tpu.memory_space<vmem>>, vector<2000x24xf32>
    %get3A_8 = arith.constant 0 : index
    %get3A_9 = arith.constant 0 : index
    %get3A_10 = vector.load %arg4[%get3A_8, %get3A_9] : memref<128x128xf32, #tpu.memory_space<vmem>>, vector<128x128xf32>
    %dot_general3A = arith.constant dense<0.000000e+00> : vector<2000x128xf32>
    %dot_general3A_11 = tpu.matmul %get3A_4, %get3A_10, %dot_general3A {dimension_numbers = #tpu.dot_dimension_numbers<[1], [0], [0], [1], [0, 0, 1, 1], [], []>, transpose_lhs_hint = false} : vector<2000x128xf32>, vector<128x128xf32>, vector<2000x128xf32> -> vector<2000x128xf32>
    %get3A_12 = arith.constant 0 : index
    %get3A_13 = arith.constant 0 : index
    %get3A_14 = vector.load %arg5[%get3A_12, %get3A_13] : memref<128x128xf32, #tpu.memory_space<vmem>>, vector<128x128xf32>
    %dot_general3A_15 = arith.constant dense<0.000000e+00> : vector<2000x128xf32>
    %dot_general3A_16 = tpu.matmul %get3A_1, %get3A_14, %dot_general3A_15 {dimension_numbers = #tpu.dot_dimension_numbers<[1], [0], [0], [1], [0, 0, 1, 1], [], []>, transpose_lhs_hint = false} : vector<2000x128xf32>, vector<128x128xf32>, vector<2000x128xf32> -> vector<2000x128xf32>
    %add3A = arith.addf %dot_general3A_11, %dot_general3A_16 : vector<2000x128xf32>
    %get3A_17 = arith.constant 0 : index
    %get3A_18 = arith.constant 0 : index
    %get3A_19 = vector.load %arg6[%get3A_17, %get3A_18] : memref<24x128xf32, #tpu.memory_space<vmem>>, vector<24x128xf32>
    %dot_general3A_20 = arith.constant dense<0.000000e+00> : vector<2000x128xf32>
    %dot_general3A_21 = tpu.matmul %get3A_7, %get3A_19, %dot_general3A_20 {dimension_numbers = #tpu.dot_dimension_numbers<[1], [0], [0], [1], [0, 0, 1, 1], [], []>, transpose_lhs_hint = false} : vector<2000x24xf32>, vector<24x128xf32>, vector<2000x128xf32> -> vector<2000x128xf32>
    %add3A_22 = arith.addf %add3A, %dot_general3A_21 : vector<2000x128xf32>
    %get3A_23 = arith.constant 0 : index
    %get3A_24 = arith.constant 0 : index
    %get3A_25 = vector.load %arg7[%get3A_23, %get3A_24] : memref<1x128xf32, #tpu.memory_space<vmem>>, vector<1x128xf32>
    %add3A_26 = vector.broadcast %get3A_25 : vector<1x128xf32> to vector<2000x128xf32>
    %add3A_27 = arith.addf %add3A_22, %add3A_26 : vector<2000x128xf32>
    %max3A = arith.constant 0.000000e+00 : f32
    %max3A_28 = vector.broadcast %max3A : f32 to vector<2000x128xf32>
    %max3A_29 = arith.maximumf %add3A_27, %max3A_28 : vector<2000x128xf32>
    %get3A_30 = arith.constant 0 : index
    %get3A_31 = arith.constant 0 : index
    %get3A_32 = vector.load %arg8[%get3A_30, %get3A_31] : memref<128x24xf32, #tpu.memory_space<vmem>>, vector<128x24xf32>
    %dot_general3A_33 = arith.constant dense<0.000000e+00> : vector<2000x24xf32>
    %dot_general3A_34 = tpu.matmul %max3A_29, %get3A_32, %dot_general3A_33 {dimension_numbers = #tpu.dot_dimension_numbers<[1], [0], [0], [1], [0, 0, 1, 1], [], []>, transpose_lhs_hint = false} : vector<2000x128xf32>, vector<128x24xf32>, vector<2000x24xf32> -> vector<2000x24xf32>
    %get3A_35 = arith.constant 0 : index
    %get3A_36 = arith.constant 0 : index
    %get3A_37 = vector.load %arg9[%get3A_35, %get3A_36] : memref<1x24xf32, #tpu.memory_space<vmem>>, vector<1x24xf32>
    %add3A_38 = vector.broadcast %get3A_37 : vector<1x24xf32> to vector<2000x24xf32>
    %add3A_39 = arith.addf %dot_general3A_34, %add3A_38 : vector<2000x24xf32>
    %max3A_40 = arith.constant 0.000000e+00 : f32
    %max3A_41 = vector.broadcast %max3A_40 : f32 to vector<2000x24xf32>
    %max3A_42 = arith.maximumf %add3A_39, %max3A_41 : vector<2000x24xf32>
    %get3A_43 = arith.constant 0 : index
    %get3A_44 = arith.constant 0 : index
    %get3A_45 = vector.load %arg10[%get3A_43, %get3A_44] : memref<128x256xf32, #tpu.memory_space<vmem>>, vector<128x256xf32>
    %dot_general3A_46 = arith.constant dense<0.000000e+00> : vector<2000x256xf32>
    %dot_general3A_47 = tpu.matmul %get3A_4, %get3A_45, %dot_general3A_46 {dimension_numbers = #tpu.dot_dimension_numbers<[1], [0], [0], [1], [0, 0, 1, 1], [], []>, transpose_lhs_hint = false} : vector<2000x128xf32>, vector<128x256xf32>, vector<2000x256xf32> -> vector<2000x256xf32>
    %get3A_48 = arith.constant 0 : index
    %get3A_49 = arith.constant 0 : index
    %get3A_50 = vector.load %arg11[%get3A_48, %get3A_49] : memref<24x256xf32, #tpu.memory_space<vmem>>, vector<24x256xf32>
    %dot_general3A_51 = arith.constant dense<0.000000e+00> : vector<2000x256xf32>
    %dot_general3A_52 = tpu.matmul %max3A_42, %get3A_50, %dot_general3A_51 {dimension_numbers = #tpu.dot_dimension_numbers<[1], [0], [0], [1], [0, 0, 1, 1], [], []>, transpose_lhs_hint = false} : vector<2000x24xf32>, vector<24x256xf32>, vector<2000x256xf32> -> vector<2000x256xf32>
    %add3A_53 = arith.addf %dot_general3A_47, %dot_general3A_52 : vector<2000x256xf32>
    %get3A_54 = arith.constant 0 : index
    %get3A_55 = arith.constant 0 : index
    %get3A_56 = vector.load %arg12[%get3A_54, %get3A_55] : memref<1x256xf32, #tpu.memory_space<vmem>>, vector<1x256xf32>
    %add3A_57 = vector.broadcast %get3A_56 : vector<1x256xf32> to vector<2000x256xf32>
    %add3A_58 = arith.addf %add3A_53, %add3A_57 : vector<2000x256xf32>
    %max3A_59 = arith.constant 0.000000e+00 : f32
    %max3A_60 = vector.broadcast %max3A_59 : f32 to vector<2000x256xf32>
    %max3A_61 = arith.maximumf %add3A_58, %max3A_60 : vector<2000x256xf32>
    %get3A_62 = arith.constant 0 : index
    %get3A_63 = arith.constant 0 : index
    %get3A_64 = vector.load %arg13[%get3A_62, %get3A_63] : memref<256x128xf32, #tpu.memory_space<vmem>>, vector<256x128xf32>
    %dot_general3A_65 = arith.constant dense<0.000000e+00> : vector<2000x128xf32>
    %dot_general3A_66 = tpu.matmul %max3A_61, %get3A_64, %dot_general3A_65 {dimension_numbers = #tpu.dot_dimension_numbers<[1], [0], [0], [1], [0, 0, 1, 1], [], []>, transpose_lhs_hint = false} : vector<2000x256xf32>, vector<256x128xf32>, vector<2000x128xf32> -> vector<2000x128xf32>
    %get3A_67 = arith.constant 0 : index
    %get3A_68 = arith.constant 0 : index
    %get3A_69 = vector.load %arg14[%get3A_67, %get3A_68] : memref<1x128xf32, #tpu.memory_space<vmem>>, vector<1x128xf32>
    %add3A_70 = vector.broadcast %get3A_69 : vector<1x128xf32> to vector<2000x128xf32>
    %add3A_71 = arith.addf %dot_general3A_66, %add3A_70 : vector<2000x128xf32>
    %max3A_72 = arith.constant 0.000000e+00 : f32
    %max3A_73 = vector.broadcast %max3A_72 : f32 to vector<2000x128xf32>
    %max3A_74 = arith.maximumf %add3A_71, %max3A_73 : vector<2000x128xf32>
    %swap3A = arith.constant 0 : index
    %swap3A_75 = arith.constant 0 : index
    %swap3A_76 = vector.load %arg15[%swap3A, %swap3A_75] : memref<2000x24xf32, #tpu.memory_space<vmem>>, vector<2000x24xf32>
    tpu.vector_store %arg15[%swap3A, %swap3A_75], %max3A_42 {strides = array<i32>} : memref<2000x24xf32, #tpu.memory_space<vmem>>, vector<2000x24xf32>,
    %swap3A_77 = arith.constant 0 : index
    %swap3A_78 = arith.constant 0 : index
    %swap3A_79 = vector.load %arg16[%swap3A_77, %swap3A_78] : memref<2000x128xf32, #tpu.memory_space<vmem>>, vector<2000x128xf32>
    tpu.vector_store %arg16[%swap3A_77, %swap3A_78], %max3A_74 {strides = array<i32>} : memref<2000x128xf32, #tpu.memory_space<vmem>>, vector<2000x128xf32>,
    return
  }
  func.func @transform_0(%arg0: i32) -> (i32, i32) {
    %c0_i32 = arith.constant 0 : i32
    %c0_i32_0 = arith.constant 0 : i32
    return %arg0, %c0_i32 : i32, i32
  }
  func.func @transform_1(%arg0: i32) -> (i32, i32) {
    %add3A = arith.constant 200 : i32
    %add3A_0 = arith.addi %add3A, %arg0 : i32
    %c0_i32 = arith.constant 0 : i32
    %c0_i32_1 = arith.constant 0 : i32
    return %add3A_0, %c0_i32 : i32, i32
  }
  func.func @transform_2(%arg0: i32) -> (i32, i32) {
    %c0_i32 = arith.constant 0 : i32
    %c0_i32_0 = arith.constant 0 : i32
    return %arg0, %c0_i32 : i32, i32
  }
  func.func @transform_3(%arg0: i32) -> (i32, i32) {
    %c0_i32 = arith.constant 0 : i32
    %c0_i32_0 = arith.constant 0 : i32
    %c0_i32_1 = arith.constant 0 : i32
    return %c0_i32, %c0_i32_0 : i32, i32
  }
  func.func @transform_4(%arg0: i32) -> (i32, i32) {
    %c0_i32 = arith.constant 0 : i32
    %c0_i32_0 = arith.constant 0 : i32
    %c0_i32_1 = arith.constant 0 : i32
    return %c0_i32, %c0_i32_0 : i32, i32
  }
  func.func @transform_5(%arg0: i32) -> (i32, i32) {
    %c0_i32 = arith.constant 0 : i32
    %c0_i32_0 = arith.constant 0 : i32
    %c0_i32_1 = arith.constant 0 : i32
    return %c0_i32, %c0_i32_0 : i32, i32
  }
  func.func @transform_6(%arg0: i32) -> (i32, i32) {
    %c0_i32 = arith.constant 0 : i32
    %c0_i32_0 = arith.constant 0 : i32
    %c0_i32_1 = arith.constant 0 : i32
    return %c0_i32, %c0_i32_0 : i32, i32
  }
  func.func @transform_7(%arg0: i32) -> (i32, i32) {
    %c0_i32 = arith.constant 0 : i32
    %c0_i32_0 = arith.constant 0 : i32
    %c0_i32_1 = arith.constant 0 : i32
    return %c0_i32, %c0_i32_0 : i32, i32
  }
  func.func @transform_8(%arg0: i32) -> (i32, i32) {
    %c0_i32 = arith.constant 0 : i32
    %c0_i32_0 = arith.constant 0 : i32
    %c0_i32_1 = arith.constant 0 : i32
    return %c0_i32, %c0_i32_0 : i32, i32
  }
  func.func @transform_9(%arg0: i32) -> (i32, i32) {
    %c0_i32 = arith.constant 0 : i32
    %c0_i32_0 = arith.constant 0 : i32
    %c0_i32_1 = arith.constant 0 : i32
    return %c0_i32, %c0_i32_0 : i32, i32
  }
  func.func @transform_10(%arg0: i32) -> (i32, i32) {
    %c0_i32 = arith.constant 0 : i32
    %c0_i32_0 = arith.constant 0 : i32
    %c0_i32_1 = arith.constant 0 : i32
    return %c0_i32, %c0_i32_0 : i32, i32
  }
  func.func @transform_11(%arg0: i32) -> (i32, i32) {
    %c0_i32 = arith.constant 0 : i32
    %c0_i32_0 = arith.constant 0 : i32
    %c0_i32_1 = arith.constant 0 : i32
    return %c0_i32, %c0_i32_0 : i32, i32
  }
  func.func @transform_12(%arg0: i32) -> (i32, i32) {
    %c0_i32 = arith.constant 0 : i32
    %c0_i32_0 = arith.constant 0 : i32
    %c0_i32_1 = arith.constant 0 : i32
    return %c0_i32, %c0_i32_0 : i32, i32
  }
  func.func @transform_13(%arg0: i32) -> (i32, i32) {
    %c0_i32 = arith.constant 0 : i32
    %c0_i32_0 = arith.constant 0 : i32
    %c0_i32_1 = arith.constant 0 : i32
    return %c0_i32, %c0_i32_0 : i32, i32
  }
  func.func @transform_14(%arg0: i32) -> (i32, i32) {
    %c0_i32 = arith.constant 0 : i32
    %c0_i32_0 = arith.constant 0 : i32
    return %arg0, %c0_i32 : i32, i32
  }
  func.func @transform_15(%arg0: i32) -> (i32, i32) {
    %c0_i32 = arith.constant 0 : i32
    %c0_i32_0 = arith.constant 0 : i32
    return %arg0, %c0_i32 : i32, i32
  }
}

</mosaic_0001>

<sc_bundles>
// kernel: kernel.5.cloned.1.call-start
scs
__scs_entry_jumppad:
0x0: {  	(pc) =	sbr.rel $0x88, $3  }
0x1: {  	(tag) =	ssettag $0x0;
	lr =	simm.s32 $0x1  }
0x2: {  	[smem:$0x3F96] =	sst lr;
	_ =	strace $0xD0000000  }
0x3: {  	_ = 	snop  }
0x4: {  	_ = 	snop  }
0x5: {  	_ = 	snop  }
0x6: {  	_ = 	snop  }
0x7: {  	_ = 	snop  }
__scs_overlays_trampoline_lowered:
0x8: {  	[smem:$0x3FA5] =	sst s0  }
0x9: {  	[smem:$0x3FA6] =	sst s1  }
0xa: {  	[smem:$0x3FA7] =	sst s2  }
0xb: {  	[smem:$0x3FA8] =	sst s3  }
0xc: {  	[smem:$0x3FA9] =	sst s4  }
0xd: {  	[smem:$0x3FAA] =	sst s5  }
0xe: {  	[smem:$0x3FAB] =	sst s6  }
0xf: {  	[smem:$0x3FAC] =	sst s7  }
0x10: {  	[smem:$0x3FAD] =	sst s8  }
0x11: {  	[smem:$0x3FAE] =	sst s9;
	s0 =	simm.s32 @!p0 $0x0  }
0x12: {  	s1 =	sld [smem:$0x3F94];
	s0 =	simm.s32 @p0 $0x1  }
0x13: {  	[smem:$0x3FAF] =	sst s0;
	s0 =	simm.s32 @!p1 $0x0  }
0x14: {  	s2 =	sld [smem:$0x3F93];
	s0 =	simm.s32 @p1 $0x1  }
0x15: {  	[smem:$0x3FB0] =	sst s0;
	s0 =	simm.s32 @!p2 $0x0  }
0x16: {  	s3 =	sld [smem:$0x3FDB];
	s0 =	simm.s32 @p2 $0x1  }
0x17: {  	s4 =	simm.s32 $0x1BF5;
	[smem:$0x3FB2] =	sst s0  }
0x18: {  	s0 =	sld [smem:$0x3F95];
	_ =	swait.ge [sflag:s4], $0x0  }
0x19: {  	s7 =	sld [smem:$0x3F96]  }
0x1a: {  	s8 =	sadd.s32 $0xFFFFE003, lr  }
0x1b: {  	s9 =	sadd.s32 $0xFFFFFEF7, lr;
	s5 =	simm.s32 $0xFFFFFFFF;
	p2 =	slt.u32 s8, $0xFFFFF086  }
0x1c: {  	p1 =	slt.u32 s9, $0xF7A;
	s5 =	simm.s32 @!p2 $0x0  }
0x1d: {  	s5 =	simm.s32 @p1 $0x1;
	p0 =	seq.s32 s7, s2  }
0x1e: {  	s7 =	smul.u32 @!p0 $0xF7A, s2;
	p2 =	seq.s32 @!p0 s5, $0x0  }
0x1f: {  	s9 =	smul.u32 $0xF7A, s1;
	s8 =	simm.s32 @!p0 $0x1BF5;
	p2 =	por !p2, p0  }
0x20: {  	[sflag:s8] =	ssyncset.s32 @!p0 $0xFFFFF086;
	s6 =	sadd.s32 @!p0 s3, s7;
	s7 =	simm.s32 @!p0 $0x108  }
0x21: {  	s3 =	sadd.s32 s3, s9;
	s6 =	sadd.s32 @!p0 $0x88, s6;
	s7 =	simm.s32 @p2 $0x1082  }
0x22: {  	[simem:s7], [sflag:s8] =	dma.local @!p0 [hbm:s6], $0xF7A  }
0x23: {  	s9 =	sor.u32 $0xD0000000, s2;
	s6 =	simm.s32 $0x108;
	_ =	swait.ge @!p0 [sflag:s8], $0x0  }
0x24: {  	s3 =	sadd.s32 $0x88, s3;
	s6 =	simm.s32 @!p1 $0x1082;
	[sflag:s4] =	ssyncset.s32 $0xFFFFF086  }
0x25: {  	[simem:s6], [sflag:s4] =	dma.local [hbm:s3], $0xF7A  }
0x26: {  	[smem:$0x3F96] =	sst s1;
	(tag) =	ssettag s2;
	_ =	strace s9  }
0x27: {  	s1 =	sld [smem:$0x3FA6]  }
0x28: {  	s2 =	sld [smem:$0x3FA7]  }
0x29: {  	s4 =	sld [smem:$0x3FA9]  }
0x2a: {  	p0 =	seq.s32 s5, $0x0;
	s5 =	sld [smem:$0x3FAA]  }
0x2b: {  	s6 =	sld [smem:$0x3FAB]  }
0x2c: {  	s7 =	sld [smem:$0x3FAC]  }
0x2d: {  	s3 =	simm.s32 $0x108;
	s8 =	sld [smem:$0x3FAD]  }
0x2e: {  	s3 =	simm.s32 @!p0 $0x1082;
	s9 =	sld [smem:$0x3FAE]  }
0x2f: {  	lr =	sadd.s32 s0, s3;
	s0 =	sld [smem:$0x3FA5]  }
0x30: {  	s3 =	sld [smem:$0x3FA8]  }
0x31: {  	[smem:$0x3FB1] =	sst s10  }
0x32: {  	s10 =	sld [smem:$0x3FAF];
	_ =	sdelay $0x3  }
0x33: {  	p0 =	seq.s32 s10, $0x1;
	s10 =	sld [smem:$0x3FB1];
	_ =	sdelay $0x3  }
0x34: {  	[smem:$0x3FB1] =	sst s10  }
0x35: {  	s10 =	sld [smem:$0x3FB0];
	_ =	sdelay $0x3  }
0x36: {  	p1 =	seq.s32 s10, $0x1;
	s10 =	sld [smem:$0x3FB1];
	_ =	sdelay $0x3  }
0x37: {  	[smem:$0x3FB1] =	sst s10  }
0x38: {  	s10 =	sld [smem:$0x3FB2]  }
0x39: {  	_ = 	snop;
	(pc) =	sbr.ind lr, $3  }
0x3a: {  	_ = 	snop  }
0x3b: {  	_ = 	snop  }
0x3c: {  	p2 =	seq.s32 s10, $0x1;
	s10 =	sld [smem:$0x3FB1]  }
0x3d: {  	_ =	shalt  }
0x3e: {  	_ =	shalt  }
0x3f: {  	_ =	shalt  }
0x40: {  	_ =	shalt  }
0x41: {  	_ =	shalt  }
0x42: {  	_ =	shalt  }
0x43: {  	_ =	shalt  }
0x44: {  	_ =	shalt  }
0x45: {  	_ =	shalt  }
0x46: {  	_ =	shalt  }
0x47: {  	_ =	shalt  }
0x48: {  	_ =	shalt  }
0x49: {  	_ =	shalt  }
0x4a: {  	_ =	shalt  }
0x4b: {  	_ =	shalt  }
0x4c: {  	_ =	shalt  }
0x4d: {  	_ =	shalt  }
0x4e: {  	_ =	shalt  }
0x4f: {  	_ =	shalt  }
0x50: {  	_ =	shalt  }
0x51: {  	_ =	shalt  }
0x52: {  	_ =	shalt  }
0x53: {  	_ =	shalt  }
0x54: {  	_ =	shalt  }
0x55: {  	_ =	shalt  }
0x56: {  	_ =	shalt  }
0x57: {  	_ =	shalt  }
0x58: {  	_ =	shalt  }
0x59: {  	_ =	shalt  }
0x5a: {  	_ =	shalt  }
0x5b: {  	_ =	shalt  }
0x5c: {  	_ =	shalt  }
0x5d: {  	_ =	shalt  }
0x5e: {  	_ =	shalt  }
0x5f: {  	_ =	shalt  }
0x60: {  	_ =	shalt  }
0x61: {  	_ =	shalt  }
0x62: {  	_ =	shalt  }
0x63: {  	_ =	shalt  }
0x64: {  	_ =	shalt  }
0x65: {  	_ =	shalt  }
0x66: {  	_ =	shalt  }
0x67: {  	_ =	shalt  }
0x68: {  	_ =	shalt  }
0x69: {  	_ =	shalt  }
0x6a: {  	_ =	shalt  }
0x6b: {  	_ =	shalt  }
0x6c: {  	_ =	shalt  }
0x6d: {  	_ =	shalt  }
0x6e: {  	_ =	shalt  }
0x6f: {  	_ =	shalt  }
0x70: {  	_ =	shalt  }
0x71: {  	_ =	shalt  }
0x72: {  	_ =	shalt  }
0x73: {  	_ =	shalt  }
0x74: {  	_ =	shalt  }
0x75: {  	_ =	shalt  }
0x76: {  	_ =	shalt  }
0x77: {  	_ =	shalt  }
0x78: {  	_ =	shalt  }
0x79: {  	_ =	shalt  }
0x7a: {  	_ =	shalt  }
0x7b: {  	_ =	shalt  }
0x7c: {  	_ =	shalt  }
0x7d: {  	_ =	shalt  }
0x7e: {  	_ =	shalt  }
0x7f: {  	_ =	shalt  }
0x80: {  	_ =	shalt  }
0x81: {  	_ =	shalt  }
0x82: {  	_ =	shalt  }
0x83: {  	_ =	shalt  }
0x84: {  	_ =	shalt  }
0x85: {  	_ =	shalt  }
0x86: {  	_ =	shalt  }
0x87: {  	_ =	shalt  }
.Lfunc_end0:
.L_simem_size_0:
called_computation.1_lowered:
.L_overlay_start_0:
0x88: {  	s2 =	sld [smem:$0x3FD9]  }
0x89: {  	s3 =	sld [smem:$0x3FFE];
	_ =	sdelay $0x1  }
0x8a: {  	s1 =	srdreg.scid  }
0x8b: {  	s0 =	sand.u32 $0x1, s1  }
0x8c: {  	s14 =	sshll.u32 s0, $0xA;
	s2 =	sadd.s32 s3, s2  }
0x8d: {  	s2 =	sadd.s32 s2, s14  }
0x8e: {  	[smem:$0x3FBD] =	sst s2  }
0x8f: {  	_ = 	snop  }
0x90: {  	s2 =	sld [smem:$0x3FD0];
	_ =	sdelay $0x2  }
0x91: {  	s15 =	simm.s32 $0xB;
	s4 =	simm.s32 $0x10  }
0x92: {  	[smem:s4], [sflag:s15] =	dma.local [hbm:s2], $0x1  }
0x93: {  	_ =	swait.eq [sflag:s15], $0x1  }
0x94: {  	[sflag:s15] =	ssyncset.done $0x0  }
0x95: {  	s16 =	sld [smem:$0x10];
	[sflag:s15] =	ssyncadd.s32 $0xFFFFFFFF  }
0x96: {  	s17 =	sld [smem:$0x11];
	(tm) =	ssettm $0x1  }
0x97: {  	s18 =	sld [smem:$0x3FFB];
	_ =	sdelay $0x3  }
0x98: {  	_ =	strace s18  }
0x99: {  	s4 =	sld [smem:$0x3FFC];
	_ =	sdelay $0x3  }
0x9a: {  	_ =	strace s4  }
0x9b: {  	s4 =	sld [smem:$0x3FFD];
	_ =	sdelay $0x3  }
0x9c: {  	_ =	strace s4  }
0x9d: {  	_ =	strace $0x8FFFFFFF  }
0x9e: {  	s19 =	sld [smem:$0x3FDB];
	_ =	sdelay $0x1  }
0x9f: {  	s5 =	simm.s32 $_scs_section_size  }
0xa0: {  	s6 =	simm.s32 $_size__tile_overlayer_lowered;
	s7 =	simm.s32 $_tile_overlayer_lowered  }
0xa1: {  	s22 =	simm.s32 $0x1BFF;
	s21 =	sshll.u32 s7, $0x1;
	s4 =	sadd.s32 s5, s19  }
0xa2: {  	s8 =	simm.s32 $0x0;
	s20 =	sshll.u32 s6, $0x1;
	s6 =	sadd.s32 s21, s4  }
0xa3: {  	[timem:s8], [sflag:s22] =	dma.local [hbm:s6], s20  }
0xa4: {  	_ =	swait.ge [sflag:s22], s20  }
0xa5: {  	s5 =	ssub.s32 $0x0, s20;
	[sflag:s22] =	ssyncset.done $0x0  }
0xa6: {  	[sflag:s22] =	ssyncadd.s32 s5;
	_ =	sdelay $0x1  }
0xa7: {  	s23 =	simm.s32 $0x1B8B  }
0xa8: {  	_ =	swait.ge [sflag:s23], $0x1  }
0xa9: {  	[sflag:s23] =	ssyncset.done $0x0  }
0xaa: {  	s25 =	simm.s32 $0x1B8E;
	s24 =	sld [smem:$0x3FFE];
	[sflag:s23] =	ssyncadd.s32 $0xFFFFFFFF  }
0xab: {  	s26 =	simm.s32 $execute0_lowered;
	[smem:$0x3FD2] =	sst s25  }
0xac: {  	s6 =	sshll.u32 s26, $0x1;
	_ =	strace $0x80000046;
	[dreg:$0x1] =	wrdreg $0xFFFFFFFF  }
0xad: {  	s28 =	simm.s32 $_size_execute0_lowered;
	s4 =	sadd.s32 s4, s6;
	[dreg:$0x0] =	wrdreg $0x0  }
0xae: {  	s6 =	sshll.u32 s28, $0x1;
	[dreg:$0x2] =	wrdreg s4  }
0xaf: {  	[dreg:$0x3] =	wrdreg s6  }
0xb0: {  	[dreg:$0x4] =	wrdreg $0xC0  }
0xb1: {  	_ =	task [dreg:s8], $0x5FFFF  }
0xb2: {  	[dreg:$0x1] =	wrdreg $0xFFFFFFFF  }
0xb3: {  	[dreg:$0x0] =	wrdreg $0x60  }
0xb4: {  	[dreg:$0x2] =	wrdreg s16  }
0xb5: {  	[dreg:$0x3] =	wrdreg s17  }
0xb6: {  	[dreg:$0x4] =	wrdreg s24  }
0xb7: {  	[dreg:$0x5] =	wrdreg $0x9  }
0xb8: {  	_ =	task.clear_ibuf [dreg:s8], $0x6FFFF;
	_ =	strace $0x90000046  }
0xb9: {  	s29 =	simm.s32 $0x9;
	_ =	strace $0x8000004F  }
0xba: {  	_ =	swait.ge [sflag:s29], $0x1  }
0xbb: {  	[sflag:s29] =	ssyncadd.s32 $0xFFFFFFFF  }
0xbc: {  	_ =	strace $0x9000004F  }
0xbd: {  	_ =	sfence  }
0xbe: {  	s30 =	sld [smem:$0x0];
	_ =	sdelay $0x2  }
0xbf: {  	s31 =	sshll.u32 s1, $0xD;
	s1 =	sshrl.u32 s1, $0x2  }
0xc0: {  	s3 =	sand.u32 $0x4000, s31;
	s1 =	sadd.s32 s1, s30  }
0xc1: {  	s0 =	sor.u32 s3, s0;
	s1 =	sshll.u32 s1, $0x11  }
0xc2: {  	s0 =	sor.u32 s1, s0  }
0xc3: {  	s0 =	sadd.s32 $0x8F2B, s0  }
0xc4: {  	[sflag:s0] =	ssyncadd.remote.s32 $0x1  }
0xc5: {  	_ =	sfence.sel $0xFFFF  }
0xc6: {  	[dreg:$0x0] =	wrdreg $0xFFFFFFFF;
	(pc) =	sbr.abs _section_cstart, $3  }
0xc7: {  	[dreg:$0x1] =	wrdreg $0xFFFFFFFF  }
0xc8: {  	_ =	task.clear_ibuf [dreg:s8], $0x2FFFF;
	_ =	strace $0x9FFFFFFF  }
0xc9: {  	(tm) =	ssettm $0x7FFFFFFF  }
tec
execute0_lowered:
.L_overlay_start_1:
0x0: {  	(tag) =	ssettag $0x1  }
0x1: {  	s0 =	rddreg [dreg:$0x0]  }
0x2: {  	s28 =	srdreg.scid;
	s2 =	rddreg [dreg:$0x1]  }
0x3: {  	s4 =	rddreg [dreg:$0x2];
	s1 =	stileid.u32  }
0x4: {  	s3 =	simm.s32 $0x0;
	[dreg:$0x4] =	wrdreg s0;
	s5 =	sand.u32 $0x1, s28  }
0x5: {  	s10 =	simm.s32 $0x80;
	s0 =	rddreg [dreg:$0x3];
	s6 =	sshll.u32 s5, $0x4  }
0x6: {  	s11 =	simm.s32 $0x0;
	[smem:$0x7FF] =	sst s3;
	s6 =	sor.u32 s1, s6  }
0x7: {  	s9 =	sadd.s32 $0x3C00, s4;
	_ =	strace $0x80000047;
	s7 =	smul.u32 $0x30D, s6  }
0x8: {  	[dreg:$0x6] =	wrdreg s9;
	s29 =	ssub.s32 $0x2, s5;
	s8 =	smul.u32 $0x30E, s6  }
0x9: {  	s5 =	simm.s32 $0x30E;
	p0 =	slt.u32 s6, $0x8;
	s4 =	sadd.s32 $0x8, s7  }
0xa: {  	s9 =	simm.s32 $0x1;
	[dreg:$0x5] =	wrdreg s10;
	s4 =	smov.u32 @p0 s8  }
0xb: {  	s10 =	simm.s32 $0x5;
	s31 =	sshrl.u32 s29, $0x1;
	s30 =	sshll.u32 s4, $0x4  }
0xc: {  	s5 =	simm.s32 @!p0 $0x30D;
	s8 =	ssub.s32 s29, s31;
	s7 =	sand.u32 $0x1FFFFFF0, s30  }
0xd: {  	s8 =	smax.u32 s8, $0x1;
	s6 =	sadd.s32 s2, s7;
	s7 =	sadd.s32 $0xFFFFFFFF, s5  }
.LBB2_1:
0xe: {  	_ =	strace $0x80000048;
	p2 =	sne.s32 s5, $0x1  }
.Ltmp0:
0xf: {  	p0 =	seq.s32 s5, $0x1;
	s13 =	simm.s32 $0x1;
	(pc) =	sbr.rel @!p2 .LBB2_2-.Ltmp0, $4  }
0x10: {  	[tilespmem:s3], [sflag:$0x1] =	stream.linear.gather [hbm4b:s6+s3], $0x80, $0x200038;
	[tilespmem:$0x2100] =	vst v63  }
0x11: {  	s12 =	simm.s32 $0x1;
	p1 =	por $0x1, $0x1;
	s13 =	simm.s32 @p0 $0x0  }
0x12: {  	p6 =	sgt.u32 s7, $0x0;
	p4 =	por p1, p1;
	p3 =	sne.s32 s13, $0x0  }
0x13: {  	_ =	strace $0x90000048;
	p5 =	por !p6, !p3;
	p6 =	por $0x0, $0x0  }
0x14: {  	p2 =	por !p5, !p5  }
0x15: {  	s21 =	sand.u32 $0x1, s3;
	s19 =	simm.s32 $0x2;
	s14 =	sadd.s32 @p2 s4, s13  }
0x16: {  	p1 =	por p3, p3;
	s15 =	sand.u32 @p2 $0x1, s9;
	s14 =	sshll.u32 @p2 s14, $0x4  }
0x17: {  	_ =	strace @p2 $0x80000049;
	s17 =	simm.s32 @p2 $0x0;
	s14 =	sand.u32 @p2 $0x1FFFFFF0, s14  }
0x18: {  	s16 =	sshll.u32 @p2 s15, $0x7;
	s15 =	sadd.s32 @p2 $0x1, s15;
	s14 =	sadd.s32 @p2 s2, s14  }
0x19: {  	[tilespmem:s16], [sflag:s15] =	stream.linear.gather @p2 [hbm4b:s14+s17], $0x80, $0x200038;
	[tilespmem:$0x2100] =	vst v63  }
0x1a: {  	s30 =	simm.s32 $0x0;
	p6 =	por $0x0, $0x0;
	_ =	strace @p2 $0x90000049  }
0x1b: {  	p0 =	sne.s32 s5, $0x2;
	s29 =	sadd.s32 $0x1, s21;
	_ =	strace $0x8000004A  }
0x1c: {  	s24 =	sadd.s32 $0x0, s4;
	p5 =	sgt.u32 s7, $0x1;
	_ =	swait.ge [sflag:s29], $0x80  }
0x1d: {  	s23 =	simm.s32 $0x1;
	s22 =	sshll.u32 s21, $0xC;
	[sflag:s29] =	ssyncset.done $0x0  }
0x1e: {  	s22 =	sor.u32 $0x100, s22;
	s16 =	sand.u32 @!p4 $0x1, s3;
	[sflag:s29] =	ssyncadd.s32 $0xFFFFFF80  }
0x1f: {  	s15 =	simm.s32 $0x1;
	s17 =	sadd.s32 $0x1, s13;
	_ =	strace $0x9000004A  }
0x20: {  	s14 =	sand.u32 $0x80, s30;
	s15 =	simm.s32 @!p2 $0x0;
	_ =	strace $0x8000004B  }
0x21: {  	p2 =	por p4, p4;
	p4 =	por p6, p6;
	s20 =	rddreg [dreg:$0x5]  }
0x22: {  	p3 =	seq.s32 s17, s5;
	p6 =	seq.s32 s7, $0x0;
	s31 =	rddreg [dreg:$0x4]  }
0x23: {  	[tilespmem:s22], [sflag:$0x5] =	stream.indirect.gather [hbm4b:s31+s20], $0x20, s14, s20, $0x2000b8;
	[tilespmem:$0x2100] =	vst v63  }
.Ltmp1:
0x24: {  	s18 =	sadd.s32 $0x1, s15;
	s17 =	simm.s32 @p3 $0x0;
	(pc) =	sbr.rel @!p0 .LBB2_4-.Ltmp1, $4  }
0x25: {  	p1 =	por p6, p1;
	p6 =	por $0x0, $0x0;
	_ =	swait.ge [sflag:s10], $0x1000  }
0x26: {  	s15 =	simm.s32 $0x0;
	p3 =	sne.s32 s13, s17;
	[sflag:s10] =	ssyncset.done $0x0  }
0x27: {  	s23 =	simm.s32 @!p6 $0x0;
	p5 =	por !p5, !p3;
	[sflag:s10] =	ssyncadd.s32 $0xFFFFF000  }
0x28: {  	s14 =	simm.s32 $0x0;
	s20 =	simm.s32 $0x0;
	_ =	strace $0x9000004B  }
.LBB2_5:
0x29: {  	_ =	strace @p1 $0x8000004C;
	s14 =	sadd.s32 s23, s14;
	s23 =	smov.u32 s12  }
0x2a: {  	s12 =	smov.u32 s19;
	s19 =	sadd.s32 $0x1, s19;
	p0 =	por p3, p3  }
0x2b: {  	s29 =	sshll.u32 @p1 s24, $0x9;
	s21 =	sadd.s32 @p1 $0x3, s21;
	s25 =	simm.s32 @!p0 $0x0  }
0x2c: {  	s26 =	rddreg [dreg:$0x6];
	s29 =	sand.u32 @p1 $0x1FFFFE00, s29;
	s25 =	simm.s32 @p0 $0x1  }
0x2d: {  	s26 =	sadd.s32 @p1 s26, s29;
	s29 =	simm.s32 @p1 $0x0;
	p0 =	sne.s32 s5, s19  }
0x2e: {  	[hbm4b:s26+s29] =	stream.linear.scatter @p1 [tilespmem:s22], [sflag:s21], $0x1000, $0x200038;
	[tilespmem:$0x2100] =	vst v63  }
0x2f: {  	s21 =	sadd.s32 @!p2 $0x3, s16;
	s16 =	simm.s32 @!p0 $0x0  }
0x30: {  	s28 =	simm.s32 $0x1;
	[smem:$0x7FC] =	sst s25;
	s16 =	simm.s32 @p0 $0x1  }
0x31: {  	s28 =	simm.s32 @!p1 $0x0;
	_ =	strace @p1 $0x9000004C;
	[smem:$0x7FD] =	sst s16  }
0x32: {  	s20 =	sadd.s32 s28, s20;
	s25 =	sand.u32 @!p4 $0x1, s14;
	_ =	strace @!p2 $0x8000004D  }
0x33: {  	p1 =	por !p5, !p5;
	s16 =	smov.u32 s25;
	_ =	swait.ge @!p2 [sflag:s21], $0x1000  }
0x34: {  	s22 =	sand.u32 @p1 $0x1, s18;
	s25 =	sadd.s32 @p1 s4, s17;
	[sflag:s21] =	ssyncset.done @!p2 $0x0  }
0x35: {  	s26 =	sshll.u32 @p1 s22, $0x7;
	s25 =	sshll.u32 @p1 s25, $0x4;
	[sflag:s21] =	ssyncadd.s32 @!p2 $0xFFFFF000  }
0x36: {  	s21 =	sadd.s32 @p1 $0x1, s22;
	s22 =	sand.u32 @p1 $0x1FFFFFF0, s25;
	_ =	strace @!p2 $0x9000004D  }
0x37: {  	s25 =	simm.s32 @p1 $0x0;
	s22 =	sadd.s32 @p1 s2, s22;
	_ =	strace @p1 $0x80000049  }
0x38: {  	[tilespmem:s26], [sflag:s21] =	stream.linear.gather @p1 [hbm4b:s22+s25], $0x80, $0x200038;
	[tilespmem:$0x2100] =	vst v63  }
0x39: {  	s15 =	sadd.s32 s28, s15;
	s28 =	sand.u32 $0x1, s20;
	_ =	strace @p1 $0x90000049  }
0x3a: {  	s28 =	sadd.s32 $0x1, s28;
	_ =	strace $0x8000004A  }
0x3b: {  	_ =	swait.ge [sflag:s28], $0x80  }
0x3c: {  	[sflag:s28] =	ssyncset.done $0x0  }
0x3d: {  	s21 =	simm.s32 $0x1;
	[sflag:s28] =	ssyncadd.s32 $0xFFFFFF80  }
0x3e: {  	s21 =	simm.s32 @!p1 $0x0;
	_ =	strace $0x9000004A  }
0x3f: {  	s18 =	sadd.s32 s21, s18;
	s21 =	sand.u32 $0x1, s15;
	_ =	strace $0x8000004B  }
0x40: {  	s31 =	sshll.u32 s20, $0x7;
	s29 =	sshll.u32 s21, $0xC;
	s25 =	rddreg [dreg:$0x5]  }
0x41: {  	s31 =	sand.u32 $0x80, s31;
	s22 =	sor.u32 $0x100, s29;
	s26 =	rddreg [dreg:$0x4]  }
0x42: {  	[tilespmem:s22], [sflag:$0x5] =	stream.indirect.gather [hbm4b:s26+s25], $0x20, s31, s25, $0x2000b8;
	[tilespmem:$0x2100] =	vst v63  }
0x43: {  	_ =	swait.ge [sflag:s10], $0x1000  }
0x44: {  	[sflag:s10] =	ssyncset.done $0x0  }
0x45: {  	[sflag:s10] =	ssyncadd.s32 $0xFFFFF000  }
0x46: {  	s30 =	sadd.s32 $0x1, s17;
	_ =	strace $0x9000004B  }
0x47: {  	s24 =	sadd.s32 s4, s13;
	s13 =	smov.u32 s17;
	s31 =	sld [smem:$0x7FD]  }
0x48: {  	p0 =	sne.s32 s23, $0x0;
	s17 =	smov.u32 s30;
	p1 =	seq.s32 s30, s5  }
0x49: {  	s17 =	simm.s32 @p1 $0x0;
	p1 =	seq.s32 s7, s23;
	s23 =	simm.s32 $0x1  }
0x4a: {  	s23 =	simm.s32 @!p0 $0x0;
	p0 =	seq.s32 s31, $0x1  }
.Ltmp2:
0x4b: {  	s30 =	sld [smem:$0x7FC];
	(pc) =	sbr.rel @p0 .LBB2_5-.Ltmp2, $4  }
0x4c: {  	p3 =	seq.s32 s12, $0x0  }
0x4d: {  	p6 =	por p3, p3;
	p5 =	slt.u32 s12, s7  }
0x4e: {  	p2 =	por p4, p4;
	p3 =	sne.s32 s13, s17;
	p4 =	seq.s32 s30, $0x1  }
0x4f: {  	p5 =	por !p5, !p3;
	p1 =	por p1, p4;
	p4 =	por p6, p6  }
0x50: {  	p6 =	por $0x1, $0x1  }
.LBB2_7:
0x51: {  	p0 =	por !p1, !p6  }
0x52: {  	s25 =	simm.s32 $0x1;
	_ =	strace @!p0 $0x8000004C;
	s24 =	sshll.u32 @!p0 s24, $0x9  }
0x53: {  	p2 =	por p2, !p6;
	s19 =	rddreg [dreg:$0x6];
	s24 =	sand.u32 @!p0 $0x1FFFFE00, s24  }
0x54: {  	s21 =	sadd.s32 @!p0 $0x3, s21;
	s19 =	sadd.s32 @!p0 s19, s24;
	s24 =	simm.s32 @!p0 $0x0  }
0x55: {  	[hbm4b:s19+s24] =	stream.linear.scatter @!p0 [tilespmem:s22], [sflag:s21], $0x1000, $0x200038;
	[tilespmem:$0x2100] =	vst v63  }
0x56: {  	p1 =	por !p5, !p5;
	s25 =	simm.s32 @p0 $0x0;
	_ =	strace @!p0 $0x9000004C  }
0x57: {  	s16 =	sadd.s32 @!p2 $0x3, s16;
	s17 =	sadd.s32 @p1 s4, s17;
	_ =	strace @!p2 $0x8000004D  }
0x58: {  	s18 =	sand.u32 @p1 $0x1, s18;
	s17 =	sshll.u32 @p1 s17, $0x4;
	_ =	swait.ge @!p2 [sflag:s16], $0x1000  }
0x59: {  	s17 =	sand.u32 @p1 $0x1FFFFFF0, s17;
	s19 =	sadd.s32 @p6 s25, s20;
	[sflag:s16] =	ssyncset.done @!p2 $0x0  }
0x5a: {  	s20 =	simm.s32 $0x0;
	s17 =	sadd.s32 @p1 s2, s17;
	[sflag:s16] =	ssyncadd.s32 @!p2 $0xFFFFF000  }
0x5b: {  	s20 =	smov.u32 @p6 s19;
	s19 =	sshll.u32 @p1 s18, $0x7;
	_ =	strace @!p2 $0x9000004D  }
0x5c: {  	s16 =	sadd.s32 @p1 $0x1, s18;
	s18 =	simm.s32 @p1 $0x0;
	_ =	strace @p1 $0x80000049  }
0x5d: {  	[tilespmem:s19], [sflag:s16] =	stream.linear.gather @p1 [hbm4b:s17+s18], $0x80, $0x200038;
	[tilespmem:$0x2100] =	vst v63  }
0x5e: {  	s26 =	sand.u32 $0x1, s20;
	_ =	strace @p1 $0x90000049  }
0x5f: {  	s16 =	sadd.s32 $0x1, s26;
	_ =	strace $0x8000004A  }
0x60: {  	_ =	swait.ge [sflag:s16], $0x80  }
0x61: {  	[sflag:s16] =	ssyncset.done $0x0  }
0x62: {  	s15 =	sadd.s32 @p6 s25, s15;
	[sflag:s16] =	ssyncadd.s32 $0xFFFFFF80;
	s16 =	simm.s32 $0x0  }
0x63: {  	_ =	strace $0x9000004A;
	s16 =	smov.u32 @p6 s15  }
0x64: {  	_ =	strace $0x8000004B;
	s16 =	sand.u32 $0x1, s16  }
0x65: {  	s30 =	sshll.u32 s20, $0x7;
	s28 =	rddreg [dreg:$0x5];
	s31 =	sshll.u32 s16, $0xC  }
0x66: {  	s18 =	sand.u32 $0x80, s30;
	s29 =	rddreg [dreg:$0x4];
	s19 =	sor.u32 $0x100, s31  }
0x67: {  	[tilespmem:s19], [sflag:$0x5] =	stream.indirect.gather [hbm4b:s29+s28], $0x20, s18, s28, $0x2000b8;
	[tilespmem:$0x2100] =	vst v63  }
0x68: {  	_ =	swait.ge [sflag:s10], $0x1000  }
0x69: {  	p3 =	por p3, p3;
	[sflag:s10] =	ssyncset.done $0x0  }
0x6a: {  	p5 =	seq.s32 s7, s12;
	s13 =	sadd.s32 s4, s13;
	[sflag:s10] =	ssyncadd.s32 $0xFFFFF000  }
0x6b: {  	s14 =	sadd.s32 @p6 s23, s14;
	p1 =	por p5, p3;
	_ =	strace $0x9000004B  }
0x6c: {  	s17 =	simm.s32 $0x0;
	s13 =	sshll.u32 @p1 s13, $0x9;
	_ =	strace @p1 $0x8000004C  }
0x6d: {  	s17 =	smov.u32 @p6 s14;
	s13 =	sand.u32 @p1 $0x1FFFFE00, s13;
	s15 =	rddreg [dreg:$0x6]  }
0x6e: {  	s14 =	sadd.s32 @p1 $0x3, s16;
	s13 =	sadd.s32 @p1 s15, s13;
	s15 =	simm.s32 @p1 $0x0  }
0x6f: {  	[hbm4b:s13+s15] =	stream.linear.scatter @p1 [tilespmem:s19], [sflag:s14], $0x1000, $0x200038;
	[tilespmem:$0x2100] =	vst v63  }
0x70: {  	p0 =	por p4, p4;
	s13 =	sand.u32 @!p4 $0x1, s17;
	_ =	strace @p1 $0x9000004C  }
0x71: {  	s13 =	sadd.s32 @!p0 $0x3, s13;
	_ =	strace @!p0 $0x8000004D  }
0x72: {  	p1 =	sne.s32 s12, $0x0;
	s12 =	simm.s32 $0x1;
	_ =	swait.ge @!p0 [sflag:s13], $0x1000  }
0x73: {  	s12 =	simm.s32 @!p1 $0x0;
	[sflag:s13] =	ssyncset.done @!p0 $0x0  }
0x74: {  	s11 =	sadd.s32 $0x1, s11;
	s12 =	sadd.s32 s12, s17;
	[sflag:s13] =	ssyncadd.s32 @!p0 $0xFFFFF000  }
0x75: {  	s12 =	sand.u32 $0x1, s12;
	_ =	strace @!p0 $0x9000004D;
	p0 =	sne.s32 s11, s8  }
.Ltmp3:
0x76: {  	s12 =	sadd.s32 $0x3, s12;
	_ =	strace $0x8000004E;
	(pc) =	sbr.rel @p0 .LBB2_1-.Ltmp3, $4  }
.Ltmp4:
0x77: {  	_ =	swait.ge [sflag:s12], $0x1000;
	(pc) =	sbr.rel @!p0 .LBB2_8-.Ltmp4, $4  }
0x78: {  	[sflag:s12] =	ssyncset.done $0x0  }
0x79: {  	[sflag:s12] =	ssyncadd.s32 $0xFFFFF000  }
0x7a: {  	_ =	strace $0x9000004E  }
0x7b: {  	_ = 	snop  }
.LBB2_2:
.Ltmp5:
0x7c: {  	(pc) =	sbr.rel .LBB2_7-.Ltmp5, $4  }
0x7d: {  	_ = 	snop  }
0x7e: {  	s14 =	simm.s32 $0x0  }
0x7f: {  	s12 =	simm.s32 $0x0;
	s15 =	simm.s32 $0x0;
	s17 =	smov.u32 s13  }
0x80: {  	s20 =	simm.s32 $0x0;
	s18 =	simm.s32 $0x1;
	s13 =	simm.s32 $0x0  }
.LBB2_4:
.Ltmp6:
0x81: {  	(pc) =	sbr.rel .LBB2_7-.Ltmp6, $3  }
0x82: {  	_ =	sdelay $0x1  }
0x83: {  	s14 =	simm.s32 $0x0  }
0x84: {  	s15 =	simm.s32 $0x0;
	s20 =	simm.s32 $0x0;
	p6 =	por $0x1, $0x1  }
.LBB2_8:
0x85: {  	_ =	sfence.sel $0x180000  }
0x86: {  	[bflag:$0x0] =	sbarrier.arrive $0xFFFF  }
0x87: {  	p0 =	sne.s32 s1, $0x0;
	_ =	strace $0x90000047  }
0x88: {  	s0 =	sadd.s32 @!p0 $0x100000, s0;
	[bflag:$0x2] =	sbarrier.arrive $0xFFFF  }
0x89: {  	[sflag:s0] =	ssyncadd.tile.s32 @!p0 $0x1;
	_ =	shalt  }
.Lfunc_end2:
_tile_overlayer_lowered:
.L_overlay_start_2:
0x8a: {  	(tag) =	ssettag $0x2  }
0x8b: {  	s0 =	rddreg [dreg:$0x0];
	s2 =	stileid.u32  }
0x8c: {  	s1 =	rddreg [dreg:$0x1];
	p0 =	sne.s32 s2, $0x0  }
0x8d: {  	s3 =	rddreg [dreg:$0x2];
	[bflag:$0x3] =	sbarrier.arrive $0xFFFF;
	s2 =	simm.s32 @!p0 $0x1C01  }
0x8e: {  	[timem:s3], [sflag:s2] =	dma.local @!p0 [hbm:s0], s1  }
0x8f: {  	s0 =	simm.s32 @!p0 $0x1  }
0x90: {  	_ =	swait.ge @!p0 [sflag:s0], s1  }
0x91: {  	s1 =	ssub.s32 @!p0 $0x0, s1;
	[sflag:s0] =	ssyncset.done @!p0 $0x0  }
0x92: {  	[sflag:s0] =	ssyncadd.s32 @!p0 s1  }
0x93: {  	[bflag:$0x3] =	sbarrier.arrive $0xFFFF  }
0x94: {  	_ =	shalt  }

// kernel: kernel.8.cloned.1.call-start
scs
__scs_entry_jumppad:
0x0: {  	(pc) =	sbr.rel $0x88, $3  }
0x1: {  	(tag) =	ssettag $0x0;
	lr =	simm.s32 $0x1  }
0x2: {  	[smem:$0x3F96] =	sst lr;
	_ =	strace $0xD0000000  }
0x3: {  	_ = 	snop  }
0x4: {  	_ = 	snop  }
0x5: {  	_ = 	snop  }
0x6: {  	_ = 	snop  }
0x7: {  	_ = 	snop  }
__scs_overlays_trampoline_lowered:
0x8: {  	[smem:$0x3FA5] =	sst s0  }
0x9: {  	[smem:$0x3FA6] =	sst s1  }
0xa: {  	[smem:$0x3FA7] =	sst s2  }
0xb: {  	[smem:$0x3FA8] =	sst s3  }
0xc: {  	[smem:$0x3FA9] =	sst s4  }
0xd: {  	[smem:$0x3FAA] =	sst s5  }
0xe: {  	[smem:$0x3FAB] =	sst s6  }
0xf: {  	[smem:$0x3FAC] =	sst s7  }
0x10: {  	[smem:$0x3FAD] =	sst s8  }
0x11: {  	[smem:$0x3FAE] =	sst s9;
	s0 =	simm.s32 @!p0 $0x0  }
0x12: {  	s1 =	sld [smem:$0x3F94];
	s0 =	simm.s32 @p0 $0x1  }
0x13: {  	[smem:$0x3FAF] =	sst s0;
	s0 =	simm.s32 @!p1 $0x0  }
0x14: {  	s2 =	sld [smem:$0x3F93];
	s0 =	simm.s32 @p1 $0x1  }
0x15: {  	[smem:$0x3FB0] =	sst s0;
	s0 =	simm.s32 @!p2 $0x0  }
0x16: {  	s3 =	sld [smem:$0x3FDB];
	s0 =	simm.s32 @p2 $0x1  }
0x17: {  	s4 =	simm.s32 $0x1BF5;
	[smem:$0x3FB2] =	sst s0  }
0x18: {  	s0 =	sld [smem:$0x3F95];
	_ =	swait.ge [sflag:s4], $0x0  }
0x19: {  	s7 =	sld [smem:$0x3F96]  }
0x1a: {  	s8 =	sadd.s32 $0xFFFFE003, lr  }
0x1b: {  	s9 =	sadd.s32 $0xFFFFFEF7, lr;
	s5 =	simm.s32 $0xFFFFFFFF;
	p2 =	slt.u32 s8, $0xFFFFF086  }
0x1c: {  	p1 =	slt.u32 s9, $0xF7A;
	s5 =	simm.s32 @!p2 $0x0  }
0x1d: {  	s5 =	simm.s32 @p1 $0x1;
	p0 =	seq.s32 s7, s2  }
0x1e: {  	s7 =	smul.u32 @!p0 $0xF7A, s2;
	p2 =	seq.s32 @!p0 s5, $0x0  }
0x1f: {  	s9 =	smul.u32 $0xF7A, s1;
	s8 =	simm.s32 @!p0 $0x1BF5;
	p2 =	por !p2, p0  }
0x20: {  	[sflag:s8] =	ssyncset.s32 @!p0 $0xFFFFF086;
	s6 =	sadd.s32 @!p0 s3, s7;
	s7 =	simm.s32 @!p0 $0x108  }
0x21: {  	s3 =	sadd.s32 s3, s9;
	s6 =	sadd.s32 @!p0 $0x88, s6;
	s7 =	simm.s32 @p2 $0x1082  }
0x22: {  	[simem:s7], [sflag:s8] =	dma.local @!p0 [hbm:s6], $0xF7A  }
0x23: {  	s9 =	sor.u32 $0xD0000000, s2;
	s6 =	simm.s32 $0x108;
	_ =	swait.ge @!p0 [sflag:s8], $0x0  }
0x24: {  	s3 =	sadd.s32 $0x88, s3;
	s6 =	simm.s32 @!p1 $0x1082;
	[sflag:s4] =	ssyncset.s32 $0xFFFFF086  }
0x25: {  	[simem:s6], [sflag:s4] =	dma.local [hbm:s3], $0xF7A  }
0x26: {  	[smem:$0x3F96] =	sst s1;
	(tag) =	ssettag s2;
	_ =	strace s9  }
0x27: {  	s1 =	sld [smem:$0x3FA6]  }
0x28: {  	s2 =	sld [smem:$0x3FA7]  }
0x29: {  	s4 =	sld [smem:$0x3FA9]  }
0x2a: {  	p0 =	seq.s32 s5, $0x0;
	s5 =	sld [smem:$0x3FAA]  }
0x2b: {  	s6 =	sld [smem:$0x3FAB]  }
0x2c: {  	s7 =	sld [smem:$0x3FAC]  }
0x2d: {  	s3 =	simm.s32 $0x108;
	s8 =	sld [smem:$0x3FAD]  }
0x2e: {  	s3 =	simm.s32 @!p0 $0x1082;
	s9 =	sld [smem:$0x3FAE]  }
0x2f: {  	lr =	sadd.s32 s0, s3;
	s0 =	sld [smem:$0x3FA5]  }
0x30: {  	s3 =	sld [smem:$0x3FA8]  }
0x31: {  	[smem:$0x3FB1] =	sst s10  }
0x32: {  	s10 =	sld [smem:$0x3FAF];
	_ =	sdelay $0x3  }
0x33: {  	p0 =	seq.s32 s10, $0x1;
	s10 =	sld [smem:$0x3FB1];
	_ =	sdelay $0x3  }
0x34: {  	[smem:$0x3FB1] =	sst s10  }
0x35: {  	s10 =	sld [smem:$0x3FB0];
	_ =	sdelay $0x3  }
0x36: {  	p1 =	seq.s32 s10, $0x1;
	s10 =	sld [smem:$0x3FB1];
	_ =	sdelay $0x3  }
0x37: {  	[smem:$0x3FB1] =	sst s10  }
0x38: {  	s10 =	sld [smem:$0x3FB2]  }
0x39: {  	_ = 	snop;
	(pc) =	sbr.ind lr, $3  }
0x3a: {  	_ = 	snop  }
0x3b: {  	_ = 	snop  }
0x3c: {  	p2 =	seq.s32 s10, $0x1;
	s10 =	sld [smem:$0x3FB1]  }
0x3d: {  	_ =	shalt  }
0x3e: {  	_ =	shalt  }
0x3f: {  	_ =	shalt  }
0x40: {  	_ =	shalt  }
0x41: {  	_ =	shalt  }
0x42: {  	_ =	shalt  }
0x43: {  	_ =	shalt  }
0x44: {  	_ =	shalt  }
0x45: {  	_ =	shalt  }
0x46: {  	_ =	shalt  }
0x47: {  	_ =	shalt  }
0x48: {  	_ =	shalt  }
0x49: {  	_ =	shalt  }
0x4a: {  	_ =	shalt  }
0x4b: {  	_ =	shalt  }
0x4c: {  	_ =	shalt  }
0x4d: {  	_ =	shalt  }
0x4e: {  	_ =	shalt  }
0x4f: {  	_ =	shalt  }
0x50: {  	_ =	shalt  }
0x51: {  	_ =	shalt  }
0x52: {  	_ =	shalt  }
0x53: {  	_ =	shalt  }
0x54: {  	_ =	shalt  }
0x55: {  	_ =	shalt  }
0x56: {  	_ =	shalt  }
0x57: {  	_ =	shalt  }
0x58: {  	_ =	shalt  }
0x59: {  	_ =	shalt  }
0x5a: {  	_ =	shalt  }
0x5b: {  	_ =	shalt  }
0x5c: {  	_ =	shalt  }
0x5d: {  	_ =	shalt  }
0x5e: {  	_ =	shalt  }
0x5f: {  	_ =	shalt  }
0x60: {  	_ =	shalt  }
0x61: {  	_ =	shalt  }
0x62: {  	_ =	shalt  }
0x63: {  	_ =	shalt  }
0x64: {  	_ =	shalt  }
0x65: {  	_ =	shalt  }
0x66: {  	_ =	shalt  }
0x67: {  	_ =	shalt  }
0x68: {  	_ =	shalt  }
0x69: {  	_ =	shalt  }
0x6a: {  	_ =	shalt  }
0x6b: {  	_ =	shalt  }
0x6c: {  	_ =	shalt  }
0x6d: {  	_ =	shalt  }
0x6e: {  	_ =	shalt  }
0x6f: {  	_ =	shalt  }
0x70: {  	_ =	shalt  }
0x71: {  	_ =	shalt  }
0x72: {  	_ =	shalt  }
0x73: {  	_ =	shalt  }
0x74: {  	_ =	shalt  }
0x75: {  	_ =	shalt  }
0x76: {  	_ =	shalt  }
0x77: {  	_ =	shalt  }
0x78: {  	_ =	shalt  }
0x79: {  	_ =	shalt  }
0x7a: {  	_ =	shalt  }
0x7b: {  	_ =	shalt  }
0x7c: {  	_ =	shalt  }
0x7d: {  	_ =	shalt  }
0x7e: {  	_ =	shalt  }
0x7f: {  	_ =	shalt  }
0x80: {  	_ =	shalt  }
0x81: {  	_ =	shalt  }
0x82: {  	_ =	shalt  }
0x83: {  	_ =	shalt  }
0x84: {  	_ =	shalt  }
0x85: {  	_ =	shalt  }
0x86: {  	_ =	shalt  }
0x87: {  	_ =	shalt  }
.Lfunc_end0:
.L_simem_size_0:
called_computation.2_lowered:
.L_overlay_start_0:
0x88: {  	s2 =	sld [smem:$0x3FD9]  }
0x89: {  	s3 =	sld [smem:$0x3FFE];
	_ =	sdelay $0x1  }
0x8a: {  	s1 =	srdreg.scid  }
0x8b: {  	s0 =	sand.u32 $0x1, s1  }
0x8c: {  	s14 =	sshll.u32 s0, $0xA;
	s2 =	sadd.s32 s3, s2  }
0x8d: {  	s2 =	sadd.s32 s2, s14  }
0x8e: {  	[smem:$0x3FBD] =	sst s2  }
0x8f: {  	_ = 	snop  }
0x90: {  	s2 =	sld [smem:$0x3FD0];
	_ =	sdelay $0x2  }
0x91: {  	s15 =	simm.s32 $0xB;
	s4 =	simm.s32 $0x10  }
0x92: {  	[smem:s4], [sflag:s15] =	dma.local [hbm:s2], $0x1  }
0x93: {  	_ =	swait.eq [sflag:s15], $0x1  }
0x94: {  	[sflag:s15] =	ssyncset.done $0x0  }
0x95: {  	[sflag:s15] =	ssyncadd.s32 $0xFFFFFFFF  }
0x96: {  	s16 =	sld [smem:$0x10];
	(tm) =	ssettm $0x1  }
0x97: {  	s17 =	sld [smem:$0x3FFB];
	_ =	sdelay $0x3  }
0x98: {  	_ =	strace s17  }
0x99: {  	s3 =	sld [smem:$0x3FFC];
	_ =	sdelay $0x3  }
0x9a: {  	_ =	strace s3  }
0x9b: {  	s3 =	sld [smem:$0x3FFD];
	_ =	sdelay $0x3  }
0x9c: {  	_ =	strace s3  }
0x9d: {  	_ =	strace $0x8FFFFFFF  }
0x9e: {  	s18 =	sld [smem:$0x3FDB];
	_ =	sdelay $0x1  }
0x9f: {  	s19 =	simm.s32 $_scs_section_size  }
0xa0: {  	s5 =	simm.s32 $_size__tile_overlayer_lowered;
	s6 =	simm.s32 $_tile_overlayer_lowered  }
0xa1: {  	s22 =	simm.s32 $0x1BFF;
	s21 =	sshll.u32 s6, $0x1;
	s3 =	sadd.s32 s19, s18  }
0xa2: {  	s7 =	simm.s32 $0x0;
	s20 =	sshll.u32 s5, $0x1;
	s5 =	sadd.s32 s21, s3  }
0xa3: {  	[timem:s7], [sflag:s22] =	dma.local [hbm:s5], s20  }
0xa4: {  	_ =	swait.ge [sflag:s22], s20  }
0xa5: {  	s4 =	ssub.s32 $0x0, s20;
	[sflag:s22] =	ssyncset.done $0x0  }
0xa6: {  	[sflag:s22] =	ssyncadd.s32 s4;
	_ =	sdelay $0x1  }
0xa7: {  	s23 =	simm.s32 $0x1B8B  }
0xa8: {  	_ =	swait.ge [sflag:s23], $0x1  }
0xa9: {  	[sflag:s23] =	ssyncset.done $0x0  }
0xaa: {  	s25 =	simm.s32 $0x1B8E;
	s24 =	sld [smem:$0x3FFE];
	[sflag:s23] =	ssyncadd.s32 $0xFFFFFFFF  }
0xab: {  	s26 =	simm.s32 $execute0_lowered;
	[smem:$0x3FD2] =	sst s25  }
0xac: {  	s5 =	sshll.u32 s26, $0x1;
	_ =	strace $0x80000050;
	[dreg:$0x1] =	wrdreg $0xFFFFFFFF  }
0xad: {  	s28 =	simm.s32 $_size_execute0_lowered;
	s3 =	sadd.s32 s3, s5;
	[dreg:$0x0] =	wrdreg $0x0  }
0xae: {  	s5 =	sshll.u32 s28, $0x1;
	[dreg:$0x2] =	wrdreg s3  }
0xaf: {  	[dreg:$0x3] =	wrdreg s5  }
0xb0: {  	[dreg:$0x4] =	wrdreg $0xC0  }
0xb1: {  	_ =	task [dreg:s7], $0x5FFFF  }
0xb2: {  	[dreg:$0x1] =	wrdreg $0xFFFFFFFF  }
0xb3: {  	[dreg:$0x0] =	wrdreg $0x60  }
0xb4: {  	[dreg:$0x2] =	wrdreg s24  }
0xb5: {  	[dreg:$0x3] =	wrdreg s16  }
0xb6: {  	[dreg:$0x4] =	wrdreg $0x0  }
0xb7: {  	[dreg:$0x5] =	wrdreg $0xA  }
0xb8: {  	_ =	task.clear_ibuf [dreg:s7], $0x6FFFF;
	_ =	strace $0x90000050  }
0xb9: {  	s29 =	simm.s32 $0xA;
	_ =	strace $0x80000058  }
0xba: {  	_ =	swait.ge [sflag:s29], $0x1  }
0xbb: {  	[sflag:s29] =	ssyncadd.s32 $0xFFFFFFFF  }
0xbc: {  	_ =	strace $0x90000058  }
0xbd: {  	_ =	sfence  }
0xbe: {  	s30 =	sld [smem:$0x0];
	_ =	sdelay $0x2  }
0xbf: {  	s31 =	sshll.u32 s1, $0xD;
	s1 =	sshrl.u32 s1, $0x2  }
0xc0: {  	s3 =	sand.u32 $0x4000, s31;
	s1 =	sadd.s32 s1, s30  }
0xc1: {  	s0 =	sor.u32 s3, s0;
	s1 =	sshll.u32 s1, $0x11  }
0xc2: {  	s0 =	sor.u32 s1, s0  }
0xc3: {  	s0 =	sadd.s32 $0x8F2B, s0  }
0xc4: {  	[sflag:s0] =	ssyncadd.remote.s32 $0x1  }
0xc5: {  	_ =	sfence.sel $0xFFFF  }
0xc6: {  	[dreg:$0x0] =	wrdreg $0xFFFFFFFF;
	(pc) =	sbr.abs _section_cstart, $3  }
0xc7: {  	[dreg:$0x1] =	wrdreg $0xFFFFFFFF  }
0xc8: {  	_ =	task.clear_ibuf [dreg:s7], $0x2FFFF;
	_ =	strace $0x9FFFFFFF  }
0xc9: {  	(tm) =	ssettm $0x7FFFFFFF  }
tec
execute0_lowered:
.L_overlay_start_1:
0x0: {  	(tag) =	ssettag $0x1  }
0x1: {  	s0 =	rddreg [dreg:$0x0]  }
0x2: {  	s1 =	rddreg [dreg:$0x1]  }
0x3: {  	s2 =	rddreg [dreg:$0x2];
	s5 =	simm.s32 $0x0;
	s3 =	stileid.u32  }
0x4: {  	s4 =	srdreg.scid;
	s30 =	simm.s32 $0x80;
	s31 =	simm.s32 $0x18800  }
0x5: {  	s18 =	simm.s32 $0x5;
	s19 =	simm.s32 $0x1;
	s6 =	smul.u32 $0x18800, s3  }
0x6: {  	s8 =	sand.u32 $0x1, s4;
	s4 =	sadd.s32 $0x1284200, s0;
	s21 =	smul.u32 $0x30D, s3  }
0x7: {  	[smem:$0x7FF] =	sst s5;
	s5 =	sadd.s32 $0xC38C00, s0;
	s22 =	smul.u32 $0xC35, s3  }
0x8: {  	s20 =	sshll.u32 s3, $0x6;
	p0 =	slt.u32 s3, $0x4;
	s13 =	smul.u32 $0x61A80, s3  }
0x9: {  	_ =	strace $0x80000051;
	s7 =	ssub.s32 $0x2, s8;
	s16 =	sor.u32 $0x1C01, s20  }
0xa: {  	s11 =	smul.u32 $0xC350, s8;
	[dreg:$0x5] =	wrdreg s30;
	s9 =	sshrl.u32 s6, $0x3  }
0xb: {  	[dreg:$0x4] =	wrdreg s31;
	s10 =	sshrl.u32 s7, $0x1;
	s0 =	sadd.s32 s9, s0  }
0xc: {  	s6 =	sadd.s32 s6, s2;
	s8 =	sadd.s32 $0x4, s21;
	s0 =	sadd.s32 $0x3C00, s0  }
0xd: {  	s13 =	sshrl.u32 s13, $0x2;
	[dreg:$0x6] =	wrdreg s0;
	s0 =	smul.u32 $0x30E, s3  }
0xe: {  	[dreg:$0x7] =	wrdreg s16;
	s10 =	ssub.s32 s7, s10;
	s29 =	sshrl.u32 s6, $0x3  }
0xf: {  	s28 =	smax.u32 s10, $0x1;
	[dreg:$0xc] =	wrdreg s29;
	s8 =	smov.u32 @p0 s0  }
0x10: {  	s9 =	simm.s32 $0x30E;
	[dreg:$0xb] =	wrdreg s28;
	s12 =	sshll.u32 s8, $0x9  }
0x11: {  	s0 =	sadd.s32 s22, s11;
	s24 =	sshll.u32 s8, $0x4;
	s23 =	sadd.s32 s4, s12  }
0x12: {  	s0 =	sshll.u32 s0, $0x2;
	s25 =	sadd.s32 s5, s24;
	[dreg:$0x8] =	wrdreg s23  }
0x13: {  	s26 =	sadd.s32 s13, s2;
	s0 =	sadd.s32 s1, s0;
	[dreg:$0x9] =	wrdreg s25  }
0x14: {  	s9 =	simm.s32 @!p0 $0x30D;
	[dreg:$0xa] =	wrdreg s0;
	s0 =	sshrl.u32 s26, $0x3  }
0x15: {  	s21 =	simm.s32 $0x0;
	v0 =	vmov s11;
	s12 =	sadd.s32 $0xFFFFFFFF, s9;
	[dreg:$0xd] =	wrdreg s0  }
.LBB2_1:
0x16: {  	s0 =	rddreg [dreg:$0x6]  }
0x17: {  	s1 =	rddreg [dreg:$0xc]  }
0x18: {  	s24 =	simm.s32 $0x0;
	s3 =	simm.s32 $0x18880;
	s28 =	simm.s32 $0x1A880  }
0x19: {  	p0 =	seq.s32 s9, $0x1;
	p2 =	sle.u32 s12, $0x0;
	s29 =	simm.s32 $0x0  }
0x1a: {  	[spmem:s1], [sflag:s16] =	dma.local [hbm:s0], $0x3100  }
0x1b: {  	p6 =	sne.s32 s9, $0x1;
	p3 =	seq.s32 s12, $0x0;
	s1 =	simm.s32 $0x1  }
0x1c: {  	s22 =	sand.u32 $0x1, s24;
	_ =	swait.ge [sflag:s19], $0x3100;
	s1 =	simm.s32 @p0 $0x0  }
0x1d: {  	s30 =	sand.u32 $0x1000, s29;
	[sflag:s19] =	ssyncset.done $0x0;
	p0 =	seq.s32 @!p2 s1, $0x0  }
0x1e: {  	p4 =	sne.s32 s1, $0x0;
	[sflag:s19] =	ssyncadd.s32 $0xFFFFCF00;
	p1 =	por p0, p2  }
0x1f: {  	p5 =	por !p0, p2;
	p0 =	por $0x0, $0x0;
	[bflag:$0x0] =	sbarrier.arrive $0xFFFF  }
0x20: {  	s6 =	sand.u32 @!p1 $0x1, s19;
	s17 =	sadd.s32 @!p1 s8, s1;
	_ =	strace $0x80000052  }
.Ltmp0:
0x21: {  	s11 =	sshll.u32 @!p1 s6, $0xC;
	s25 =	rddreg [dreg:$0x8];
	(pc) =	sbr.rel @!p6 .LBB2_2-.Ltmp0, $4  }
0x22: {  	[tilespmem:s3], [sflag:$0x1] =	stream.linear.gather [hbm4b:s25+s24], $0x1000, $0x200038;
	[tilespmem:$0x1A980] =	vst v63  }
0x23: {  	s10 =	sadd.s32 @!p1 $0x1, s6;
	s31 =	sshll.u32 @!p1 s17, $0x9;
	s26 =	rddreg [dreg:$0x9]  }
0x24: {  	[tilespmem:s28], [sflag:$0x3] =	stream.linear.gather [hbm4b:s26+s24], $0x80, $0x200038;
	[tilespmem:$0x1A980] =	vst v63  }
0x25: {  	s25 =	simm.s32 $0x0;
	s24 =	sand.u32 $0x1, s24;
	_ =	strace $0x90000052  }
0x26: {  	s0 =	sand.u32 @!p1 $0x1FFFFE00, s31  }
0x27: {  	s13 =	sshll.u32 @!p1 s17, $0x4;
	s14 =	sshll.u32 @!p1 s6, $0x7;
	_ =	strace @!p1 $0x80000053  }
0x28: {  	s11 =	sor.u32 @!p1 $0x18880, s11;
	s15 =	simm.s32 @!p1 $0x0;
	s0 =	sadd.s32 @!p1 s4, s0  }
0x29: {  	[tilespmem:s11], [sflag:s10] =	stream.linear.gather @!p1 [hbm4b:s0+s15], $0x1000, $0x200038;
	[tilespmem:$0x1A980] =	vst v63  }
0x2a: {  	s6 =	sadd.s32 @!p1 $0x3, s6;
	s13 =	sand.u32 @!p1 $0x1FFFFFF0, s13;
	_ =	strace @!p1 $0x90000053  }
0x2b: {  	s0 =	sadd.s32 @!p1 $0x1A880, s14;
	s10 =	sadd.s32 @!p1 s5, s13;
	_ =	strace @!p1 $0x80000054  }
0x2c: {  	[tilespmem:s0], [sflag:s6] =	stream.linear.gather @!p1 [hbm4b:s10+s15], $0x80, $0x200038;
	[tilespmem:$0x1A980] =	vst v63  }
0x2d: {  	_ =	strace @!p1 $0x90000054  }
0x2e: {  	s15 =	sadd.s32 $0x1, s22;
	_ =	strace $0x80000055  }
0x2f: {  	_ =	swait.ge [sflag:s15], $0x1000  }
0x30: {  	[sflag:s15] =	ssyncset.done $0x0  }
0x31: {  	[sflag:s15] =	ssyncadd.s32 $0xFFFFF000  }
0x32: {  	_ =	strace $0x90000055  }
0x33: {  	s16 =	sadd.s32 $0x3, s24;
	_ =	strace $0x80000056  }
0x34: {  	_ =	swait.ge [sflag:s16], $0x80  }
0x35: {  	[sflag:s16] =	ssyncset.done $0x0  }
0x36: {  	[sflag:s16] =	ssyncadd.s32 $0xFFFFFF80  }
0x37: {  	_ =	strace $0x90000056  }
0x38: {  	s17 =	sand.u32 $0x80, s25;
	_ =	strace $0x80000057  }
0x39: {  	v1 =	vld [tilespmem:s17+$0x1A880];
	_ =	sdelay $0x4  }
0x3a: {  	v1 =	vsub.s32 v1, v0  }
0x3b: {  	v1 =	vmin.u32 v1, $0xC350  }
0x3c: {  	[tilespmem:$0x18800] =	vst v1  }
0x3d: {  	v1 =	vld [tilespmem:s17+$0x1A890];
	_ =	sdelay $0x4  }
0x3e: {  	v1 =	vsub.s32 v1, v0  }
0x3f: {  	v1 =	vmin.u32 v1, $0xC350  }
0x40: {  	[tilespmem:$0x18810] =	vst v1  }
0x41: {  	v1 =	vld [tilespmem:s17+$0x1A8A0];
	_ =	sdelay $0x4  }
0x42: {  	v1 =	vsub.s32 v1, v0  }
0x43: {  	v1 =	vmin.u32 v1, $0xC350  }
0x44: {  	[tilespmem:$0x18820] =	vst v1  }
0x45: {  	v1 =	vld [tilespmem:s17+$0x1A8B0];
	_ =	sdelay $0x4  }
0x46: {  	v1 =	vsub.s32 v1, v0  }
0x47: {  	v1 =	vmin.u32 v1, $0xC350  }
0x48: {  	[tilespmem:$0x18830] =	vst v1  }
0x49: {  	v1 =	vld [tilespmem:s17+$0x1A8C0];
	_ =	sdelay $0x4  }
0x4a: {  	v1 =	vsub.s32 v1, v0  }
0x4b: {  	v1 =	vmin.u32 v1, $0xC350  }
0x4c: {  	[tilespmem:$0x18840] =	vst v1  }
0x4d: {  	v1 =	vld [tilespmem:s17+$0x1A8D0];
	_ =	sdelay $0x4  }
0x4e: {  	v1 =	vsub.s32 v1, v0  }
0x4f: {  	v1 =	vmin.u32 v1, $0xC350  }
0x50: {  	[tilespmem:$0x18850] =	vst v1  }
0x51: {  	v1 =	vld [tilespmem:s17+$0x1A8E0]  }
0x52: {  	p0 =	por p3, p4  }
0x53: {  	s28 =	sadd.s32 $0x1, s1;
	s29 =	simm.s32 $0x2;
	s11 =	simm.s32 $0x1  }
0x54: {  	p4 =	sle.u32 s12, $0x1;
	p3 =	seq.s32 s12, $0x1;
	s11 =	simm.s32 @!p0 $0x0  }
0x55: {  	s14 =	sor.u32 $0x18880, s30;
	p0 =	seq.s32 s28, s9;
	s23 =	sadd.s32 $0x0, s11  }
0x56: {  	s28 =	simm.s32 @p0 $0x0;
	s10 =	simm.s32 @!p1 $0x2;
	s0 =	simm.s32 $0x1;
	v1 =	vsub.s32 v1, v0  }
0x57: {  	s22 =	sand.u32 $0x1, s23;
	s24 =	sand.u32 $0x1, s23;
	s25 =	sshll.u32 s23, $0x7;
	v1 =	vmin.u32 v1, $0xC350  }
0x58: {  	s20 =	sshll.u32 s23, $0xC;
	s0 =	smov.u32 @p5 s10;
	s10 =	simm.s32 $0x0;
	[tilespmem:$0x18860] =	vst v1  }
0x59: {  	p0 =	seq.s32 @!p4 s1, s28;
	s30 =	smov.u32 s23;
	s10 =	simm.s32 @p5 $0x1;
	v1 =	vld [tilespmem:s17+$0x1A8F0]  }
0x5a: {  	s0 =	smov.u32 @p2 s19;
	s10 =	simm.s32 @p2 $0x0;
	p2 =	sne.s32 s9, $0x2  }
.Ltmp1:
0x5b: {  	p1 =	por p0, p4;
	p6 =	por !p0, p4;
	(pc) =	sbr.rel @!p2 .LBB2_4-.Ltmp1, $4  }
0x5c: {  	p0 =	por $0x1, $0x1;
	p5 =	sne.s32 s1, s28;
	s1 =	sand.u32 @!p1 $0x1, s0  }
0x5d: {  	s26 =	sadd.s32 $0x1, s10;
	s11 =	sshll.u32 @!p1 s1, $0xC;
	s10 =	sadd.s32 @!p1 $0x1, s1  }
0x5e: {  	s6 =	sand.u32 @!p1 $0x1, s26;
	s15 =	rddreg [dreg:$0x5];
	s17 =	sadd.s32 @!p1 s8, s28;
	v1 =	vsub.s32 v1, v0  }
0x5f: {  	s16 =	sand.u32 $0x1000, s20;
	s20 =	rddreg [dreg:$0x4];
	s31 =	sshll.u32 @!p1 s17, $0x9;
	v1 =	vmin.u32 v1, $0xC350  }
.LBB2_5:
0x60: {  	[tilespmem:$0x18870] =	vst v1  }
0x61: {  	[spmem:s2] =	stream.indirect.scatter.add.f32 [tilespmem:s14], [sflag:$0x5], $0x20, s20, s15, $0x2000b8;
	[tilespmem:$0x1A980] =	vst v63  }
0x62: {  	_ =	swait.ge [sflag:s18], $0x1000  }
0x63: {  	s13 =	sand.u32 @!p1 $0x1FFFFE00, s31;
	[sflag:s18] =	ssyncset.done $0x0  }
0x64: {  	s3 =	sshll.u32 @!p1 s6, $0x7;
	s7 =	sshll.u32 @!p1 s17, $0x4;
	[sflag:s18] =	ssyncadd.s32 $0xFFFFF000  }
0x65: {  	s17 =	smov.u32 s16;
	s11 =	sor.u32 @!p1 $0x18880, s11;
	_ =	strace $0x90000057  }
0x66: {  	s16 =	simm.s32 @!p1 $0x0;
	s14 =	sadd.s32 @!p1 s4, s13;
	_ =	strace @!p1 $0x80000053  }
0x67: {  	[tilespmem:s11], [sflag:s10] =	stream.linear.gather @!p1 [hbm4b:s14+s16], $0x1000, $0x200038;
	[tilespmem:$0x1A980] =	vst v63  }
0x68: {  	s6 =	sadd.s32 @!p1 $0x3, s6;
	s7 =	sand.u32 @!p1 $0x1FFFFFF0, s7;
	_ =	strace @!p1 $0x90000053  }
0x69: {  	s3 =	sadd.s32 @!p1 $0x1A880, s3;
	s7 =	sadd.s32 @!p1 s5, s7;
	_ =	strace @!p1 $0x80000054  }
0x6a: {  	[tilespmem:s3], [sflag:s6] =	stream.linear.gather @!p1 [hbm4b:s7+s16], $0x80, $0x200038;
	[tilespmem:$0x1A980] =	vst v63  }
0x6b: {  	_ =	strace @!p1 $0x90000054  }
0x6c: {  	s10 =	sadd.s32 $0x1, s22;
	_ =	strace $0x80000055  }
0x6d: {  	s15 =	sadd.s32 @!p1 $0x1, s0;
	s13 =	smov.u32 s0;
	_ =	swait.ge [sflag:s10], $0x1000  }
0x6e: {  	s13 =	smov.u32 @p6 s15;
	s15 =	simm.s32 $0x0;
	[sflag:s10] =	ssyncset.done $0x0  }
0x6f: {  	s15 =	simm.s32 @p6 $0x1;
	[sflag:s10] =	ssyncadd.s32 $0xFFFFF000  }
0x70: {  	s15 =	simm.s32 @p4 $0x0;
	_ =	strace $0x90000055  }
0x71: {  	s26 =	sadd.s32 s26, s15;
	s15 =	sadd.s32 $0x3, s24;
	_ =	strace $0x80000056  }
0x72: {  	_ =	swait.ge [sflag:s15], $0x80  }
0x73: {  	[sflag:s15] =	ssyncset.done $0x0  }
0x74: {  	[sflag:s15] =	ssyncadd.s32 $0xFFFFFF80  }
0x75: {  	_ =	strace $0x90000056  }
0x76: {  	s20 =	sand.u32 $0x80, s25;
	_ =	strace $0x80000057  }
0x77: {  	v1 =	vld [tilespmem:s20+$0x1A880];
	_ =	sdelay $0x4  }
0x78: {  	v1 =	vsub.s32 v1, v0  }
0x79: {  	v1 =	vmin.u32 v1, $0xC350  }
0x7a: {  	[tilespmem:$0x18800] =	vst v1  }
0x7b: {  	v1 =	vld [tilespmem:s20+$0x1A890];
	_ =	sdelay $0x4  }
0x7c: {  	v1 =	vsub.s32 v1, v0  }
0x7d: {  	v1 =	vmin.u32 v1, $0xC350  }
0x7e: {  	[tilespmem:$0x18810] =	vst v1  }
0x7f: {  	v1 =	vld [tilespmem:s20+$0x1A8A0];
	_ =	sdelay $0x4  }
0x80: {  	v1 =	vsub.s32 v1, v0  }
0x81: {  	v1 =	vmin.u32 v1, $0xC350  }
0x82: {  	[tilespmem:$0x18820] =	vst v1  }
0x83: {  	v1 =	vld [tilespmem:s20+$0x1A8B0];
	_ =	sdelay $0x4  }
0x84: {  	v1 =	vsub.s32 v1, v0  }
0x85: {  	v1 =	vmin.u32 v1, $0xC350  }
0x86: {  	[tilespmem:$0x18830] =	vst v1  }
0x87: {  	v1 =	vld [tilespmem:s20+$0x1A8C0];
	_ =	sdelay $0x4  }
0x88: {  	v1 =	vsub.s32 v1, v0  }
0x89: {  	v1 =	vmin.u32 v1, $0xC350  }
0x8a: {  	[tilespmem:$0x18840] =	vst v1  }
0x8b: {  	v1 =	vld [tilespmem:s20+$0x1A8D0];
	_ =	sdelay $0x4  }
0x8c: {  	v1 =	vsub.s32 v1, v0  }
0x8d: {  	v1 =	vmin.u32 v1, $0xC350  }
0x8e: {  	[tilespmem:$0x18850] =	vst v1  }
0x8f: {  	v1 =	vld [tilespmem:s20+$0x1A8E0];
	_ =	sdelay $0x1  }
0x90: {  	s1 =	smov.u32 s29  }
0x91: {  	s31 =	smov.u32 s28;
	p2 =	por p3, p5;
	s29 =	sadd.s32 $0x1, s29  }
0x92: {  	s28 =	sadd.s32 $0x1, s28;
	p3 =	seq.s32 s12, s1;
	s3 =	simm.s32 $0x1  }
0x93: {  	s13 =	smov.u32 @p4 s0;
	p4 =	sge.u32 s1, s12;
	s3 =	simm.s32 @!p2 $0x0;
	v1 =	vsub.s32 v1, v0  }
0x94: {  	p2 =	sne.s32 s9, s29;
	p1 =	seq.s32 s28, s9;
	s23 =	sadd.s32 s3, s23;
	v1 =	vmin.u32 v1, $0xC350  }
0x95: {  	s30 =	sadd.s32 s3, s30;
	s28 =	simm.s32 @p1 $0x0;
	s22 =	sand.u32 $0x1, s23;
	[tilespmem:$0x18860] =	vst v1  }
0x96: {  	s3 =	sand.u32 $0x1, s30;
	s11 =	sshll.u32 s30, $0x7;
	s14 =	sshll.u32 s23, $0xC;
	v1 =	vld [tilespmem:s20+$0x1A8F0]  }
0x97: {  	p6 =	seq.s32 @!p4 s31, s28;
	p5 =	sne.s32 s31, s28;
	s16 =	sand.u32 $0x1000, s14  }
.Ltmp2:
0x98: {  	s24 =	smov.u32 s3;
	s25 =	smov.u32 s11;
	(pc) =	sbr.rel @p2 .LBB2_5-.Ltmp2, $4  }
0x99: {  	s14 =	sor.u32 $0x18880, s17;
	p1 =	por p6, p4;
	p6 =	por !p6, p4  }
0x9a: {  	s17 =	sadd.s32 @!p1 s8, s28;
	s0 =	sand.u32 @!p1 $0x1, s13;
	s6 =	sand.u32 @!p1 $0x1, s26  }
0x9b: {  	s11 =	sshll.u32 @!p1 s0, $0xC;
	s10 =	sadd.s32 @!p1 $0x1, s0;
	s15 =	rddreg [dreg:$0x5];
	v1 =	vsub.s32 v1, v0  }
0x9c: {  	s31 =	sshll.u32 @!p1 s17, $0x9;
	s0 =	smov.u32 s13;
	s20 =	rddreg [dreg:$0x4];
	v1 =	vmin.u32 v1, $0xC350  }
0x9d: {  	s30 =	smov.u32 s16;
	s16 =	rddreg [dreg:$0x7]  }
.LBB2_7:
0x9e: {  	[tilespmem:$0x18870] =	vst @p0 v1  }
0x9f: {  	[spmem:s2] =	stream.indirect.scatter.add.f32 @p0 [tilespmem:s14], [sflag:$0x5], $0x20, s20, s15, $0x2000b8;
	[tilespmem:$0x1A980] =	vst v63  }
0xa0: {  	_ =	swait.ge @p0 [sflag:s18], $0x1000  }
0xa1: {  	s0 =	sand.u32 @!p1 $0x1FFFFE00, s31;
	[sflag:s18] =	ssyncset.done @p0 $0x0  }
0xa2: {  	s1 =	sshll.u32 @!p1 s6, $0x7;
	s3 =	sshll.u32 @!p1 s17, $0x4;
	[sflag:s18] =	ssyncadd.s32 @p0 $0xFFFFF000  }
0xa3: {  	s7 =	sor.u32 @!p1 $0x18880, s11;
	s11 =	simm.s32 @!p1 $0x0;
	_ =	strace @p0 $0x90000057  }
0xa4: {  	s0 =	sadd.s32 @!p1 s4, s0;
	s3 =	sand.u32 @!p1 $0x1FFFFFF0, s3;
	_ =	strace @!p1 $0x80000053  }
0xa5: {  	[tilespmem:s7], [sflag:s10] =	stream.linear.gather @!p1 [hbm4b:s0+s11], $0x1000, $0x200038;
	[tilespmem:$0x1A980] =	vst v63  }
0xa6: {  	s0 =	sadd.s32 @!p1 $0x1A880, s1;
	_ =	strace @!p1 $0x90000053  }
0xa7: {  	s1 =	sadd.s32 @!p1 s5, s3;
	s3 =	sadd.s32 @!p1 $0x3, s6;
	_ =	strace @!p1 $0x80000054  }
0xa8: {  	[tilespmem:s0], [sflag:s3] =	stream.linear.gather @!p1 [hbm4b:s1+s11], $0x80, $0x200038;
	[tilespmem:$0x1A980] =	vst v63  }
0xa9: {  	_ =	strace @!p1 $0x90000054  }
0xaa: {  	s22 =	sadd.s32 $0x1, s22;
	_ =	strace $0x80000055  }
0xab: {  	_ =	swait.ge [sflag:s22], $0x1000  }
0xac: {  	[sflag:s22] =	ssyncset.done $0x0  }
0xad: {  	[sflag:s22] =	ssyncadd.s32 $0xFFFFF000  }
0xae: {  	_ =	strace $0x90000055  }
0xaf: {  	s23 =	sadd.s32 $0x3, s24;
	_ =	strace $0x80000056  }
0xb0: {  	_ =	swait.ge [sflag:s23], $0x80  }
0xb1: {  	[sflag:s23] =	ssyncset.done $0x0  }
0xb2: {  	[sflag:s23] =	ssyncadd.s32 $0xFFFFFF80  }
0xb3: {  	_ =	strace $0x90000056  }
0xb4: {  	s24 =	sand.u32 $0x80, s25;
	_ =	strace $0x80000057  }
0xb5: {  	v1 =	vld [tilespmem:s24+$0x1A880];
	_ =	sdelay $0x4  }
0xb6: {  	v1 =	vsub.s32 v1, v0  }
0xb7: {  	v1 =	vmin.u32 v1, $0xC350  }
0xb8: {  	[tilespmem:$0x18800] =	vst v1  }
0xb9: {  	v1 =	vld [tilespmem:s24+$0x1A890];
	_ =	sdelay $0x4  }
0xba: {  	v1 =	vsub.s32 v1, v0  }
0xbb: {  	v1 =	vmin.u32 v1, $0xC350  }
0xbc: {  	[tilespmem:$0x18810] =	vst v1  }
0xbd: {  	v1 =	vld [tilespmem:s24+$0x1A8A0];
	_ =	sdelay $0x4  }
0xbe: {  	v1 =	vsub.s32 v1, v0  }
0xbf: {  	v1 =	vmin.u32 v1, $0xC350  }
0xc0: {  	[tilespmem:$0x18820] =	vst v1  }
0xc1: {  	v1 =	vld [tilespmem:s24+$0x1A8B0];
	_ =	sdelay $0x4  }
0xc2: {  	v1 =	vsub.s32 v1, v0  }
0xc3: {  	v1 =	vmin.u32 v1, $0xC350  }
0xc4: {  	[tilespmem:$0x18830] =	vst v1  }
0xc5: {  	v1 =	vld [tilespmem:s24+$0x1A8C0];
	_ =	sdelay $0x4  }
0xc6: {  	v1 =	vsub.s32 v1, v0  }
0xc7: {  	v1 =	vmin.u32 v1, $0xC350  }
0xc8: {  	[tilespmem:$0x18840] =	vst v1  }
0xc9: {  	v1 =	vld [tilespmem:s24+$0x1A8D0];
	_ =	sdelay $0x4  }
0xca: {  	v1 =	vsub.s32 v1, v0  }
0xcb: {  	v1 =	vmin.u32 v1, $0xC350  }
0xcc: {  	[tilespmem:$0x18850] =	vst v1  }
0xcd: {  	v1 =	vld [tilespmem:s24+$0x1A8E0];
	_ =	sdelay $0x4  }
0xce: {  	v1 =	vsub.s32 v1, v0  }
0xcf: {  	v1 =	vmin.u32 v1, $0xC350  }
0xd0: {  	[tilespmem:$0x18860] =	vst v1  }
0xd1: {  	v1 =	vld [tilespmem:s24+$0x1A8F0];
	_ =	sdelay $0x4  }
0xd2: {  	v1 =	vsub.s32 v1, v0  }
0xd3: {  	s25 =	rddreg [dreg:$0x5];
	v1 =	vmin.u32 v1, $0xC350  }
0xd4: {  	s28 =	sor.u32 $0x18880, s30;
	s26 =	rddreg [dreg:$0x4];
	[tilespmem:$0x18870] =	vst v1  }
0xd5: {  	[spmem:s2] =	stream.indirect.scatter.add.f32 [tilespmem:s28], [sflag:$0x5], $0x20, s26, s25, $0x2000b8;
	[tilespmem:$0x1A980] =	vst v63  }
0xd6: {  	_ =	swait.ge [sflag:s18], $0x1000  }
0xd7: {  	[sflag:s18] =	ssyncset.done $0x0  }
0xd8: {  	[sflag:s18] =	ssyncadd.s32 $0xFFFFF000  }
0xd9: {  	_ =	strace $0x90000057  }
0xda: {  	[bflag:$0x0] =	sbarrier.arrive $0xFFFF  }
0xdb: {  	s29 =	rddreg [dreg:$0xa]  }
0xdc: {  	s30 =	rddreg [dreg:$0xd]  }
0xdd: {  	[hbm:s29], [sflag:s16] =	dma.local [spmem:s30], $0x30D4  }
0xde: {  	_ =	swait.ge [sflag:s19], $0x30D4  }
0xdf: {  	s21 =	sadd.s32 $0x1, s21;
	s31 =	rddreg [dreg:$0xb]  }
0xe0: {  	p0 =	sne.s32 s21, s31  }
.Ltmp3:
0xe1: {  	_ = 	snop;
	(pc) =	sbr.rel @p0 .LBB2_1-.Ltmp3, $4  }
.Ltmp4:
0xe2: {  	_ = 	snop;
	(pc) =	sbr.rel @!p0 .LBB2_8-.Ltmp4, $4  }
0xe3: {  	_ = 	snop  }
0xe4: {  	[sflag:s19] =	ssyncset.done $0x0  }
0xe5: {  	[sflag:s19] =	ssyncadd.s32 $0xFFFFCF2C  }
0xe6: {  	_ = 	snop  }
.LBB2_2:
.Ltmp5:
0xe7: {  	(pc) =	sbr.rel .LBB2_7-.Ltmp5, $2  }
0xe8: {  	_ =	sdelay $0x2  }
0xe9: {  	_ = 	snop  }
.LBB2_4:
.Ltmp6:
0xea: {  	(pc) =	sbr.rel .LBB2_7-.Ltmp6, $2  }
0xeb: {  	_ =	sdelay $0x2  }
0xec: {  	s30 =	smov.u32 s16;
	s16 =	rddreg [dreg:$0x7]  }
.LBB2_8:
0xed: {  	_ =	sfence.sel $0x180000  }
0xee: {  	[bflag:$0x0] =	sbarrier.arrive $0xFFFF  }
0xef: {  	_ =	strace $0x90000051  }
0xf0: {  	s0 =	stileid.u32;
	[bflag:$0x2] =	sbarrier.arrive $0xFFFF  }
0xf1: {  	p0 =	sne.s32 s0, $0x0;
	s0 =	rddreg [dreg:$0x3]  }
0xf2: {  	s0 =	sadd.s32 @!p0 $0x100000, s0  }
0xf3: {  	[sflag:s0] =	ssyncadd.tile.s32 @!p0 $0x1;
	_ =	shalt  }
.Lfunc_end2:
_tile_overlayer_lowered:
.L_overlay_start_2:
0xf4: {  	(tag) =	ssettag $0x2  }
0xf5: {  	s0 =	rddreg [dreg:$0x0];
	s2 =	stileid.u32  }
0xf6: {  	s1 =	rddreg [dreg:$0x1];
	p0 =	sne.s32 s2, $0x0  }
0xf7: {  	s3 =	rddreg [dreg:$0x2];
	[bflag:$0x3] =	sbarrier.arrive $0xFFFF;
	s2 =	simm.s32 @!p0 $0x1C01  }
0xf8: {  	[timem:s3], [sflag:s2] =	dma.local @!p0 [hbm:s0], s1  }
0xf9: {  	s0 =	simm.s32 @!p0 $0x1  }
0xfa: {  	_ =	swait.ge @!p0 [sflag:s0], s1  }
0xfb: {  	s1 =	ssub.s32 @!p0 $0x0, s1;
	[sflag:s0] =	ssyncset.done @!p0 $0x0  }
0xfc: {  	[sflag:s0] =	ssyncadd.s32 @!p0 s1  }
0xfd: {  	[bflag:$0x3] =	sbarrier.arrive $0xFFFF  }
0xfe: {  	_ =	shalt  }

// kernel: sparse-core-data-format-call.cloned.1.call-start
scs
called_computation_lowered:
.L_overlay_start_0:
0x0: {  	s2 =	sld [smem:$0x3FD9]  }
0x1: {  	s3 =	sld [smem:$0x3FFE];
	_ =	sdelay $0x1  }
0x2: {  	s1 =	srdreg.scid  }
0x3: {  	s0 =	sand.u32 $0x1, s1  }
0x4: {  	s16 =	sshll.u32 s0, $0xA;
	s2 =	sadd.s32 s3, s2  }
0x5: {  	s2 =	sadd.s32 s2, s16  }
0x6: {  	[smem:$0x3FBD] =	sst s2  }
0x7: {  	_ = 	snop  }
0x8: {  	s2 =	sld [smem:$0x3FD0];
	_ =	sdelay $0x2  }
0x9: {  	s17 =	simm.s32 $0xB;
	s4 =	simm.s32 $0x10  }
0xa: {  	[smem:s4], [sflag:s17] =	dma.local [hbm:s2], $0x1  }
0xb: {  	_ =	swait.eq [sflag:s17], $0x1  }
0xc: {  	[sflag:s17] =	ssyncset.done $0x0  }
0xd: {  	[sflag:s17] =	ssyncadd.s32 $0xFFFFFFFF  }
0xe: {  	s18 =	sld [smem:$0x11];
	(tm) =	ssettm $0x1  }
0xf: {  	s19 =	sld [smem:$0x3FFB];
	_ =	sdelay $0x3  }
0x10: {  	_ =	strace s19  }
0x11: {  	s2 =	sld [smem:$0x3FFC];
	_ =	sdelay $0x3  }
0x12: {  	_ =	strace s2  }
0x13: {  	s2 =	sld [smem:$0x3FFD];
	_ =	sdelay $0x3  }
0x14: {  	_ =	strace s2  }
0x15: {  	_ =	strace $0x8FFFFFFF  }
0x16: {  	s20 =	sld [smem:$0x3FDB];
	_ =	sdelay $0x1  }
0x17: {  	s21 =	simm.s32 $_scs_section_size  }
0x18: {  	s5 =	simm.s32 $_size__tile_overlayer_lowered;
	s6 =	simm.s32 $_tile_overlayer_lowered  }
0x19: {  	s7 =	simm.s32 $0x1BFF;
	s22 =	sshll.u32 s6, $0x1;
	s4 =	sadd.s32 s21, s20  }
0x1a: {  	s23 =	simm.s32 $0x0;
	s5 =	sshll.u32 s5, $0x1;
	s6 =	sadd.s32 s22, s4  }
0x1b: {  	[timem:s23], [sflag:s7] =	dma.local [hbm:s6], s5  }
0x1c: {  	_ =	swait.ge [sflag:s7], s5  }
0x1d: {  	s5 =	ssub.s32 $0x0, s5;
	[sflag:s7] =	ssyncset.done $0x0  }
0x1e: {  	[sflag:s7] =	ssyncadd.s32 s5;
	_ =	sdelay $0x1  }
0x1f: {  	s24 =	simm.s32 $0x1B8B  }
0x20: {  	_ =	swait.ge [sflag:s24], $0x1  }
0x21: {  	[sflag:s24] =	ssyncset.done $0x0  }
0x22: {  	[sflag:s24] =	ssyncadd.s32 $0xFFFFFFFF  }
0x23: {  	s5 =	sld [smem:$0x0]  }
0x24: {  	s6 =	sand.u32 $0xFFFFFFFE, s1  }
0x25: {  	p0 =	sne.s32 s1, s6  }
0x26: {  	s6 =	sshll.u32 @p0 s6, $0xE  }
0x27: {  	s6 =	sadd.s32 @p0 $0x11B8D, s6;
	s7 =	sshll.u32 @p0 s5, $0x11  }
0x28: {  	s6 =	sor.u32 @p0 s7, s6  }
0x29: {  	[sflag:s6] =	ssyncadd.remote.s32 @p0 $0x1;
	_ =	sdelay $0x1  }
0x2a: {  	s6 =	simm.s32 @p0 $0x1B8D  }
0x2b: {  	_ =	swait.eq @p0 [sflag:s6], $0x1  }
0x2c: {  	[sflag:s6] =	ssyncadd.s32 @p0 $0xFFFFFFFF  }
0x2d: {  	s7 =	sshll.u32 @!p0 s1, $0xE  }
0x2e: {  	s7 =	sor.u32 @!p0 $0x4000, s7;
	s6 =	simm.s32 @!p0 $0x1B8D  }
0x2f: {  	s5 =	sshll.u32 @!p0 s5, $0x11;
	s7 =	sadd.s32 @!p0 $0x11B8D, s7;
	_ =	swait.eq @!p0 [sflag:s6], $0x1  }
0x30: {  	s5 =	sor.u32 @!p0 s5, s7;
	[sflag:s6] =	ssyncadd.s32 @!p0 $0xFFFFFFFF  }
0x31: {  	s26 =	simm.s32 $0x1B8E;
	s25 =	sld [smem:$0x3FFE];
	[sflag:s5] =	ssyncadd.remote.s32 @!p0 $0x1  }
0x32: {  	s27 =	simm.s32 $execute0_lowered;
	[smem:$0x3FD2] =	sst s26  }
0x33: {  	s6 =	sshll.u32 s27, $0x1;
	_ =	strace $0x80000059;
	[dreg:$0x1] =	wrdreg $0xFFFFFFFF  }
0x34: {  	s28 =	simm.s32 $_size_execute0_lowered;
	s4 =	sadd.s32 s4, s6;
	[dreg:$0x0] =	wrdreg $0x0  }
0x35: {  	s6 =	sshll.u32 s28, $0x1;
	[dreg:$0x2] =	wrdreg s4  }
0x36: {  	[dreg:$0x3] =	wrdreg s6  }
0x37: {  	[dreg:$0x4] =	wrdreg $0xC0  }
0x38: {  	_ =	task [dreg:s23], $0x5FFFF  }
0x39: {  	[dreg:$0x1] =	wrdreg $0xFFFFFFFF  }
0x3a: {  	[dreg:$0x0] =	wrdreg $0x60  }
0x3b: {  	[dreg:$0x2] =	wrdreg s25  }
0x3c: {  	[dreg:$0x3] =	wrdreg s18  }
0x3d: {  	[dreg:$0x4] =	wrdreg $0x9  }
0x3e: {  	_ =	task.clear_ibuf [dreg:s23], $0x5FFFF;
	_ =	strace $0x90000059  }
0x3f: {  	s29 =	simm.s32 $0x9;
	_ =	strace $0x8000005B  }
0x40: {  	_ =	swait.ge [sflag:s29], $0x1  }
0x41: {  	[sflag:s29] =	ssyncadd.s32 $0xFFFFFFFF  }
0x42: {  	_ =	strace $0x9000005B  }
0x43: {  	_ =	sfence  }
0x44: {  	s30 =	sld [smem:$0x0];
	_ =	sdelay $0x2  }
0x45: {  	s31 =	sshll.u32 s1, $0xD;
	s1 =	sshrl.u32 s1, $0x2  }
0x46: {  	s4 =	sand.u32 $0x4000, s31;
	s1 =	sadd.s32 s1, s30  }
0x47: {  	s0 =	sor.u32 s4, s0;
	s1 =	sshll.u32 s1, $0x11  }
0x48: {  	s0 =	sor.u32 s1, s0  }
0x49: {  	s0 =	sadd.s32 $0x8F2B, s0  }
0x4a: {  	[sflag:s0] =	ssyncadd.remote.s32 $0x1  }
0x4b: {  	_ =	sfence.sel $0xFFFF  }
0x4c: {  	[dreg:$0x0] =	wrdreg $0xFFFFFFFF;
	(pc) =	sbr.abs _section_cstart, $3  }
0x4d: {  	[dreg:$0x1] =	wrdreg $0xFFFFFFFF  }
0x4e: {  	_ =	task.clear_ibuf [dreg:s23], $0x2FFFF;
	_ =	strace $0x9FFFFFFF  }
0x4f: {  	(tm) =	ssettm $0x7FFFFFFF  }
tec
execute0_lowered:
.L_overlay_start_1:
0x0: {  	(tag) =	ssettag $0x1  }
0x1: {  	s0 =	srdreg.scid  }
0x2: {  	s1 =	sshll.u32 s0, $0x4  }
0x3: {  	s6 =	rddreg [dreg:$0x0];
	s0 =	stileid.u32;
	s1 =	sand.u32 $0x10, s1  }
0x4: {  	s3 =	rddreg [dreg:$0x1];
	s1 =	sor.u32 s0, s1  }
0x5: {  	s7 =	simm.s32 $0x1;
	s8 =	simm.s32 $0x2;
	s2 =	sshll.u32 s1, $0x7  }
0x6: {  	s10 =	simm.s32 $0x0;
	s9 =	simm.s32 $0x0;
	s5 =	ssub.s32 $0x186A00, s2  }
.Ltmp0:
0x7: {  	s6 =	sadd.s32 $0x189EA00, s6;
	s4 =	sand.u32 $0xF80, s5;
	(pc) =	sbr.rel .LBB1_1-.Ltmp0, $4  }
0x8: {  	s1 =	rddreg [dreg:$0x2];
	_ =	strace $0x8000005A;
	p0 =	sne.s32 s4, $0x0  }
0x9: {  	s5 =	sshrl.u32 s5, $0xC;
	s4 =	simm.s32 $0x1;
	s7 =	simm.s32 @!p0 $0x0  }
0xa: {  	[sflag:s4] =	ssyncpa.u1 $0x0;
	p0 =	por $0x0, $0x0;
	s5 =	sadd.s32 s7, s5  }
0xb: {  	[sflag:s8] =	ssyncpa.u1 $0x0;
	s8 =	smov.u32 s2;
	s7 =	sadd.s32 $0x1, s5  }
.LBB1_4:
0xc: {  	[tilespmem:s20+$0xFFFFFFFA ss:$0x81] =	vst.msk $0xff, v4  }
0xd: {  	v4 =	vld.msk [tilespmem:s21+$0xFFFFFFF0], $0xff;
	_ =	sdelay $0x3  }
0xe: {  	[tilespmem:s18+$0xFFFFFFFB ss:$0x81] =	vst.msk $0xff, v3  }
0xf: {  	v3 =	vld.msk [tilespmem:s19+$0xFFFFFFF8], $0xff;
	[tilespmem:s20+$0xFFFFFFFB ss:$0x81] =	vst.msk $0xff, v4  }
0x10: {  	v4 =	vld.msk [tilespmem:s21+$0xFFFFFFF8], $0xff;
	_ =	sdelay $0x3  }
0x11: {  	v5 =	vld.msk [tilespmem:s17+$0x0], $0xff;
	[tilespmem:s18+$0xFFFFFFFC ss:$0x81] =	vst.msk $0xff, v3  }
0x12: {  	v3 =	vld.msk [tilespmem:s19+$0x0], $0xff;
	[tilespmem:s20+$0xFFFFFFFC ss:$0x81] =	vst.msk $0xff, v4  }
0x13: {  	v4 =	vld.msk [tilespmem:s21+$0x0], $0xff;
	_ =	sdelay $0x2  }
0x14: {  	[tilespmem:s16+$0xFFFFFFFD ss:$0x81] =	vst.msk $0xff, v5  }
0x15: {  	v5 =	vld.msk [tilespmem:s17+$0x8], $0xff;
	[tilespmem:s18+$0xFFFFFFFD ss:$0x81] =	vst.msk $0xff, v3  }
0x16: {  	v3 =	vld.msk [tilespmem:s19+$0x8], $0xff;
	[tilespmem:s20+$0xFFFFFFFD ss:$0x81] =	vst.msk $0xff, v4  }
0x17: {  	v4 =	vld.msk [tilespmem:s21+$0x8], $0xff;
	_ =	sdelay $0x1  }
0x18: {  	[tilespmem:s13+$0xFFFFFFFE ss:$0x81] =	vst.msk $0xff, v2  }
0x19: {  	v2 =	vld.msk [tilespmem:s15+$0x10], $0xff;
	[tilespmem:s16+$0xFFFFFFFE ss:$0x81] =	vst.msk $0xff, v5  }
0x1a: {  	v5 =	vld.msk [tilespmem:s17+$0x10], $0xff;
	[tilespmem:s18+$0xFFFFFFFE ss:$0x81] =	vst.msk $0xff, v3  }
0x1b: {  	v3 =	vld.msk [tilespmem:s19+$0x10], $0xff;
	[tilespmem:s20+$0xFFFFFFFE ss:$0x81] =	vst.msk $0xff, v4  }
0x1c: {  	s23 =	sshll.u32 s10, $0x3;
	v4 =	vld.msk [tilespmem:s21+$0x10], $0xff  }
0x1d: {  	[tilespmem:s12+$0xFFFFFFFF ss:$0x81] =	vst.msk $0xff, v1;
	s23 =	sand.u32 $0xFFFFFC00, s23  }
0x1e: {  	v1 =	vld.msk [tilespmem:s14+$0x18], $0xff;
	s27 =	sshrl.u32 s23, $0x9;
	[tilespmem:s13+$0xFFFFFFFF ss:$0x81] =	vst.msk $0xff, v2  }
0x1f: {  	s14 =	smulhi.u32 $0xA7C5AD, s27;
	v2 =	vld.msk [tilespmem:s15+$0x18], $0xff;
	[tilespmem:s16+$0xFFFFFFFF ss:$0x81] =	vst.msk $0xff, v5  }
0x20: {  	v61 =	vld.msk [tilespmem:s17+$0x18], $0xff;
	[tilespmem:s18+$0xFFFFFFFF ss:$0x81] =	vst.msk $0xff, v3  }
0x21: {  	s14 =	sshrl.u32 s14, $0x3;
	v62 =	vld.msk [tilespmem:s19+$0x18], $0xff;
	[tilespmem:s20+$0xFFFFFFFF ss:$0x81] =	vst.msk $0xff, v4  }
0x22: {  	[tilespmem:s11+$0x0 ss:$0x81] =	vst.msk $0xff, v0;
	s28 =	sand.u32 $0x7F, s10;
	s29 =	smul.u32 $0x186A00, s14;
	v63 =	vld.msk [tilespmem:s21+$0x18], $0xff  }
0x23: {  	s10 =	sor.u32 s28, s23;
	[tilespmem:s12+$0x0 ss:$0x81] =	vst.msk $0xff, v1  }
0x24: {  	s30 =	sand.u32 $0x7, s14;
	s10 =	ssub.s32 s10, s29;
	[tilespmem:s13+$0x0 ss:$0x81] =	vst.msk $0xff, v2  }
0x25: {  	s11 =	smul.u32 $0x30D40, s30;
	s31 =	sshrl.u32 s10, $0x3;
	[tilespmem:s16+$0x0 ss:$0x81] =	vst.msk $0xff, v61  }
0x26: {  	s12 =	sadd.s32 s3, s31;
	[tilespmem:s18+$0x0 ss:$0x81] =	vst.msk $0xff, v62  }
0x27: {  	s10 =	sand.u32 $0x7, s10;
	s11 =	sadd.s32 s11, s12;
	[tilespmem:s20+$0x0 ss:$0x81] =	vst.msk $0xff, v63  }
0x28: {  	[hbm4b:s11+s10] =	stream.linear.scatter [tilespmem:s22], [sflag:$0x2], $0x400, $0x20;
	[tilespmem:$0x1010] =	vst v63  }
.LBB1_5:
0x29: {  	s12 =	sadd.s32 $0x1000, s8  }
0x2a: {  	p2 =	sgt.s32 s12, $0x1869FF  }
0x2b: {  	s12 =	smov.u32 @p2 s2;
	p2 =	sne.s32 s9, s7  }
.Ltmp1:
0x2c: {  	p1 =	slt.u32 s9, $0x2;
	(pc) =	sbr.rel @!p2 .LBB1_6-.Ltmp1, $4  }
0x2d: {  	s11 =	simm.s32 @!p1 $0x2  }
0x2e: {  	s13 =	sadd.s32 $0x1, s9;
	_ =	swait.ge @!p1 [sflag:s11], $0x400  }
0x2f: {  	s10 =	smov.u32 s8;
	p0 =	por !p0, !p0;
	[sflag:s11] =	ssyncset.done @!p1 $0x0  }
0x30: {  	s9 =	smov.u32 s13;
	s8 =	smov.u32 s12;
	[sflag:s11] =	ssyncadd.s32 @!p1 $0xFFFFFC00  }
.LBB1_1:
0x31: {  	p1 =	sge.u32 s9, s5  }
0x32: {  	s11 =	sand.u32 @!p1 $0x1FFFFFF, s8  }
0x33: {  	s12 =	smulhi.u32 @!p1 $0x14F8B59, s11;
	_ =	sdelay $0x1  }
0x34: {  	s12 =	sshrl.u32 @!p1 s12, $0xD  }
0x35: {  	s12 =	smul.u32 @!p1 $0x186A00, s12;
	_ =	sdelay $0x1  }
0x36: {  	s31 =	sadd.s32 $0xFFFFFFFF, s9;
	s13 =	sxor.u32 @!p1 $0xFFFFFFFF, s9;
	s11 =	ssub.s32 @!p1 s11, s12  }
0x37: {  	s14 =	simm.s32 @!p1 $0x80;
	s13 =	sshll.u32 @!p1 s13, $0xA;
	s11 =	sshll.u32 @!p1 s11, $0x4  }
0x38: {  	s12 =	sand.u32 @!p1 $0x400, s13;
	s13 =	simm.s32 @!p1 $0x8;
	s11 =	sadd.s32 @!p1 s6, s11  }
0x39: {  	[tilespmem:s12], [sflag:$0x1] =	stream.strided.gather @!p1 [hbm4b:s11+s13], $0x400, s14, s13, $0x38;
	[tilespmem:$0x1010] =	vst v63  }
0x3a: {  	p1 =	sge.u32 s31, s5  }
.Ltmp2:
0x3b: {  	_ = 	snop;
	(pc) =	sbr.rel @p1 .LBB1_5-.Ltmp2, $1  }
0x3c: {  	_ =	sdelay $0x3  }
0x3d: {  	s11 =	simm.s32 $0x1  }
0x3e: {  	_ =	swait.ge [sflag:s4], $0x400;
	s11 =	simm.s32 @!p0 $0x0  }
0x3f: {  	[sflag:s4] =	ssyncset.done $0x0;
	s12 =	sshll.u32 s11, $0xA  }
0x40: {  	[sflag:s4] =	ssyncadd.s32 $0xFFFFFC00;
	s20 =	sor.u32 $0x20, s12  }
0x41: {  	v0 =	vld.msk [tilespmem:s20+$0xFFFFFFE0], $0xff  }
0x42: {  	s11 =	smul.u32 $0x1020, s11;
	_ =	sdelay $0x1  }
0x43: {  	s11 =	sshrl.u32 s11, $0x2  }
0x44: {  	s11 =	sor.u32 $0x807, s11  }
0x45: {  	[tilespmem:s11+$0xFFFFFFF9 ss:$0x81] =	vst.msk $0xff, v0  }
0x46: {  	v0 =	vld.msk [tilespmem:s20+$0xFFFFFFE8], $0xff  }
0x47: {  	s14 =	sadd.s32 $0x40, s20  }
0x48: {  	v1 =	vld.msk [tilespmem:s14+$0xFFFFFFE0], $0xff;
	_ =	sdelay $0x2  }
0x49: {  	[tilespmem:s11+$0xFFFFFFFA ss:$0x81] =	vst.msk $0xff, v0  }
0x4a: {  	s12 =	sadd.s32 $0x8, s11;
	v0 =	vld.msk [tilespmem:s20+$0xFFFFFFF0], $0xff  }
0x4b: {  	[tilespmem:s12+$0xFFFFFFF9 ss:$0x81] =	vst.msk $0xff, v1  }
0x4c: {  	v1 =	vld.msk [tilespmem:s14+$0xFFFFFFE8], $0xff  }
0x4d: {  	s15 =	sadd.s32 $0x40, s14  }
0x4e: {  	v2 =	vld.msk [tilespmem:s15+$0xFFFFFFE0], $0xff  }
0x4f: {  	[tilespmem:s11+$0xFFFFFFFB ss:$0x81] =	vst.msk $0xff, v0  }
0x50: {  	v0 =	vld.msk [tilespmem:s20+$0xFFFFFFF8], $0xff  }
0x51: {  	[tilespmem:s12+$0xFFFFFFFA ss:$0x81] =	vst.msk $0xff, v1  }
0x52: {  	s13 =	sadd.s32 $0x8, s12;
	v1 =	vld.msk [tilespmem:s14+$0xFFFFFFF0], $0xff  }
0x53: {  	[tilespmem:s13+$0xFFFFFFF9 ss:$0x81] =	vst.msk $0xff, v2  }
0x54: {  	s17 =	sadd.s32 $0x40, s15;
	v2 =	vld.msk [tilespmem:s15+$0xFFFFFFE8], $0xff  }
0x55: {  	[tilespmem:s11+$0xFFFFFFFC ss:$0x81] =	vst.msk $0xff, v0;
	v0 =	vld.msk [tilespmem:s17+$0xFFFFFFE0], $0xff  }
0x56: {  	v3 =	vld.msk [tilespmem:s20+$0x0], $0xff  }
0x57: {  	[tilespmem:s12+$0xFFFFFFFB ss:$0x81] =	vst.msk $0xff, v1  }
0x58: {  	v1 =	vld.msk [tilespmem:s14+$0xFFFFFFF8], $0xff  }
0x59: {  	s16 =	sadd.s32 $0x8, s13;
	[tilespmem:s13+$0xFFFFFFFA ss:$0x81] =	vst.msk $0xff, v2  }
0x5a: {  	v2 =	vld.msk [tilespmem:s15+$0xFFFFFFF0], $0xff;
	[tilespmem:s16+$0xFFFFFFF9 ss:$0x81] =	vst.msk $0xff, v0  }
0x5b: {  	v0 =	vld.msk [tilespmem:s17+$0xFFFFFFE8], $0xff;
	[tilespmem:s11+$0xFFFFFFFD ss:$0x81] =	vst.msk $0xff, v3  }
0x5c: {  	s19 =	sadd.s32 $0x40, s17;
	v3 =	vld.msk [tilespmem:s20+$0x8], $0xff  }
0x5d: {  	[tilespmem:s12+$0xFFFFFFFC ss:$0x81] =	vst.msk $0xff, v1;
	v1 =	vld.msk [tilespmem:s19+$0xFFFFFFE0], $0xff  }
0x5e: {  	v4 =	vld.msk [tilespmem:s14+$0x0], $0xff  }
0x5f: {  	[tilespmem:s13+$0xFFFFFFFB ss:$0x81] =	vst.msk $0xff, v2  }
0x60: {  	v2 =	vld.msk [tilespmem:s15+$0xFFFFFFF8], $0xff;
	[tilespmem:s16+$0xFFFFFFFA ss:$0x81] =	vst.msk $0xff, v0  }
0x61: {  	s18 =	sadd.s32 $0x8, s16;
	v0 =	vld.msk [tilespmem:s17+$0xFFFFFFF0], $0xff;
	[tilespmem:s11+$0xFFFFFFFE ss:$0x81] =	vst.msk $0xff, v3  }
0x62: {  	[tilespmem:s18+$0xFFFFFFF9 ss:$0x81] =	vst.msk $0xff, v1;
	v1 =	vld.msk [tilespmem:s20+$0x10], $0xff  }
0x63: {  	[tilespmem:s12+$0xFFFFFFFD ss:$0x81] =	vst.msk $0xff, v4;
	v3 =	vld.msk [tilespmem:s19+$0xFFFFFFE8], $0xff  }
0x64: {  	s21 =	sadd.s32 $0x40, s19;
	v4 =	vld.msk [tilespmem:s14+$0x8], $0xff  }
0x65: {  	[tilespmem:s13+$0xFFFFFFFC ss:$0x81] =	vst.msk $0xff, v2;
	v2 =	vld.msk [tilespmem:s21+$0xFFFFFFE0], $0xff  }
0x66: {  	v5 =	vld.msk [tilespmem:s15+$0x0], $0xff;
	[tilespmem:s16+$0xFFFFFFFB ss:$0x81] =	vst.msk $0xff, v0  }
0x67: {  	v6 =	vld.msk [tilespmem:s17+$0xFFFFFFF8], $0xff;
	[tilespmem:s11+$0xFFFFFFFF ss:$0x81] =	vst.msk $0xff, v1  }
0x68: {  	s22 =	sand.u32 $0x1, s9;
	[tilespmem:s18+$0xFFFFFFFA ss:$0x81] =	vst.msk $0xff, v3;
	v0 =	vld.msk [tilespmem:s20+$0x18], $0xff  }
0x69: {  	s22 =	smul.u32 $0x1020, s22;
	[tilespmem:s12+$0xFFFFFFFE ss:$0x81] =	vst.msk $0xff, v4;
	v3 =	vld.msk [tilespmem:s19+$0xFFFFFFF0], $0xff;
	s20 =	sadd.s32 $0x8, s18  }
0x6a: {  	v1 =	vld.msk [tilespmem:s14+$0x10], $0xff;
	[tilespmem:s20+$0xFFFFFFF9 ss:$0x81] =	vst.msk $0xff, v2  }
0x6b: {  	s22 =	sshrl.u32 s22, $0x2;
	[tilespmem:s13+$0xFFFFFFFD ss:$0x81] =	vst.msk $0xff, v5;
	v4 =	vld.msk [tilespmem:s21+$0xFFFFFFE8], $0xff  }
0x6c: {  	s23 =	simm.s32 $0x28;
	s22 =	sor.u32 $0x800, s22;
	s24 =	sadd.s32 $0x40, s21;
	v2 =	vld.msk [tilespmem:s15+$0x8], $0xff;
	[tilespmem:s16+$0xFFFFFFFC ss:$0x81] =	vst.msk $0xff, v6  }
.LBB1_3:
0x6d: {  	v5 =	vld.msk [tilespmem:s24+$0xFFFFFFE0], $0xff;
	[tilespmem:s11+$0x0 ss:$0x81] =	vst.msk $0xff, v0;
	s11 =	smov.u32 s12;
	s12 =	smov.u32 s13;
	s13 =	smov.u32 s16  }
0x6e: {  	s23 =	sadd.s32 $0x8, s23;
	s16 =	smov.u32 s18;
	[tilespmem:s18+$0xFFFFFFFB ss:$0x81] =	vst.msk $0xff, v3;
	v6 =	vld.msk [tilespmem:s17+$0x0], $0xff;
	s18 =	smov.u32 s20  }
0x6f: {  	p1 =	slt.u32 s23, $0x78;
	v7 =	vld.msk [tilespmem:s19+$0xFFFFFFF8], $0xff;
	[tilespmem:s11+$0xFFFFFFFF ss:$0x81] =	vst.msk $0xff, v1  }
.Ltmp3:
0x70: {  	[tilespmem:s20+$0xFFFFFFFA ss:$0x81] =	vst.msk $0xff, v4;
	v0 =	vld.msk [tilespmem:s14+$0x18], $0xff;
	s14 =	smov.u32 s15;
	s15 =	smov.u32 s17;
	(pc) =	sbr.rel @p1 .LBB1_3-.Ltmp3, $4  }
0x71: {  	s20 =	sadd.s32 $0x8, s20;
	s17 =	smov.u32 s19;
	s19 =	smov.u32 s21;
	v3 =	vld.msk [tilespmem:s21+$0xFFFFFFF0], $0xff;
	[tilespmem:s12+$0xFFFFFFFE ss:$0x81] =	vst.msk $0xff, v2  }
0x72: {  	s21 =	smov.u32 s24;
	[tilespmem:s20+$0xFFFFFFF9 ss:$0x81] =	vst.msk $0xff, v5;
	v1 =	vld.msk [tilespmem:s14+$0x10], $0xff  }
0x73: {  	v4 =	vld.msk [tilespmem:s24+$0xFFFFFFE8], $0xff;
	[tilespmem:s13+$0xFFFFFFFD ss:$0x81] =	vst.msk $0xff, v6  }
0x74: {  	s24 =	sadd.s32 $0x40, s24;
	[tilespmem:s16+$0xFFFFFFFC ss:$0x81] =	vst.msk $0xff, v7;
	v2 =	vld.msk [tilespmem:s15+$0x8], $0xff  }
.Ltmp4:
0x75: {  	_ = 	snop;
	(pc) =	sbr.rel .LBB1_4-.Ltmp4, $1  }
0x76: {  	_ =	sdelay $0x3  }
.LBB1_6:
0x77: {  	_ =	sfence.sel $0x180000  }
0x78: {  	s2 =	simm.s32 $0x1;
	[bflag:$0x0] =	sbarrier.arrive $0xFFFF  }
0x79: {  	s31 =	simm.s32 $0x2;
	[sflag:s2] =	ssyncpa.u1 $0x1  }
0x7a: {  	[sflag:s31] =	ssyncpa.u1 $0x1  }
0x7b: {  	p0 =	sne.s32 s0, $0x0;
	_ =	strace $0x9000005A  }
0x7c: {  	s0 =	sadd.s32 @!p0 $0x100000, s1;
	[bflag:$0x2] =	sbarrier.arrive $0xFFFF  }
0x7d: {  	[sflag:s0] =	ssyncadd.tile.s32 @!p0 $0x1;
	_ =	shalt  }
.Lfunc_end1:
_tile_overlayer_lowered:
.L_overlay_start_2:
0x7e: {  	(tag) =	ssettag $0x2  }
0x7f: {  	s0 =	rddreg [dreg:$0x0];
	s2 =	stileid.u32  }
0x80: {  	s1 =	rddreg [dreg:$0x1];
	p0 =	sne.s32 s2, $0x0  }
0x81: {  	s3 =	rddreg [dreg:$0x2];
	[bflag:$0x3] =	sbarrier.arrive $0xFFFF;
	s2 =	simm.s32 @!p0 $0x1C01  }
0x82: {  	[timem:s3], [sflag:s2] =	dma.local @!p0 [hbm:s0], s1  }
0x83: {  	s0 =	simm.s32 @!p0 $0x1  }
0x84: {  	_ =	swait.ge @!p0 [sflag:s0], s1  }
0x85: {  	s1 =	ssub.s32 @!p0 $0x0, s1;
	[sflag:s0] =	ssyncset.done @!p0 $0x0  }
0x86: {  	[sflag:s0] =	ssyncadd.s32 @!p0 s1  }
0x87: {  	[bflag:$0x3] =	sbarrier.arrive $0xFFFF  }
0x88: {  	_ =	shalt  }

</sc_bundles>
